<compile_context>
chip_gen: v7x
topology: tpu7x:2x2x1
jax: 0.10.2.dev20260603
libtpu: 0.0.44.dev20260713+nightly
codegen_flags: <defaults>
</compile_context>

<pallas_src>
import functools
import numpy as np
import jax
import jax.numpy as jnp
from jax import lax
from jax.experimental import pallas as pl
from jax.experimental.pallas import tpu as pltpu
from jax.experimental.pallas import tpu_sc as plsc

VOCAB_SIZE = 1000000
EMBED_DIM = 32
BATCH = 4096
SEQ_LEN = 200
MAX_WAVELENGTH = 10000.0

ROWS = BATCH * SEQ_LEN
NC, NS = 2, 16
NW = NC * NS
ROWS_PER_W = ROWS // NW
SUB = 100
NSUB = 8
CHUNK = SUB * NSUB
NCHUNK = ROWS_PER_W // CHUNK
NT = NCHUNK // 2


def _pos_encoding_np():
    positions = np.arange(SEQ_LEN, dtype=np.float32)
    idx = np.arange(EMBED_DIM)
    min_freq = 1.0 / MAX_WAVELENGTH
    timescales = np.power(
        min_freq, (2.0 * (idx // 2).astype(np.float32)) / float(EMBED_DIM)
    ).astype(np.float32)
    angles = positions[:, None] * timescales[None, :]
    enc = np.where((idx % 2) == 0, np.sin(angles), np.cos(angles))
    return enc.astype(np.float32)


_POS_TMPL = np.tile(_pos_encoding_np(), (CHUNK // SEQ_LEN, 1)).astype(np.float32)


def _body(
    table, idx_hbm, pos_hbm, out, idx_v, rows_v, tmpl_v, sem_in, sem_g, sem_out, sem_idx
):
    cid = lax.axis_index("c")
    sid = lax.axis_index("s")
    wid = sid * NC + cid

    @pl.when(sid == 0)
    def _():
        pltpu.sync_copy(pos_hbm, tmpl_v)

    plsc.subcore_barrier()

    pltpu.sync_copy(idx_hbm.at[wid, pl.ds(0, 2)], idx_v.at[pl.ds(0, 2)])
    pltpu.async_copy(
        idx_hbm.at[wid, pl.ds(2, NCHUNK - 2)], idx_v.at[pl.ds(2, NCHUNK - 2)], sem_idx
    )

    def pre(b):
        pltpu.async_copy(tmpl_v, rows_v.at[b], sem_in.at[b])

    def wait_pre(b):
        pltpu.make_async_copy(tmpl_v, rows_v.at[b], sem_in.at[b]).wait()

    def fire_gathers(c, b):
        for k in range(NSUB):
            pltpu.async_copy(
                table.at[idx_v.at[c, k]],
                rows_v.at[b, pl.ds(k * SUB, SUB)],
                sem_g.at[b],
                add=True,
            )

    def wait_gathers(c, b):
        for k in range(NSUB):
            pltpu.make_async_copy(
                table.at[idx_v.at[c, k]],
                rows_v.at[b, pl.ds(k * SUB, SUB)],
                sem_g.at[b],
            ).wait()

    def start_out(c, b):
        pltpu.async_copy(
            rows_v.at[b],
            out.at[pl.ds((wid * NCHUNK + c) * CHUNK, CHUNK)],
            sem_out.at[b],
        )

    def wait_out(c, b):
        pltpu.make_async_copy(
            rows_v.at[b],
            out.at[pl.ds((wid * NCHUNK + c) * CHUNK, CHUNK)],
            sem_out.at[b],
        ).wait()

    pre(0)
    wait_pre(0)
    fire_gathers(0, 0)
    pre(1)
    pltpu.make_async_copy(
        idx_hbm.at[wid, pl.ds(2, NCHUNK - 2)], idx_v.at[pl.ds(2, NCHUNK - 2)], sem_idx
    ).wait()

    def pair_body(t, carry):
        c0 = 2 * t
        c1 = 2 * t + 1
        wait_gathers(c0, 0)
        start_out(c0, 0)
        wait_pre(1)
        fire_gathers(c1, 1)
        wait_out(c0, 0)
        pre(0)
        wait_gathers(c1, 1)
        start_out(c1, 1)
        wait_pre(0)
        fire_gathers(c0 + 2, 0)
        wait_out(c1, 1)
        pre(1)
        return carry

    lax.fori_loop(0, NT - 1, pair_body, 0)

    c0 = NCHUNK - 2
    c1 = NCHUNK - 1
    wait_gathers(c0, 0)
    start_out(c0, 0)
    wait_pre(1)
    fire_gathers(c1, 1)
    wait_out(c0, 0)
    wait_gathers(c1, 1)
    start_out(c1, 1)
    wait_out(c1, 1)


@functools.partial(jax.jit, donate_argnums=())
def _emb(table, idx4, pos_tmpl):
    mesh = plsc.VectorSubcoreMesh(core_axis_name="c", subcore_axis_name="s")
    run = pl.kernel(
        _body,
        mesh=mesh,
        compiler_params=pltpu.CompilerParams(use_tc_tiling_on_sc=False),
        out_type=jax.ShapeDtypeStruct((ROWS, EMBED_DIM), jnp.float32),
        scratch_types=[
            pltpu.VMEM((NCHUNK, NSUB, SUB), jnp.int32),
            pltpu.VMEM((2, CHUNK, EMBED_DIM), jnp.float32),
            pltpu.VMEM_SHARED((CHUNK, EMBED_DIM), jnp.float32),
            pltpu.SemaphoreType.DMA((2,)),
            pltpu.SemaphoreType.DMA((2,)),
            pltpu.SemaphoreType.DMA((2,)),
            pltpu.SemaphoreType.DMA,
        ],
    )
    return run(table, idx4, pos_tmpl)


def kernel(token_emb, x):
    idx4 = x.astype(jnp.int32).reshape(NW, NCHUNK, NSUB, SUB)
    out = _emb(token_emb, idx4, _POS_TMPL)
    return out.reshape(BATCH, SEQ_LEN, EMBED_DIM)

# --- scband reference (transcript-rebuilt; emitter-appended) ---
"""Pipeline reference for scband-token-and-position-embedding-18296560680961 (READ-ONLY COPY).

The authoritative reference and input builder live on the scoring server;
editing this copy changes nothing except your own understanding.
"""

import jax, jax.numpy as jnp
import numpy as np

VOCAB_SIZE = 1000000
EMBED_DIM = 32
BATCH = 4096
SEQ_LEN = 200
MAX_WAVELENGTH = 10000.0


def setup_inputs(seed: int = 0) -> dict:
    key = jax.random.key(seed)
    k1, k2 = jax.random.split(key)
    x = jax.random.randint(k1, (BATCH, SEQ_LEN), 0, VOCAB_SIZE, dtype=jnp.int64 if jax.config.read('jax_enable_x64') else jnp.int32)
    # he_uniform over fan_in = vocab_size rows -> keras he_uniform uses fan_in of the weight;
    # faithful enough: uniform(-limit, limit) with limit = sqrt(6 / fan_in), fan_in = VOCAB_SIZE
    limit = float(np.sqrt(6.0 / VOCAB_SIZE))
    token_emb = jax.random.uniform(k2, (VOCAB_SIZE, EMBED_DIM), minval=-limit, maxval=limit, dtype=jnp.float32)
    return {"token_emb": token_emb, "x": x}


def _sine_position_encoding(seq_len, hidden_size):
    positions = jnp.arange(seq_len, dtype=jnp.float32)
    idx = jnp.arange(hidden_size)
    min_freq = 1.0 / MAX_WAVELENGTH
    timescales = jnp.power(min_freq, (2.0 * (idx // 2).astype(jnp.float32)) / float(hidden_size))
    angles = positions[:, None] * timescales[None, :]
    sin_mask = (idx % 2) == 0
    enc = jnp.where(sin_mask[None, :], jnp.sin(angles), jnp.cos(angles))
    return enc  # [seq_len, hidden_size]


def reference(token_emb, x):
    # Token embedding: gather rows from the table (SparseCore-friendly gather)
    embedding = jnp.take(token_emb, x, axis=0)  # [B, L, D]
    # Sinusoidal position encoding computed from the embedding's shape
    pos = _sine_position_encoding(embedding.shape[1], embedding.shape[2])  # [L, D]
    return embedding + pos[None, :, :]

if __name__ == "__main__":
    import jax
    _d = setup_inputs()
    print(jax.jit(kernel)(*tuple(_d.values())))

</pallas_src>

<mosaic_0001>
#map = affine_map<(d0, d1) -> (0, 0)>
#map1 = affine_map<(d0, d1) -> (0, 0, 0, 0)>
module attributes {stable_mosaic.version = 14 : i64} {
  func.func @_body(%arg0: i32, %arg1: i32, %arg2: memref<1000000x32xf32, #tpu.memory_space<hbm>>, %arg3: memref<32x32x8x100xi32, #tpu.memory_space<hbm>>, %arg4: memref<800x32xf32, #tpu.memory_space<hbm>>, %arg5: memref<819200x32xf32, #tpu.memory_space<hbm>>, %arg6: memref<32x8x100xi32, #tpu.memory_space<vmem>>, %arg7: memref<2x800x32xf32, #tpu.memory_space<vmem>>, %arg8: memref<800x32xf32, #tpu.memory_space<vmem_shared>>, %arg9: memref<2x!tpu.dma_semaphore, #tpu.memory_space<semaphore_mem>>, %arg10: memref<2x!tpu.dma_semaphore, #tpu.memory_space<semaphore_mem>>, %arg11: memref<2x!tpu.dma_semaphore, #tpu.memory_space<semaphore_mem>>, %arg12: memref<!tpu.dma_semaphore, #tpu.memory_space<semaphore_mem>>) attributes {dimension_semantics = [#tpu.dimension_semantics<core_parallel>, #tpu.dimension_semantics<subcore_parallel>], iteration_bounds = array<i64: 2, 16>, scalar_prefetch = 0 : i64, scratch_operands = 7 : i64, tpu.core_type = #tpu.core_type<sc_vector_subcore>, window_params = [{transform_indices = #map}, {transform_indices = #map1}, {transform_indices = #map}, {transform_indices = #map}]} {
    %mul3A = arith.constant 2 : i32
    %mul3A_0 = arith.muli %arg1, %mul3A : i32
    %add3A = arith.addi %mul3A_0, %arg0 : i32
    %eq3A = arith.constant 0 : i32
    %eq3A_1 = arith.cmpi eq, %arg1, %eq3A : i32
    %convert_element_type3A = arith.extui %eq3A_1 : i1 to i32
    %cond3A = arith.constant 0 : i32
    %cond3A_2 = arith.cmpi ne, %convert_element_type3A, %cond3A : i32
    scf.if %cond3A_2 {
      "tpu.region"() ({
        %run_scoped3A = tpu.sem_alloc : memref<!tpu.dma_semaphore, #tpu.memory_space<semaphore_mem>>
        tpu.enqueue_dma source(%arg4 : memref<800x32xf32, #tpu.memory_space<hbm>>) target(%arg8 : memref<800x32xf32, #tpu.memory_space<vmem_shared>>) target_semaphore(%run_scoped3A : memref<!tpu.dma_semaphore, #tpu.memory_space<semaphore_mem>>)
        tpu.wait_dma2 semaphore(%run_scoped3A : memref<!tpu.dma_semaphore, #tpu.memory_space<semaphore_mem>>) src(%arg4 : memref<800x32xf32, #tpu.memory_space<hbm>>) dst(%arg8 : memref<800x32xf32, #tpu.memory_space<vmem_shared>>)
        tpu.yield
      }) : () -> ()
    } else {
    }
    %barrier3A = arith.constant 0 : index
    tpu.barrier barrier_id(%barrier3A)
    "tpu.region"() ({
      %run_scoped3A = tpu.sem_alloc : memref<!tpu.dma_semaphore, #tpu.memory_space<semaphore_mem>>
      %dma_start3A_690 = arith.constant 0 : i32
      %dma_start3A_691 = arith.constant 0 : i32
      %dma_start3A_692 = arith.constant 0 : i32
      %dma_start3A_693 = tpu.memref_slice %arg6[%dma_start3A_690, %dma_start3A_691, %dma_start3A_692] : memref<32x8x100xi32, #tpu.memory_space<vmem>> -> memref<2x8x100xi32, #tpu.memory_space<vmem>>
      %dma_start3A_694 = arith.constant 0 : i32
      %dma_start3A_695 = arith.constant 0 : i32
      %dma_start3A_696 = arith.constant 0 : i32
      %dma_start3A_697 = tpu.memref_slice %arg3[%add3A, %dma_start3A_694, %dma_start3A_695, %dma_start3A_696] : memref<32x32x8x100xi32, #tpu.memory_space<hbm>> -> memref<1x2x8x100xi32, #tpu.memory_space<hbm>>
      %dma_start3A_698 = tpu.memref_squeeze %dma_start3A_697 : memref<1x2x8x100xi32, #tpu.memory_space<hbm>> -> memref<2x8x100xi32, #tpu.memory_space<hbm>>
      %dma_start3A_699 = arith.constant 0 : i32
      %dma_start3A_700 = arith.constant 0 : i32
      %dma_start3A_701 = arith.constant 0 : i32
      %dma_start3A_702 = tpu.memref_slice %arg6[%dma_start3A_699, %dma_start3A_700, %dma_start3A_701] : memref<32x8x100xi32, #tpu.memory_space<vmem>> -> memref<2x8x100xi32, #tpu.memory_space<vmem>>
      %dma_start3A_703 = arith.constant 0 : i32
      %dma_start3A_704 = arith.constant 0 : i32
      %dma_start3A_705 = arith.constant 0 : i32
      %dma_start3A_706 = tpu.memref_slice %arg3[%add3A, %dma_start3A_703, %dma_start3A_704, %dma_start3A_705] : memref<32x32x8x100xi32, #tpu.memory_space<hbm>> -> memref<1x2x8x100xi32, #tpu.memory_space<hbm>>
      %dma_start3A_707 = tpu.memref_squeeze %dma_start3A_706 : memref<1x2x8x100xi32, #tpu.memory_space<hbm>> -> memref<2x8x100xi32, #tpu.memory_space<hbm>>
      tpu.enqueue_dma source(%dma_start3A_707 : memref<2x8x100xi32, #tpu.memory_space<hbm>>) target(%dma_start3A_702 : memref<2x8x100xi32, #tpu.memory_space<vmem>>) target_semaphore(%run_scoped3A : memref<!tpu.dma_semaphore, #tpu.memory_space<semaphore_mem>>)
      %dma_wait3A_708 = arith.constant 0 : i32
      %dma_wait3A_709 = arith.constant 0 : i32
      %dma_wait3A_710 = arith.constant 0 : i32
      %dma_wait3A_711 = tpu.memref_slice %arg6[%dma_wait3A_708, %dma_wait3A_709, %dma_wait3A_710] : memref<32x8x100xi32, #tpu.memory_space<vmem>> -> memref<2x8x100xi32, #tpu.memory_space<vmem>>
      %dma_wait3A_712 = arith.constant 0 : i32
      %dma_wait3A_713 = arith.constant 0 : i32
      %dma_wait3A_714 = arith.constant 0 : i32
      %dma_wait3A_715 = tpu.memref_slice %arg3[%add3A, %dma_wait3A_712, %dma_wait3A_713, %dma_wait3A_714] : memref<32x32x8x100xi32, #tpu.memory_space<hbm>> -> memref<1x2x8x100xi32, #tpu.memory_space<hbm>>
      %dma_wait3A_716 = tpu.memref_squeeze %dma_wait3A_715 : memref<1x2x8x100xi32, #tpu.memory_space<hbm>> -> memref<2x8x100xi32, #tpu.memory_space<hbm>>
      %dma_wait3A_717 = arith.constant 0 : i32
      %dma_wait3A_718 = arith.constant 0 : i32
      %dma_wait3A_719 = arith.constant 0 : i32
      %dma_wait3A_720 = tpu.memref_slice %arg6[%dma_wait3A_717, %dma_wait3A_718, %dma_wait3A_719] : memref<32x8x100xi32, #tpu.memory_space<vmem>> -> memref<2x8x100xi32, #tpu.memory_space<vmem>>
      %dma_wait3A_721 = arith.constant 0 : i32
      %dma_wait3A_722 = arith.constant 0 : i32
      %dma_wait3A_723 = arith.constant 0 : i32
      %dma_wait3A_724 = tpu.memref_slice %arg3[%add3A, %dma_wait3A_721, %dma_wait3A_722, %dma_wait3A_723] : memref<32x32x8x100xi32, #tpu.memory_space<hbm>> -> memref<1x2x8x100xi32, #tpu.memory_space<hbm>>
      %dma_wait3A_725 = tpu.memref_squeeze %dma_wait3A_724 : memref<1x2x8x100xi32, #tpu.memory_space<hbm>> -> memref<2x8x100xi32, #tpu.memory_space<hbm>>
      tpu.wait_dma2 semaphore(%run_scoped3A : memref<!tpu.dma_semaphore, #tpu.memory_space<semaphore_mem>>) src(%dma_wait3A_725 : memref<2x8x100xi32, #tpu.memory_space<hbm>>) dst(%dma_wait3A_720 : memref<2x8x100xi32, #tpu.memory_space<vmem>>)
      tpu.yield
    }) : () -> ()
    %dma_start3A = arith.constant 2 : i32
    %dma_start3A_3 = arith.constant 0 : i32
    %dma_start3A_4 = arith.constant 0 : i32
    %dma_start3A_5 = tpu.memref_slice %arg6[%dma_start3A, %dma_start3A_3, %dma_start3A_4] : memref<32x8x100xi32, #tpu.memory_space<vmem>> -> memref<30x8x100xi32, #tpu.memory_space<vmem>>
    %dma_start3A_6 = arith.constant 2 : i32
    %dma_start3A_7 = arith.constant 0 : i32
    %dma_start3A_8 = arith.constant 0 : i32
    %dma_start3A_9 = tpu.memref_slice %arg3[%add3A, %dma_start3A_6, %dma_start3A_7, %dma_start3A_8] : memref<32x32x8x100xi32, #tpu.memory_space<hbm>> -> memref<1x30x8x100xi32, #tpu.memory_space<hbm>>
    %dma_start3A_10 = tpu.memref_squeeze %dma_start3A_9 : memref<1x30x8x100xi32, #tpu.memory_space<hbm>> -> memref<30x8x100xi32, #tpu.memory_space<hbm>>
    %dma_start3A_11 = arith.constant 2 : i32
    %dma_start3A_12 = arith.constant 0 : i32
    %dma_start3A_13 = arith.constant 0 : i32
    %dma_start3A_14 = tpu.memref_slice %arg6[%dma_start3A_11, %dma_start3A_12, %dma_start3A_13] : memref<32x8x100xi32, #tpu.memory_space<vmem>> -> memref<30x8x100xi32, #tpu.memory_space<vmem>>
    %dma_start3A_15 = arith.constant 2 : i32
    %dma_start3A_16 = arith.constant 0 : i32
    %dma_start3A_17 = arith.constant 0 : i32
    %dma_start3A_18 = tpu.memref_slice %arg3[%add3A, %dma_start3A_15, %dma_start3A_16, %dma_start3A_17] : memref<32x32x8x100xi32, #tpu.memory_space<hbm>> -> memref<1x30x8x100xi32, #tpu.memory_space<hbm>>
    %dma_start3A_19 = tpu.memref_squeeze %dma_start3A_18 : memref<1x30x8x100xi32, #tpu.memory_space<hbm>> -> memref<30x8x100xi32, #tpu.memory_space<hbm>>
    tpu.enqueue_dma source(%dma_start3A_19 : memref<30x8x100xi32, #tpu.memory_space<hbm>>) target(%dma_start3A_14 : memref<30x8x100xi32, #tpu.memory_space<vmem>>) target_semaphore(%arg12 : memref<!tpu.dma_semaphore, #tpu.memory_space<semaphore_mem>>)
    %dma_start3A_20 = arith.constant 0 : i32
    %dma_start3A_21 = arith.constant 0 : i32
    %dma_start3A_22 = arith.constant 0 : i32
    %dma_start3A_23 = arith.constant 0 : i32
    %dma_start3A_24 = tpu.memref_slice %arg7[%dma_start3A_20, %dma_start3A_22, %dma_start3A_23] : memref<2x800x32xf32, #tpu.memory_space<vmem>> -> memref<1x800x32xf32, #tpu.memory_space<vmem>>
    %dma_start3A_25 = tpu.memref_squeeze %dma_start3A_24 : memref<1x800x32xf32, #tpu.memory_space<vmem>> -> memref<800x32xf32, #tpu.memory_space<vmem>>
    %dma_start3A_26 = tpu.memref_slice %arg9[%dma_start3A_21] : memref<2x!tpu.dma_semaphore, #tpu.memory_space<semaphore_mem>> -> memref<1x!tpu.dma_semaphore, #tpu.memory_space<semaphore_mem>>
    %dma_start3A_27 = tpu.memref_squeeze %dma_start3A_26 : memref<1x!tpu.dma_semaphore, #tpu.memory_space<semaphore_mem>> -> memref<!tpu.dma_semaphore, #tpu.memory_space<semaphore_mem>>
    %dma_start3A_28 = arith.constant 0 : i32
    %dma_start3A_29 = arith.constant 0 : i32
    %dma_start3A_30 = tpu.memref_slice %arg7[%dma_start3A_20, %dma_start3A_28, %dma_start3A_29] : memref<2x800x32xf32, #tpu.memory_space<vmem>> -> memref<1x800x32xf32, #tpu.memory_space<vmem>>
    %dma_start3A_31 = tpu.memref_squeeze %dma_start3A_30 : memref<1x800x32xf32, #tpu.memory_space<vmem>> -> memref<800x32xf32, #tpu.memory_space<vmem>>
    tpu.enqueue_dma source(%arg8 : memref<800x32xf32, #tpu.memory_space<vmem_shared>>) target(%dma_start3A_31 : memref<800x32xf32, #tpu.memory_space<vmem>>) target_semaphore(%dma_start3A_27 : memref<!tpu.dma_semaphore, #tpu.memory_space<semaphore_mem>>)
    %dma_wait3A = arith.constant 0 : i32
    %dma_wait3A_32 = arith.constant 0 : i32
    %dma_wait3A_33 = arith.constant 0 : i32
    %dma_wait3A_34 = arith.constant 0 : i32
    %dma_wait3A_35 = tpu.memref_slice %arg7[%dma_wait3A, %dma_wait3A_33, %dma_wait3A_34] : memref<2x800x32xf32, #tpu.memory_space<vmem>> -> memref<1x800x32xf32, #tpu.memory_space<vmem>>
    %dma_wait3A_36 = tpu.memref_squeeze %dma_wait3A_35 : memref<1x800x32xf32, #tpu.memory_space<vmem>> -> memref<800x32xf32, #tpu.memory_space<vmem>>
    %dma_wait3A_37 = tpu.memref_slice %arg9[%dma_wait3A_32] : memref<2x!tpu.dma_semaphore, #tpu.memory_space<semaphore_mem>> -> memref<1x!tpu.dma_semaphore, #tpu.memory_space<semaphore_mem>>
    %dma_wait3A_38 = tpu.memref_squeeze %dma_wait3A_37 : memref<1x!tpu.dma_semaphore, #tpu.memory_space<semaphore_mem>> -> memref<!tpu.dma_semaphore, #tpu.memory_space<semaphore_mem>>
    %dma_wait3A_39 = arith.constant 0 : i32
    %dma_wait3A_40 = arith.constant 0 : i32
    %dma_wait3A_41 = tpu.memref_slice %arg7[%dma_wait3A, %dma_wait3A_39, %dma_wait3A_40] : memref<2x800x32xf32, #tpu.memory_space<vmem>> -> memref<1x800x32xf32, #tpu.memory_space<vmem>>
    %dma_wait3A_42 = tpu.memref_squeeze %dma_wait3A_41 : memref<1x800x32xf32, #tpu.memory_space<vmem>> -> memref<800x32xf32, #tpu.memory_space<vmem>>
    tpu.wait_dma2 semaphore(%dma_wait3A_38 : memref<!tpu.dma_semaphore, #tpu.memory_space<semaphore_mem>>) src(%arg8 : memref<800x32xf32, #tpu.memory_space<vmem_shared>>) dst(%dma_wait3A_42 : memref<800x32xf32, #tpu.memory_space<vmem>>)
    %dma_start3A_43 = arith.constant 0 : i32
    %dma_start3A_44 = arith.constant 0 : i32
    %dma_start3A_45 = arith.constant 0 : i32
    %dma_start3A_46 = arith.constant 0 : i32
    %dma_start3A_47 = arith.constant 0 : i32
    %dma_start3A_48 = arith.constant 0 : i32
    %dma_start3A_49 = tpu.memref_slice %arg7[%dma_start3A_45, %dma_start3A_47, %dma_start3A_48] : memref<2x800x32xf32, #tpu.memory_space<vmem>> -> memref<1x100x32xf32, #tpu.memory_space<vmem>>
    %dma_start3A_50 = tpu.memref_squeeze %dma_start3A_49 : memref<1x100x32xf32, #tpu.memory_space<vmem>> -> memref<100x32xf32, #tpu.memory_space<vmem>>
    %dma_start3A_51 = arith.constant 0 : i32
    %dma_start3A_52 = tpu.memref_slice %arg6[%dma_start3A_43, %dma_start3A_44, %dma_start3A_51] : memref<32x8x100xi32, #tpu.memory_space<vmem>> -> memref<1x1x100xi32, #tpu.memory_space<vmem>>
    %dma_start3A_53 = tpu.memref_squeeze %dma_start3A_52 : memref<1x1x100xi32, #tpu.memory_space<vmem>> -> memref<100xi32, #tpu.memory_space<vmem>>
    %dma_start3A_54 = arith.constant 0 : i32
    %dma_start3A_55 = arith.constant 0 : i32
    %dma_start3A_56 = tpu.memref_slice %arg2[%dma_start3A_54, %dma_start3A_55] : memref<1000000x32xf32, #tpu.memory_space<hbm>> -> memref<1000000x32xf32, #tpu.memory_space<hbm>>
    %dma_start3A_57 = tpu.memref_slice %arg10[%dma_start3A_46] : memref<2x!tpu.dma_semaphore, #tpu.memory_space<semaphore_mem>> -> memref<1x!tpu.dma_semaphore, #tpu.memory_space<semaphore_mem>>
    %dma_start3A_58 = tpu.memref_squeeze %dma_start3A_57 : memref<1x!tpu.dma_semaphore, #tpu.memory_space<semaphore_mem>> -> memref<!tpu.dma_semaphore, #tpu.memory_space<semaphore_mem>>
    tpu.enqueue_indirect_dma source(%dma_start3A_56 : memref<1000000x32xf32, #tpu.memory_space<hbm>>) target(%dma_start3A_50 : memref<100x32xf32, #tpu.memory_space<vmem>>) offsets(%dma_start3A_53 : memref<100xi32, #tpu.memory_space<vmem>>) semaphore(%dma_start3A_58 : memref<!tpu.dma_semaphore, #tpu.memory_space<semaphore_mem>>) {add = true}
    %dma_start3A_59 = arith.constant 0 : i32
    %dma_start3A_60 = arith.constant 1 : i32
    %dma_start3A_61 = arith.constant 0 : i32
    %dma_start3A_62 = arith.constant 0 : i32
    %dma_start3A_63 = arith.constant 100 : i32
    %dma_start3A_64 = arith.constant 0 : i32
    %dma_start3A_65 = tpu.memref_slice %arg7[%dma_start3A_61, %dma_start3A_63, %dma_start3A_64] : memref<2x800x32xf32, #tpu.memory_space<vmem>> -> memref<1x100x32xf32, #tpu.memory_space<vmem>>
    %dma_start3A_66 = tpu.memref_squeeze %dma_start3A_65 : memref<1x100x32xf32, #tpu.memory_space<vmem>> -> memref<100x32xf32, #tpu.memory_space<vmem>>
    %dma_start3A_67 = arith.constant 0 : i32
    %dma_start3A_68 = tpu.memref_slice %arg6[%dma_start3A_59, %dma_start3A_60, %dma_start3A_67] : memref<32x8x100xi32, #tpu.memory_space<vmem>> -> memref<1x1x100xi32, #tpu.memory_space<vmem>>
    %dma_start3A_69 = tpu.memref_squeeze %dma_start3A_68 : memref<1x1x100xi32, #tpu.memory_space<vmem>> -> memref<100xi32, #tpu.memory_space<vmem>>
    %dma_start3A_70 = arith.constant 0 : i32
    %dma_start3A_71 = arith.constant 0 : i32
    %dma_start3A_72 = tpu.memref_slice %arg2[%dma_start3A_70, %dma_start3A_71] : memref<1000000x32xf32, #tpu.memory_space<hbm>> -> memref<1000000x32xf32, #tpu.memory_space<hbm>>
    %dma_start3A_73 = tpu.memref_slice %arg10[%dma_start3A_62] : memref<2x!tpu.dma_semaphore, #tpu.memory_space<semaphore_mem>> -> memref<1x!tpu.dma_semaphore, #tpu.memory_space<semaphore_mem>>
    %dma_start3A_74 = tpu.memref_squeeze %dma_start3A_73 : memref<1x!tpu.dma_semaphore, #tpu.memory_space<semaphore_mem>> -> memref<!tpu.dma_semaphore, #tpu.memory_space<semaphore_mem>>
    tpu.enqueue_indirect_dma source(%dma_start3A_72 : memref<1000000x32xf32, #tpu.memory_space<hbm>>) target(%dma_start3A_66 : memref<100x32xf32, #tpu.memory_space<vmem>>) offsets(%dma_start3A_69 : memref<100xi32, #tpu.memory_space<vmem>>) semaphore(%dma_start3A_74 : memref<!tpu.dma_semaphore, #tpu.memory_space<semaphore_mem>>) {add = true}
    %dma_start3A_75 = arith.constant 0 : i32
    %dma_start3A_76 = arith.constant 2 : i32
    %dma_start3A_77 = arith.constant 0 : i32
    %dma_start3A_78 = arith.constant 0 : i32
    %dma_start3A_79 = arith.constant 200 : i32
    %dma_start3A_80 = arith.constant 0 : i32
    %dma_start3A_81 = tpu.memref_slice %arg7[%dma_start3A_77, %dma_start3A_79, %dma_start3A_80] : memref<2x800x32xf32, #tpu.memory_space<vmem>> -> memref<1x100x32xf32, #tpu.memory_space<vmem>>
    %dma_start3A_82 = tpu.memref_squeeze %dma_start3A_81 : memref<1x100x32xf32, #tpu.memory_space<vmem>> -> memref<100x32xf32, #tpu.memory_space<vmem>>
    %dma_start3A_83 = arith.constant 0 : i32
    %dma_start3A_84 = tpu.memref_slice %arg6[%dma_start3A_75, %dma_start3A_76, %dma_start3A_83] : memref<32x8x100xi32, #tpu.memory_space<vmem>> -> memref<1x1x100xi32, #tpu.memory_space<vmem>>
    %dma_start3A_85 = tpu.memref_squeeze %dma_start3A_84 : memref<1x1x100xi32, #tpu.memory_space<vmem>> -> memref<100xi32, #tpu.memory_space<vmem>>
    %dma_start3A_86 = arith.constant 0 : i32
    %dma_start3A_87 = arith.constant 0 : i32
    %dma_start3A_88 = tpu.memref_slice %arg2[%dma_start3A_86, %dma_start3A_87] : memref<1000000x32xf32, #tpu.memory_space<hbm>> -> memref<1000000x32xf32, #tpu.memory_space<hbm>>
    %dma_start3A_89 = tpu.memref_slice %arg10[%dma_start3A_78] : memref<2x!tpu.dma_semaphore, #tpu.memory_space<semaphore_mem>> -> memref<1x!tpu.dma_semaphore, #tpu.memory_space<semaphore_mem>>
    %dma_start3A_90 = tpu.memref_squeeze %dma_start3A_89 : memref<1x!tpu.dma_semaphore, #tpu.memory_space<semaphore_mem>> -> memref<!tpu.dma_semaphore, #tpu.memory_space<semaphore_mem>>
    tpu.enqueue_indirect_dma source(%dma_start3A_88 : memref<1000000x32xf32, #tpu.memory_space<hbm>>) target(%dma_start3A_82 : memref<100x32xf32, #tpu.memory_space<vmem>>) offsets(%dma_start3A_85 : memref<100xi32, #tpu.memory_space<vmem>>) semaphore(%dma_start3A_90 : memref<!tpu.dma_semaphore, #tpu.memory_space<semaphore_mem>>) {add = true}
    %dma_start3A_91 = arith.constant 0 : i32
    %dma_start3A_92 = arith.constant 3 : i32
    %dma_start3A_93 = arith.constant 0 : i32
    %dma_start3A_94 = arith.constant 0 : i32
    %dma_start3A_95 = arith.constant 300 : i32
    %dma_start3A_96 = arith.constant 0 : i32
    %dma_start3A_97 = tpu.memref_slice %arg7[%dma_start3A_93, %dma_start3A_95, %dma_start3A_96] : memref<2x800x32xf32, #tpu.memory_space<vmem>> -> memref<1x100x32xf32, #tpu.memory_space<vmem>>
    %dma_start3A_98 = tpu.memref_squeeze %dma_start3A_97 : memref<1x100x32xf32, #tpu.memory_space<vmem>> -> memref<100x32xf32, #tpu.memory_space<vmem>>
    %dma_start3A_99 = arith.constant 0 : i32
    %dma_start3A_100 = tpu.memref_slice %arg6[%dma_start3A_91, %dma_start3A_92, %dma_start3A_99] : memref<32x8x100xi32, #tpu.memory_space<vmem>> -> memref<1x1x100xi32, #tpu.memory_space<vmem>>
    %dma_start3A_101 = tpu.memref_squeeze %dma_start3A_100 : memref<1x1x100xi32, #tpu.memory_space<vmem>> -> memref<100xi32, #tpu.memory_space<vmem>>
    %dma_start3A_102 = arith.constant 0 : i32
    %dma_start3A_103 = arith.constant 0 : i32
    %dma_start3A_104 = tpu.memref_slice %arg2[%dma_start3A_102, %dma_start3A_103] : memref<1000000x32xf32, #tpu.memory_space<hbm>> -> memref<1000000x32xf32, #tpu.memory_space<hbm>>
    %dma_start3A_105 = tpu.memref_slice %arg10[%dma_start3A_94] : memref<2x!tpu.dma_semaphore, #tpu.memory_space<semaphore_mem>> -> memref<1x!tpu.dma_semaphore, #tpu.memory_space<semaphore_mem>>
    %dma_start3A_106 = tpu.memref_squeeze %dma_start3A_105 : memref<1x!tpu.dma_semaphore, #tpu.memory_space<semaphore_mem>> -> memref<!tpu.dma_semaphore, #tpu.memory_space<semaphore_mem>>
    tpu.enqueue_indirect_dma source(%dma_start3A_104 : memref<1000000x32xf32, #tpu.memory_space<hbm>>) target(%dma_start3A_98 : memref<100x32xf32, #tpu.memory_space<vmem>>) offsets(%dma_start3A_101 : memref<100xi32, #tpu.memory_space<vmem>>) semaphore(%dma_start3A_106 : memref<!tpu.dma_semaphore, #tpu.memory_space<semaphore_mem>>) {add = true}
    %dma_start3A_107 = arith.constant 0 : i32
    %dma_start3A_108 = arith.constant 4 : i32
    %dma_start3A_109 = arith.constant 0 : i32
    %dma_start3A_110 = arith.constant 0 : i32
    %dma_start3A_111 = arith.constant 400 : i32
    %dma_start3A_112 = arith.constant 0 : i32
    %dma_start3A_113 = tpu.memref_slice %arg7[%dma_start3A_109, %dma_start3A_111, %dma_start3A_112] : memref<2x800x32xf32, #tpu.memory_space<vmem>> -> memref<1x100x32xf32, #tpu.memory_space<vmem>>
    %dma_start3A_114 = tpu.memref_squeeze %dma_start3A_113 : memref<1x100x32xf32, #tpu.memory_space<vmem>> -> memref<100x32xf32, #tpu.memory_space<vmem>>
    %dma_start3A_115 = arith.constant 0 : i32
    %dma_start3A_116 = tpu.memref_slice %arg6[%dma_start3A_107, %dma_start3A_108, %dma_start3A_115] : memref<32x8x100xi32, #tpu.memory_space<vmem>> -> memref<1x1x100xi32, #tpu.memory_space<vmem>>
    %dma_start3A_117 = tpu.memref_squeeze %dma_start3A_116 : memref<1x1x100xi32, #tpu.memory_space<vmem>> -> memref<100xi32, #tpu.memory_space<vmem>>
    %dma_start3A_118 = arith.constant 0 : i32
    %dma_start3A_119 = arith.constant 0 : i32
    %dma_start3A_120 = tpu.memref_slice %arg2[%dma_start3A_118, %dma_start3A_119] : memref<1000000x32xf32, #tpu.memory_space<hbm>> -> memref<1000000x32xf32, #tpu.memory_space<hbm>>
    %dma_start3A_121 = tpu.memref_slice %arg10[%dma_start3A_110] : memref<2x!tpu.dma_semaphore, #tpu.memory_space<semaphore_mem>> -> memref<1x!tpu.dma_semaphore, #tpu.memory_space<semaphore_mem>>
    %dma_start3A_122 = tpu.memref_squeeze %dma_start3A_121 : memref<1x!tpu.dma_semaphore, #tpu.memory_space<semaphore_mem>> -> memref<!tpu.dma_semaphore, #tpu.memory_space<semaphore_mem>>
    tpu.enqueue_indirect_dma source(%dma_start3A_120 : memref<1000000x32xf32, #tpu.memory_space<hbm>>) target(%dma_start3A_114 : memref<100x32xf32, #tpu.memory_space<vmem>>) offsets(%dma_start3A_117 : memref<100xi32, #tpu.memory_space<vmem>>) semaphore(%dma_start3A_122 : memref<!tpu.dma_semaphore, #tpu.memory_space<semaphore_mem>>) {add = true}
    %dma_start3A_123 = arith.constant 0 : i32
    %dma_start3A_124 = arith.constant 5 : i32
    %dma_start3A_125 = arith.constant 0 : i32
    %dma_start3A_126 = arith.constant 0 : i32
    %dma_start3A_127 = arith.constant 500 : i32
    %dma_start3A_128 = arith.constant 0 : i32
    %dma_start3A_129 = tpu.memref_slice %arg7[%dma_start3A_125, %dma_start3A_127, %dma_start3A_128] : memref<2x800x32xf32, #tpu.memory_space<vmem>> -> memref<1x100x32xf32, #tpu.memory_space<vmem>>
    %dma_start3A_130 = tpu.memref_squeeze %dma_start3A_129 : memref<1x100x32xf32, #tpu.memory_space<vmem>> -> memref<100x32xf32, #tpu.memory_space<vmem>>
    %dma_start3A_131 = arith.constant 0 : i32
    %dma_start3A_132 = tpu.memref_slice %arg6[%dma_start3A_123, %dma_start3A_124, %dma_start3A_131] : memref<32x8x100xi32, #tpu.memory_space<vmem>> -> memref<1x1x100xi32, #tpu.memory_space<vmem>>
    %dma_start3A_133 = tpu.memref_squeeze %dma_start3A_132 : memref<1x1x100xi32, #tpu.memory_space<vmem>> -> memref<100xi32, #tpu.memory_space<vmem>>
    %dma_start3A_134 = arith.constant 0 : i32
    %dma_start3A_135 = arith.constant 0 : i32
    %dma_start3A_136 = tpu.memref_slice %arg2[%dma_start3A_134, %dma_start3A_135] : memref<1000000x32xf32, #tpu.memory_space<hbm>> -> memref<1000000x32xf32, #tpu.memory_space<hbm>>
    %dma_start3A_137 = tpu.memref_slice %arg10[%dma_start3A_126] : memref<2x!tpu.dma_semaphore, #tpu.memory_space<semaphore_mem>> -> memref<1x!tpu.dma_semaphore, #tpu.memory_space<semaphore_mem>>
    %dma_start3A_138 = tpu.memref_squeeze %dma_start3A_137 : memref<1x!tpu.dma_semaphore, #tpu.memory_space<semaphore_mem>> -> memref<!tpu.dma_semaphore, #tpu.memory_space<semaphore_mem>>
    tpu.enqueue_indirect_dma source(%dma_start3A_136 : memref<1000000x32xf32, #tpu.memory_space<hbm>>) target(%dma_start3A_130 : memref<100x32xf32, #tpu.memory_space<vmem>>) offsets(%dma_start3A_133 : memref<100xi32, #tpu.memory_space<vmem>>) semaphore(%dma_start3A_138 : memref<!tpu.dma_semaphore, #tpu.memory_space<semaphore_mem>>) {add = true}
    %dma_start3A_139 = arith.constant 0 : i32
    %dma_start3A_140 = arith.constant 6 : i32
    %dma_start3A_141 = arith.constant 0 : i32
    %dma_start3A_142 = arith.constant 0 : i32
    %dma_start3A_143 = arith.constant 600 : i32
    %dma_start3A_144 = arith.constant 0 : i32
    %dma_start3A_145 = tpu.memref_slice %arg7[%dma_start3A_141, %dma_start3A_143, %dma_start3A_144] : memref<2x800x32xf32, #tpu.memory_space<vmem>> -> memref<1x100x32xf32, #tpu.memory_space<vmem>>
    %dma_start3A_146 = tpu.memref_squeeze %dma_start3A_145 : memref<1x100x32xf32, #tpu.memory_space<vmem>> -> memref<100x32xf32, #tpu.memory_space<vmem>>
    %dma_start3A_147 = arith.constant 0 : i32
    %dma_start3A_148 = tpu.memref_slice %arg6[%dma_start3A_139, %dma_start3A_140, %dma_start3A_147] : memref<32x8x100xi32, #tpu.memory_space<vmem>> -> memref<1x1x100xi32, #tpu.memory_space<vmem>>
    %dma_start3A_149 = tpu.memref_squeeze %dma_start3A_148 : memref<1x1x100xi32, #tpu.memory_space<vmem>> -> memref<100xi32, #tpu.memory_space<vmem>>
    %dma_start3A_150 = arith.constant 0 : i32
    %dma_start3A_151 = arith.constant 0 : i32
    %dma_start3A_152 = tpu.memref_slice %arg2[%dma_start3A_150, %dma_start3A_151] : memref<1000000x32xf32, #tpu.memory_space<hbm>> -> memref<1000000x32xf32, #tpu.memory_space<hbm>>
    %dma_start3A_153 = tpu.memref_slice %arg10[%dma_start3A_142] : memref<2x!tpu.dma_semaphore, #tpu.memory_space<semaphore_mem>> -> memref<1x!tpu.dma_semaphore, #tpu.memory_space<semaphore_mem>>
    %dma_start3A_154 = tpu.memref_squeeze %dma_start3A_153 : memref<1x!tpu.dma_semaphore, #tpu.memory_space<semaphore_mem>> -> memref<!tpu.dma_semaphore, #tpu.memory_space<semaphore_mem>>
    tpu.enqueue_indirect_dma source(%dma_start3A_152 : memref<1000000x32xf32, #tpu.memory_space<hbm>>) target(%dma_start3A_146 : memref<100x32xf32, #tpu.memory_space<vmem>>) offsets(%dma_start3A_149 : memref<100xi32, #tpu.memory_space<vmem>>) semaphore(%dma_start3A_154 : memref<!tpu.dma_semaphore, #tpu.memory_space<semaphore_mem>>) {add = true}
    %dma_start3A_155 = arith.constant 0 : i32
    %dma_start3A_156 = arith.constant 7 : i32
    %dma_start3A_157 = arith.constant 0 : i32
    %dma_start3A_158 = arith.constant 0 : i32
    %dma_start3A_159 = arith.constant 700 : i32
    %dma_start3A_160 = arith.constant 0 : i32
    %dma_start3A_161 = tpu.memref_slice %arg7[%dma_start3A_157, %dma_start3A_159, %dma_start3A_160] : memref<2x800x32xf32, #tpu.memory_space<vmem>> -> memref<1x100x32xf32, #tpu.memory_space<vmem>>
    %dma_start3A_162 = tpu.memref_squeeze %dma_start3A_161 : memref<1x100x32xf32, #tpu.memory_space<vmem>> -> memref<100x32xf32, #tpu.memory_space<vmem>>
    %dma_start3A_163 = arith.constant 0 : i32
    %dma_start3A_164 = tpu.memref_slice %arg6[%dma_start3A_155, %dma_start3A_156, %dma_start3A_163] : memref<32x8x100xi32, #tpu.memory_space<vmem>> -> memref<1x1x100xi32, #tpu.memory_space<vmem>>
    %dma_start3A_165 = tpu.memref_squeeze %dma_start3A_164 : memref<1x1x100xi32, #tpu.memory_space<vmem>> -> memref<100xi32, #tpu.memory_space<vmem>>
    %dma_start3A_166 = arith.constant 0 : i32
    %dma_start3A_167 = arith.constant 0 : i32
    %dma_start3A_168 = tpu.memref_slice %arg2[%dma_start3A_166, %dma_start3A_167] : memref<1000000x32xf32, #tpu.memory_space<hbm>> -> memref<1000000x32xf32, #tpu.memory_space<hbm>>
    %dma_start3A_169 = tpu.memref_slice %arg10[%dma_start3A_158] : memref<2x!tpu.dma_semaphore, #tpu.memory_space<semaphore_mem>> -> memref<1x!tpu.dma_semaphore, #tpu.memory_space<semaphore_mem>>
    %dma_start3A_170 = tpu.memref_squeeze %dma_start3A_169 : memref<1x!tpu.dma_semaphore, #tpu.memory_space<semaphore_mem>> -> memref<!tpu.dma_semaphore, #tpu.memory_space<semaphore_mem>>
    tpu.enqueue_indirect_dma source(%dma_start3A_168 : memref<1000000x32xf32, #tpu.memory_space<hbm>>) target(%dma_start3A_162 : memref<100x32xf32, #tpu.memory_space<vmem>>) offsets(%dma_start3A_165 : memref<100xi32, #tpu.memory_space<vmem>>) semaphore(%dma_start3A_170 : memref<!tpu.dma_semaphore, #tpu.memory_space<semaphore_mem>>) {add = true}
    %dma_start3A_171 = arith.constant 1 : i32
    %dma_start3A_172 = arith.constant 1 : i32
    %dma_start3A_173 = arith.constant 0 : i32
    %dma_start3A_174 = arith.constant 0 : i32
    %dma_start3A_175 = tpu.memref_slice %arg7[%dma_start3A_171, %dma_start3A_173, %dma_start3A_174] : memref<2x800x32xf32, #tpu.memory_space<vmem>> -> memref<1x800x32xf32, #tpu.memory_space<vmem>>
    %dma_start3A_176 = tpu.memref_squeeze %dma_start3A_175 : memref<1x800x32xf32, #tpu.memory_space<vmem>> -> memref<800x32xf32, #tpu.memory_space<vmem>>
    %dma_start3A_177 = tpu.memref_slice %arg9[%dma_start3A_172] : memref<2x!tpu.dma_semaphore, #tpu.memory_space<semaphore_mem>> -> memref<1x!tpu.dma_semaphore, #tpu.memory_space<semaphore_mem>>
    %dma_start3A_178 = tpu.memref_squeeze %dma_start3A_177 : memref<1x!tpu.dma_semaphore, #tpu.memory_space<semaphore_mem>> -> memref<!tpu.dma_semaphore, #tpu.memory_space<semaphore_mem>>
    %dma_start3A_179 = arith.constant 0 : i32
    %dma_start3A_180 = arith.constant 0 : i32
    %dma_start3A_181 = tpu.memref_slice %arg7[%dma_start3A_171, %dma_start3A_179, %dma_start3A_180] : memref<2x800x32xf32, #tpu.memory_space<vmem>> -> memref<1x800x32xf32, #tpu.memory_space<vmem>>
    %dma_start3A_182 = tpu.memref_squeeze %dma_start3A_181 : memref<1x800x32xf32, #tpu.memory_space<vmem>> -> memref<800x32xf32, #tpu.memory_space<vmem>>
    tpu.enqueue_dma source(%arg8 : memref<800x32xf32, #tpu.memory_space<vmem_shared>>) target(%dma_start3A_182 : memref<800x32xf32, #tpu.memory_space<vmem>>) target_semaphore(%dma_start3A_178 : memref<!tpu.dma_semaphore, #tpu.memory_space<semaphore_mem>>)
    %dma_wait3A_183 = arith.constant 2 : i32
    %dma_wait3A_184 = arith.constant 0 : i32
    %dma_wait3A_185 = arith.constant 0 : i32
    %dma_wait3A_186 = tpu.memref_slice %arg6[%dma_wait3A_183, %dma_wait3A_184, %dma_wait3A_185] : memref<32x8x100xi32, #tpu.memory_space<vmem>> -> memref<30x8x100xi32, #tpu.memory_space<vmem>>
    %dma_wait3A_187 = arith.constant 2 : i32
    %dma_wait3A_188 = arith.constant 0 : i32
    %dma_wait3A_189 = arith.constant 0 : i32
    %dma_wait3A_190 = tpu.memref_slice %arg3[%add3A, %dma_wait3A_187, %dma_wait3A_188, %dma_wait3A_189] : memref<32x32x8x100xi32, #tpu.memory_space<hbm>> -> memref<1x30x8x100xi32, #tpu.memory_space<hbm>>
    %dma_wait3A_191 = tpu.memref_squeeze %dma_wait3A_190 : memref<1x30x8x100xi32, #tpu.memory_space<hbm>> -> memref<30x8x100xi32, #tpu.memory_space<hbm>>
    %dma_wait3A_192 = arith.constant 2 : i32
    %dma_wait3A_193 = arith.constant 0 : i32
    %dma_wait3A_194 = arith.constant 0 : i32
    %dma_wait3A_195 = tpu.memref_slice %arg6[%dma_wait3A_192, %dma_wait3A_193, %dma_wait3A_194] : memref<32x8x100xi32, #tpu.memory_space<vmem>> -> memref<30x8x100xi32, #tpu.memory_space<vmem>>
    %dma_wait3A_196 = arith.constant 2 : i32
    %dma_wait3A_197 = arith.constant 0 : i32
    %dma_wait3A_198 = arith.constant 0 : i32
    %dma_wait3A_199 = tpu.memref_slice %arg3[%add3A, %dma_wait3A_196, %dma_wait3A_197, %dma_wait3A_198] : memref<32x32x8x100xi32, #tpu.memory_space<hbm>> -> memref<1x30x8x100xi32, #tpu.memory_space<hbm>>
    %dma_wait3A_200 = tpu.memref_squeeze %dma_wait3A_199 : memref<1x30x8x100xi32, #tpu.memory_space<hbm>> -> memref<30x8x100xi32, #tpu.memory_space<hbm>>
    tpu.wait_dma2 semaphore(%arg12 : memref<!tpu.dma_semaphore, #tpu.memory_space<semaphore_mem>>) src(%dma_wait3A_200 : memref<30x8x100xi32, #tpu.memory_space<hbm>>) dst(%dma_wait3A_195 : memref<30x8x100xi32, #tpu.memory_space<vmem>>)
    %scan3A = arith.constant 0 : i32
    %scan3A_201 = arith.constant 0 : i32
    %scan3A_202 = arith.constant 15 : i32
    %scan3A_203 = arith.addi %scan3A_201, %scan3A_202 : i32
    %scan3A_204 = arith.constant 1 : i32
    scf.for %scan3A_690 = %scan3A_201 to %scan3A_203 step %scan3A_204  : i32 {
      %mul3A_691 = arith.constant 2 : i32
      %mul3A_692 = arith.muli %mul3A_691, %scan3A_690 : i32
      %mul3A_693 = arith.constant 2 : i32
      %mul3A_694 = arith.muli %mul3A_693, %scan3A_690 : i32
      %add3A_695 = arith.constant 1 : i32
      %add3A_696 = arith.addi %mul3A_694, %add3A_695 : i32
      %dma_wait3A_697 = arith.constant 0 : i32
      %dma_wait3A_698 = arith.constant 0 : i32
      %dma_wait3A_699 = arith.constant 0 : i32
      %dma_wait3A_700 = arith.constant 0 : i32
      %dma_wait3A_701 = arith.constant 0 : i32
      %dma_wait3A_702 = tpu.memref_slice %arg7[%dma_wait3A_698, %dma_wait3A_700, %dma_wait3A_701] : memref<2x800x32xf32, #tpu.memory_space<vmem>> -> memref<1x100x32xf32, #tpu.memory_space<vmem>>
      %dma_wait3A_703 = tpu.memref_squeeze %dma_wait3A_702 : memref<1x100x32xf32, #tpu.memory_space<vmem>> -> memref<100x32xf32, #tpu.memory_space<vmem>>
      %dma_wait3A_704 = arith.constant 0 : i32
      %dma_wait3A_705 = tpu.memref_slice %arg6[%mul3A_692, %dma_wait3A_697, %dma_wait3A_704] : memref<32x8x100xi32, #tpu.memory_space<vmem>> -> memref<1x1x100xi32, #tpu.memory_space<vmem>>
      %dma_wait3A_706 = tpu.memref_squeeze %dma_wait3A_705 : memref<1x1x100xi32, #tpu.memory_space<vmem>> -> memref<100xi32, #tpu.memory_space<vmem>>
      %dma_wait3A_707 = arith.constant 0 : i32
      %dma_wait3A_708 = arith.constant 0 : i32
      %dma_wait3A_709 = tpu.memref_slice %arg2[%dma_wait3A_707, %dma_wait3A_708] : memref<1000000x32xf32, #tpu.memory_space<hbm>> -> memref<1000000x32xf32, #tpu.memory_space<hbm>>
      %dma_wait3A_710 = tpu.memref_slice %arg10[%dma_wait3A_699] : memref<2x!tpu.dma_semaphore, #tpu.memory_space<semaphore_mem>> -> memref<1x!tpu.dma_semaphore, #tpu.memory_space<semaphore_mem>>
      %dma_wait3A_711 = tpu.memref_squeeze %dma_wait3A_710 : memref<1x!tpu.dma_semaphore, #tpu.memory_space<semaphore_mem>> -> memref<!tpu.dma_semaphore, #tpu.memory_space<semaphore_mem>>
      tpu.wait_indirect_dma semaphore(%dma_wait3A_711 : memref<!tpu.dma_semaphore, #tpu.memory_space<semaphore_mem>>) src(%dma_wait3A_709 : memref<1000000x32xf32, #tpu.memory_space<hbm>>) dst(%dma_wait3A_703 : memref<100x32xf32, #tpu.memory_space<vmem>>)
      %dma_wait3A_712 = arith.constant 1 : i32
      %dma_wait3A_713 = arith.constant 0 : i32
      %dma_wait3A_714 = arith.constant 0 : i32
      %dma_wait3A_715 = arith.constant 100 : i32
      %dma_wait3A_716 = arith.constant 0 : i32
      %dma_wait3A_717 = tpu.memref_slice %arg7[%dma_wait3A_713, %dma_wait3A_715, %dma_wait3A_716] : memref<2x800x32xf32, #tpu.memory_space<vmem>> -> memref<1x100x32xf32, #tpu.memory_space<vmem>>
      %dma_wait3A_718 = tpu.memref_squeeze %dma_wait3A_717 : memref<1x100x32xf32, #tpu.memory_space<vmem>> -> memref<100x32xf32, #tpu.memory_space<vmem>>
      %dma_wait3A_719 = arith.constant 0 : i32
      %dma_wait3A_720 = tpu.memref_slice %arg6[%mul3A_692, %dma_wait3A_712, %dma_wait3A_719] : memref<32x8x100xi32, #tpu.memory_space<vmem>> -> memref<1x1x100xi32, #tpu.memory_space<vmem>>
      %dma_wait3A_721 = tpu.memref_squeeze %dma_wait3A_720 : memref<1x1x100xi32, #tpu.memory_space<vmem>> -> memref<100xi32, #tpu.memory_space<vmem>>
      %dma_wait3A_722 = arith.constant 0 : i32
      %dma_wait3A_723 = arith.constant 0 : i32
      %dma_wait3A_724 = tpu.memref_slice %arg2[%dma_wait3A_722, %dma_wait3A_723] : memref<1000000x32xf32, #tpu.memory_space<hbm>> -> memref<1000000x32xf32, #tpu.memory_space<hbm>>
      %dma_wait3A_725 = tpu.memref_slice %arg10[%dma_wait3A_714] : memref<2x!tpu.dma_semaphore, #tpu.memory_space<semaphore_mem>> -> memref<1x!tpu.dma_semaphore, #tpu.memory_space<semaphore_mem>>
      %dma_wait3A_726 = tpu.memref_squeeze %dma_wait3A_725 : memref<1x!tpu.dma_semaphore, #tpu.memory_space<semaphore_mem>> -> memref<!tpu.dma_semaphore, #tpu.memory_space<semaphore_mem>>
      tpu.wait_indirect_dma semaphore(%dma_wait3A_726 : memref<!tpu.dma_semaphore, #tpu.memory_space<semaphore_mem>>) src(%dma_wait3A_724 : memref<1000000x32xf32, #tpu.memory_space<hbm>>) dst(%dma_wait3A_718 : memref<100x32xf32, #tpu.memory_space<vmem>>)
      %dma_wait3A_727 = arith.constant 2 : i32
      %dma_wait3A_728 = arith.constant 0 : i32
      %dma_wait3A_729 = arith.constant 0 : i32
      %dma_wait3A_730 = arith.constant 200 : i32
      %dma_wait3A_731 = arith.constant 0 : i32
      %dma_wait3A_732 = tpu.memref_slice %arg7[%dma_wait3A_728, %dma_wait3A_730, %dma_wait3A_731] : memref<2x800x32xf32, #tpu.memory_space<vmem>> -> memref<1x100x32xf32, #tpu.memory_space<vmem>>
      %dma_wait3A_733 = tpu.memref_squeeze %dma_wait3A_732 : memref<1x100x32xf32, #tpu.memory_space<vmem>> -> memref<100x32xf32, #tpu.memory_space<vmem>>
      %dma_wait3A_734 = arith.constant 0 : i32
      %dma_wait3A_735 = tpu.memref_slice %arg6[%mul3A_692, %dma_wait3A_727, %dma_wait3A_734] : memref<32x8x100xi32, #tpu.memory_space<vmem>> -> memref<1x1x100xi32, #tpu.memory_space<vmem>>
      %dma_wait3A_736 = tpu.memref_squeeze %dma_wait3A_735 : memref<1x1x100xi32, #tpu.memory_space<vmem>> -> memref<100xi32, #tpu.memory_space<vmem>>
      %dma_wait3A_737 = arith.constant 0 : i32
      %dma_wait3A_738 = arith.constant 0 : i32
      %dma_wait3A_739 = tpu.memref_slice %arg2[%dma_wait3A_737, %dma_wait3A_738] : memref<1000000x32xf32, #tpu.memory_space<hbm>> -> memref<1000000x32xf32, #tpu.memory_space<hbm>>
      %dma_wait3A_740 = tpu.memref_slice %arg10[%dma_wait3A_729] : memref<2x!tpu.dma_semaphore, #tpu.memory_space<semaphore_mem>> -> memref<1x!tpu.dma_semaphore, #tpu.memory_space<semaphore_mem>>
      %dma_wait3A_741 = tpu.memref_squeeze %dma_wait3A_740 : memref<1x!tpu.dma_semaphore, #tpu.memory_space<semaphore_mem>> -> memref<!tpu.dma_semaphore, #tpu.memory_space<semaphore_mem>>
      tpu.wait_indirect_dma semaphore(%dma_wait3A_741 : memref<!tpu.dma_semaphore, #tpu.memory_space<semaphore_mem>>) src(%dma_wait3A_739 : memref<1000000x32xf32, #tpu.memory_space<hbm>>) dst(%dma_wait3A_733 : memref<100x32xf32, #tpu.memory_space<vmem>>)
      %dma_wait3A_742 = arith.constant 3 : i32
      %dma_wait3A_743 = arith.constant 0 : i32
      %dma_wait3A_744 = arith.constant 0 : i32
      %dma_wait3A_745 = arith.constant 300 : i32
      %dma_wait3A_746 = arith.constant 0 : i32
      %dma_wait3A_747 = tpu.memref_slice %arg7[%dma_wait3A_743, %dma_wait3A_745, %dma_wait3A_746] : memref<2x800x32xf32, #tpu.memory_space<vmem>> -> memref<1x100x32xf32, #tpu.memory_space<vmem>>
      %dma_wait3A_748 = tpu.memref_squeeze %dma_wait3A_747 : memref<1x100x32xf32, #tpu.memory_space<vmem>> -> memref<100x32xf32, #tpu.memory_space<vmem>>
      %dma_wait3A_749 = arith.constant 0 : i32
      %dma_wait3A_750 = tpu.memref_slice %arg6[%mul3A_692, %dma_wait3A_742, %dma_wait3A_749] : memref<32x8x100xi32, #tpu.memory_space<vmem>> -> memref<1x1x100xi32, #tpu.memory_space<vmem>>
      %dma_wait3A_751 = tpu.memref_squeeze %dma_wait3A_750 : memref<1x1x100xi32, #tpu.memory_space<vmem>> -> memref<100xi32, #tpu.memory_space<vmem>>
      %dma_wait3A_752 = arith.constant 0 : i32
      %dma_wait3A_753 = arith.constant 0 : i32
      %dma_wait3A_754 = tpu.memref_slice %arg2[%dma_wait3A_752, %dma_wait3A_753] : memref<1000000x32xf32, #tpu.memory_space<hbm>> -> memref<1000000x32xf32, #tpu.memory_space<hbm>>
      %dma_wait3A_755 = tpu.memref_slice %arg10[%dma_wait3A_744] : memref<2x!tpu.dma_semaphore, #tpu.memory_space<semaphore_mem>> -> memref<1x!tpu.dma_semaphore, #tpu.memory_space<semaphore_mem>>
      %dma_wait3A_756 = tpu.memref_squeeze %dma_wait3A_755 : memref<1x!tpu.dma_semaphore, #tpu.memory_space<semaphore_mem>> -> memref<!tpu.dma_semaphore, #tpu.memory_space<semaphore_mem>>
      tpu.wait_indirect_dma semaphore(%dma_wait3A_756 : memref<!tpu.dma_semaphore, #tpu.memory_space<semaphore_mem>>) src(%dma_wait3A_754 : memref<1000000x32xf32, #tpu.memory_space<hbm>>) dst(%dma_wait3A_748 : memref<100x32xf32, #tpu.memory_space<vmem>>)
      %dma_wait3A_757 = arith.constant 4 : i32
      %dma_wait3A_758 = arith.constant 0 : i32
      %dma_wait3A_759 = arith.constant 0 : i32
      %dma_wait3A_760 = arith.constant 400 : i32
      %dma_wait3A_761 = arith.constant 0 : i32
      %dma_wait3A_762 = tpu.memref_slice %arg7[%dma_wait3A_758, %dma_wait3A_760, %dma_wait3A_761] : memref<2x800x32xf32, #tpu.memory_space<vmem>> -> memref<1x100x32xf32, #tpu.memory_space<vmem>>
      %dma_wait3A_763 = tpu.memref_squeeze %dma_wait3A_762 : memref<1x100x32xf32, #tpu.memory_space<vmem>> -> memref<100x32xf32, #tpu.memory_space<vmem>>
      %dma_wait3A_764 = arith.constant 0 : i32
      %dma_wait3A_765 = tpu.memref_slice %arg6[%mul3A_692, %dma_wait3A_757, %dma_wait3A_764] : memref<32x8x100xi32, #tpu.memory_space<vmem>> -> memref<1x1x100xi32, #tpu.memory_space<vmem>>
      %dma_wait3A_766 = tpu.memref_squeeze %dma_wait3A_765 : memref<1x1x100xi32, #tpu.memory_space<vmem>> -> memref<100xi32, #tpu.memory_space<vmem>>
      %dma_wait3A_767 = arith.constant 0 : i32
      %dma_wait3A_768 = arith.constant 0 : i32
      %dma_wait3A_769 = tpu.memref_slice %arg2[%dma_wait3A_767, %dma_wait3A_768] : memref<1000000x32xf32, #tpu.memory_space<hbm>> -> memref<1000000x32xf32, #tpu.memory_space<hbm>>
      %dma_wait3A_770 = tpu.memref_slice %arg10[%dma_wait3A_759] : memref<2x!tpu.dma_semaphore, #tpu.memory_space<semaphore_mem>> -> memref<1x!tpu.dma_semaphore, #tpu.memory_space<semaphore_mem>>
      %dma_wait3A_771 = tpu.memref_squeeze %dma_wait3A_770 : memref<1x!tpu.dma_semaphore, #tpu.memory_space<semaphore_mem>> -> memref<!tpu.dma_semaphore, #tpu.memory_space<semaphore_mem>>
      tpu.wait_indirect_dma semaphore(%dma_wait3A_771 : memref<!tpu.dma_semaphore, #tpu.memory_space<semaphore_mem>>) src(%dma_wait3A_769 : memref<1000000x32xf32, #tpu.memory_space<hbm>>) dst(%dma_wait3A_763 : memref<100x32xf32, #tpu.memory_space<vmem>>)
      %dma_wait3A_772 = arith.constant 5 : i32
      %dma_wait3A_773 = arith.constant 0 : i32
      %dma_wait3A_774 = arith.constant 0 : i32
      %dma_wait3A_775 = arith.constant 500 : i32
      %dma_wait3A_776 = arith.constant 0 : i32
      %dma_wait3A_777 = tpu.memref_slice %arg7[%dma_wait3A_773, %dma_wait3A_775, %dma_wait3A_776] : memref<2x800x32xf32, #tpu.memory_space<vmem>> -> memref<1x100x32xf32, #tpu.memory_space<vmem>>
      %dma_wait3A_778 = tpu.memref_squeeze %dma_wait3A_777 : memref<1x100x32xf32, #tpu.memory_space<vmem>> -> memref<100x32xf32, #tpu.memory_space<vmem>>
      %dma_wait3A_779 = arith.constant 0 : i32
      %dma_wait3A_780 = tpu.memref_slice %arg6[%mul3A_692, %dma_wait3A_772, %dma_wait3A_779] : memref<32x8x100xi32, #tpu.memory_space<vmem>> -> memref<1x1x100xi32, #tpu.memory_space<vmem>>
      %dma_wait3A_781 = tpu.memref_squeeze %dma_wait3A_780 : memref<1x1x100xi32, #tpu.memory_space<vmem>> -> memref<100xi32, #tpu.memory_space<vmem>>
      %dma_wait3A_782 = arith.constant 0 : i32
      %dma_wait3A_783 = arith.constant 0 : i32
      %dma_wait3A_784 = tpu.memref_slice %arg2[%dma_wait3A_782, %dma_wait3A_783] : memref<1000000x32xf32, #tpu.memory_space<hbm>> -> memref<1000000x32xf32, #tpu.memory_space<hbm>>
      %dma_wait3A_785 = tpu.memref_slice %arg10[%dma_wait3A_774] : memref<2x!tpu.dma_semaphore, #tpu.memory_space<semaphore_mem>> -> memref<1x!tpu.dma_semaphore, #tpu.memory_space<semaphore_mem>>
      %dma_wait3A_786 = tpu.memref_squeeze %dma_wait3A_785 : memref<1x!tpu.dma_semaphore, #tpu.memory_space<semaphore_mem>> -> memref<!tpu.dma_semaphore, #tpu.memory_space<semaphore_mem>>
      tpu.wait_indirect_dma semaphore(%dma_wait3A_786 : memref<!tpu.dma_semaphore, #tpu.memory_space<semaphore_mem>>) src(%dma_wait3A_784 : memref<1000000x32xf32, #tpu.memory_space<hbm>>) dst(%dma_wait3A_778 : memref<100x32xf32, #tpu.memory_space<vmem>>)
      %dma_wait3A_787 = arith.constant 6 : i32
      %dma_wait3A_788 = arith.constant 0 : i32
      %dma_wait3A_789 = arith.constant 0 : i32
      %dma_wait3A_790 = arith.constant 600 : i32
      %dma_wait3A_791 = arith.constant 0 : i32
      %dma_wait3A_792 = tpu.memref_slice %arg7[%dma_wait3A_788, %dma_wait3A_790, %dma_wait3A_791] : memref<2x800x32xf32, #tpu.memory_space<vmem>> -> memref<1x100x32xf32, #tpu.memory_space<vmem>>
      %dma_wait3A_793 = tpu.memref_squeeze %dma_wait3A_792 : memref<1x100x32xf32, #tpu.memory_space<vmem>> -> memref<100x32xf32, #tpu.memory_space<vmem>>
      %dma_wait3A_794 = arith.constant 0 : i32
      %dma_wait3A_795 = tpu.memref_slice %arg6[%mul3A_692, %dma_wait3A_787, %dma_wait3A_794] : memref<32x8x100xi32, #tpu.memory_space<vmem>> -> memref<1x1x100xi32, #tpu.memory_space<vmem>>
      %dma_wait3A_796 = tpu.memref_squeeze %dma_wait3A_795 : memref<1x1x100xi32, #tpu.memory_space<vmem>> -> memref<100xi32, #tpu.memory_space<vmem>>
      %dma_wait3A_797 = arith.constant 0 : i32
      %dma_wait3A_798 = arith.constant 0 : i32
      %dma_wait3A_799 = tpu.memref_slice %arg2[%dma_wait3A_797, %dma_wait3A_798] : memref<1000000x32xf32, #tpu.memory_space<hbm>> -> memref<1000000x32xf32, #tpu.memory_space<hbm>>
      %dma_wait3A_800 = tpu.memref_slice %arg10[%dma_wait3A_789] : memref<2x!tpu.dma_semaphore, #tpu.memory_space<semaphore_mem>> -> memref<1x!tpu.dma_semaphore, #tpu.memory_space<semaphore_mem>>
      %dma_wait3A_801 = tpu.memref_squeeze %dma_wait3A_800 : memref<1x!tpu.dma_semaphore, #tpu.memory_space<semaphore_mem>> -> memref<!tpu.dma_semaphore, #tpu.memory_space<semaphore_mem>>
      tpu.wait_indirect_dma semaphore(%dma_wait3A_801 : memref<!tpu.dma_semaphore, #tpu.memory_space<semaphore_mem>>) src(%dma_wait3A_799 : memref<1000000x32xf32, #tpu.memory_space<hbm>>) dst(%dma_wait3A_793 : memref<100x32xf32, #tpu.memory_space<vmem>>)
      %dma_wait3A_802 = arith.constant 7 : i32
      %dma_wait3A_803 = arith.constant 0 : i32
      %dma_wait3A_804 = arith.constant 0 : i32
      %dma_wait3A_805 = arith.constant 700 : i32
      %dma_wait3A_806 = arith.constant 0 : i32
      %dma_wait3A_807 = tpu.memref_slice %arg7[%dma_wait3A_803, %dma_wait3A_805, %dma_wait3A_806] : memref<2x800x32xf32, #tpu.memory_space<vmem>> -> memref<1x100x32xf32, #tpu.memory_space<vmem>>
      %dma_wait3A_808 = tpu.memref_squeeze %dma_wait3A_807 : memref<1x100x32xf32, #tpu.memory_space<vmem>> -> memref<100x32xf32, #tpu.memory_space<vmem>>
      %dma_wait3A_809 = arith.constant 0 : i32
      %dma_wait3A_810 = tpu.memref_slice %arg6[%mul3A_692, %dma_wait3A_802, %dma_wait3A_809] : memref<32x8x100xi32, #tpu.memory_space<vmem>> -> memref<1x1x100xi32, #tpu.memory_space<vmem>>
      %dma_wait3A_811 = tpu.memref_squeeze %dma_wait3A_810 : memref<1x1x100xi32, #tpu.memory_space<vmem>> -> memref<100xi32, #tpu.memory_space<vmem>>
      %dma_wait3A_812 = arith.constant 0 : i32
      %dma_wait3A_813 = arith.constant 0 : i32
      %dma_wait3A_814 = tpu.memref_slice %arg2[%dma_wait3A_812, %dma_wait3A_813] : memref<1000000x32xf32, #tpu.memory_space<hbm>> -> memref<1000000x32xf32, #tpu.memory_space<hbm>>
      %dma_wait3A_815 = tpu.memref_slice %arg10[%dma_wait3A_804] : memref<2x!tpu.dma_semaphore, #tpu.memory_space<semaphore_mem>> -> memref<1x!tpu.dma_semaphore, #tpu.memory_space<semaphore_mem>>
      %dma_wait3A_816 = tpu.memref_squeeze %dma_wait3A_815 : memref<1x!tpu.dma_semaphore, #tpu.memory_space<semaphore_mem>> -> memref<!tpu.dma_semaphore, #tpu.memory_space<semaphore_mem>>
      tpu.wait_indirect_dma semaphore(%dma_wait3A_816 : memref<!tpu.dma_semaphore, #tpu.memory_space<semaphore_mem>>) src(%dma_wait3A_814 : memref<1000000x32xf32, #tpu.memory_space<hbm>>) dst(%dma_wait3A_808 : memref<100x32xf32, #tpu.memory_space<vmem>>)
      %mul3A_817 = arith.constant 32 : i32
      %mul3A_818 = arith.muli %add3A, %mul3A_817 : i32
      %add3A_819 = arith.addi %mul3A_818, %mul3A_692 : i32
      %mul3A_820 = arith.constant 800 : i32
      %mul3A_821 = arith.muli %add3A_819, %mul3A_820 : i32
      %dma_start3A_822 = arith.constant 0 : i32
      %dma_start3A_823 = arith.constant 0 : i32
      %dma_start3A_824 = arith.constant 0 : i32
      %dma_start3A_825 = arith.constant 0 : i32
      %dma_start3A_826 = tpu.memref_slice %arg7[%dma_start3A_822, %dma_start3A_824, %dma_start3A_825] : memref<2x800x32xf32, #tpu.memory_space<vmem>> -> memref<1x800x32xf32, #tpu.memory_space<vmem>>
      %dma_start3A_827 = tpu.memref_squeeze %dma_start3A_826 : memref<1x800x32xf32, #tpu.memory_space<vmem>> -> memref<800x32xf32, #tpu.memory_space<vmem>>
      %dma_start3A_828 = arith.constant 0 : i32
      %dma_start3A_829 = tpu.memref_slice %arg5[%mul3A_821, %dma_start3A_828] : memref<819200x32xf32, #tpu.memory_space<hbm>> -> memref<800x32xf32, #tpu.memory_space<hbm>>
      %dma_start3A_830 = tpu.memref_slice %arg11[%dma_start3A_823] : memref<2x!tpu.dma_semaphore, #tpu.memory_space<semaphore_mem>> -> memref<1x!tpu.dma_semaphore, #tpu.memory_space<semaphore_mem>>
      %dma_start3A_831 = tpu.memref_squeeze %dma_start3A_830 : memref<1x!tpu.dma_semaphore, #tpu.memory_space<semaphore_mem>> -> memref<!tpu.dma_semaphore, #tpu.memory_space<semaphore_mem>>
      %dma_start3A_832 = arith.constant 0 : i32
      %dma_start3A_833 = tpu.memref_slice %arg5[%mul3A_821, %dma_start3A_832] : memref<819200x32xf32, #tpu.memory_space<hbm>> -> memref<800x32xf32, #tpu.memory_space<hbm>>
      %dma_start3A_834 = arith.constant 0 : i32
      %dma_start3A_835 = arith.constant 0 : i32
      %dma_start3A_836 = tpu.memref_slice %arg7[%dma_start3A_822, %dma_start3A_834, %dma_start3A_835] : memref<2x800x32xf32, #tpu.memory_space<vmem>> -> memref<1x800x32xf32, #tpu.memory_space<vmem>>
      %dma_start3A_837 = tpu.memref_squeeze %dma_start3A_836 : memref<1x800x32xf32, #tpu.memory_space<vmem>> -> memref<800x32xf32, #tpu.memory_space<vmem>>
      tpu.enqueue_dma source(%dma_start3A_837 : memref<800x32xf32, #tpu.memory_space<vmem>>) target(%dma_start3A_833 : memref<800x32xf32, #tpu.memory_space<hbm>>) target_semaphore(%dma_start3A_831 : memref<!tpu.dma_semaphore, #tpu.memory_space<semaphore_mem>>)
      %dma_wait3A_838 = arith.constant 1 : i32
      %dma_wait3A_839 = arith.constant 1 : i32
      %dma_wait3A_840 = arith.constant 0 : i32
      %dma_wait3A_841 = arith.constant 0 : i32
      %dma_wait3A_842 = tpu.memref_slice %arg7[%dma_wait3A_838, %dma_wait3A_840, %dma_wait3A_841] : memref<2x800x32xf32, #tpu.memory_space<vmem>> -> memref<1x800x32xf32, #tpu.memory_space<vmem>>
      %dma_wait3A_843 = tpu.memref_squeeze %dma_wait3A_842 : memref<1x800x32xf32, #tpu.memory_space<vmem>> -> memref<800x32xf32, #tpu.memory_space<vmem>>
      %dma_wait3A_844 = tpu.memref_slice %arg9[%dma_wait3A_839] : memref<2x!tpu.dma_semaphore, #tpu.memory_space<semaphore_mem>> -> memref<1x!tpu.dma_semaphore, #tpu.memory_space<semaphore_mem>>
      %dma_wait3A_845 = tpu.memref_squeeze %dma_wait3A_844 : memref<1x!tpu.dma_semaphore, #tpu.memory_space<semaphore_mem>> -> memref<!tpu.dma_semaphore, #tpu.memory_space<semaphore_mem>>
      %dma_wait3A_846 = arith.constant 0 : i32
      %dma_wait3A_847 = arith.constant 0 : i32
      %dma_wait3A_848 = tpu.memref_slice %arg7[%dma_wait3A_838, %dma_wait3A_846, %dma_wait3A_847] : memref<2x800x32xf32, #tpu.memory_space<vmem>> -> memref<1x800x32xf32, #tpu.memory_space<vmem>>
      %dma_wait3A_849 = tpu.memref_squeeze %dma_wait3A_848 : memref<1x800x32xf32, #tpu.memory_space<vmem>> -> memref<800x32xf32, #tpu.memory_space<vmem>>
      tpu.wait_dma2 semaphore(%dma_wait3A_845 : memref<!tpu.dma_semaphore, #tpu.memory_space<semaphore_mem>>) src(%arg8 : memref<800x32xf32, #tpu.memory_space<vmem_shared>>) dst(%dma_wait3A_849 : memref<800x32xf32, #tpu.memory_space<vmem>>)
      %dma_start3A_850 = arith.constant 0 : i32
      %dma_start3A_851 = arith.constant 1 : i32
      %dma_start3A_852 = arith.constant 1 : i32
      %dma_start3A_853 = arith.constant 0 : i32
      %dma_start3A_854 = arith.constant 0 : i32
      %dma_start3A_855 = tpu.memref_slice %arg7[%dma_start3A_851, %dma_start3A_853, %dma_start3A_854] : memref<2x800x32xf32, #tpu.memory_space<vmem>> -> memref<1x100x32xf32, #tpu.memory_space<vmem>>
      %dma_start3A_856 = tpu.memref_squeeze %dma_start3A_855 : memref<1x100x32xf32, #tpu.memory_space<vmem>> -> memref<100x32xf32, #tpu.memory_space<vmem>>
      %dma_start3A_857 = arith.constant 0 : i32
      %dma_start3A_858 = tpu.memref_slice %arg6[%add3A_696, %dma_start3A_850, %dma_start3A_857] : memref<32x8x100xi32, #tpu.memory_space<vmem>> -> memref<1x1x100xi32, #tpu.memory_space<vmem>>
      %dma_start3A_859 = tpu.memref_squeeze %dma_start3A_858 : memref<1x1x100xi32, #tpu.memory_space<vmem>> -> memref<100xi32, #tpu.memory_space<vmem>>
      %dma_start3A_860 = arith.constant 0 : i32
      %dma_start3A_861 = arith.constant 0 : i32
      %dma_start3A_862 = tpu.memref_slice %arg2[%dma_start3A_860, %dma_start3A_861] : memref<1000000x32xf32, #tpu.memory_space<hbm>> -> memref<1000000x32xf32, #tpu.memory_space<hbm>>
      %dma_start3A_863 = tpu.memref_slice %arg10[%dma_start3A_852] : memref<2x!tpu.dma_semaphore, #tpu.memory_space<semaphore_mem>> -> memref<1x!tpu.dma_semaphore, #tpu.memory_space<semaphore_mem>>
      %dma_start3A_864 = tpu.memref_squeeze %dma_start3A_863 : memref<1x!tpu.dma_semaphore, #tpu.memory_space<semaphore_mem>> -> memref<!tpu.dma_semaphore, #tpu.memory_space<semaphore_mem>>
      tpu.enqueue_indirect_dma source(%dma_start3A_862 : memref<1000000x32xf32, #tpu.memory_space<hbm>>) target(%dma_start3A_856 : memref<100x32xf32, #tpu.memory_space<vmem>>) offsets(%dma_start3A_859 : memref<100xi32, #tpu.memory_space<vmem>>) semaphore(%dma_start3A_864 : memref<!tpu.dma_semaphore, #tpu.memory_space<semaphore_mem>>) {add = true}
      %dma_start3A_865 = arith.constant 1 : i32
      %dma_start3A_866 = arith.constant 1 : i32
      %dma_start3A_867 = arith.constant 1 : i32
      %dma_start3A_868 = arith.constant 100 : i32
      %dma_start3A_869 = arith.constant 0 : i32
      %dma_start3A_870 = tpu.memref_slice %arg7[%dma_start3A_866, %dma_start3A_868, %dma_start3A_869] : memref<2x800x32xf32, #tpu.memory_space<vmem>> -> memref<1x100x32xf32, #tpu.memory_space<vmem>>
      %dma_start3A_871 = tpu.memref_squeeze %dma_start3A_870 : memref<1x100x32xf32, #tpu.memory_space<vmem>> -> memref<100x32xf32, #tpu.memory_space<vmem>>
      %dma_start3A_872 = arith.constant 0 : i32
      %dma_start3A_873 = tpu.memref_slice %arg6[%add3A_696, %dma_start3A_865, %dma_start3A_872] : memref<32x8x100xi32, #tpu.memory_space<vmem>> -> memref<1x1x100xi32, #tpu.memory_space<vmem>>
      %dma_start3A_874 = tpu.memref_squeeze %dma_start3A_873 : memref<1x1x100xi32, #tpu.memory_space<vmem>> -> memref<100xi32, #tpu.memory_space<vmem>>
      %dma_start3A_875 = arith.constant 0 : i32
      %dma_start3A_876 = arith.constant 0 : i32
      %dma_start3A_877 = tpu.memref_slice %arg2[%dma_start3A_875, %dma_start3A_876] : memref<1000000x32xf32, #tpu.memory_space<hbm>> -> memref<1000000x32xf32, #tpu.memory_space<hbm>>
      %dma_start3A_878 = tpu.memref_slice %arg10[%dma_start3A_867] : memref<2x!tpu.dma_semaphore, #tpu.memory_space<semaphore_mem>> -> memref<1x!tpu.dma_semaphore, #tpu.memory_space<semaphore_mem>>
      %dma_start3A_879 = tpu.memref_squeeze %dma_start3A_878 : memref<1x!tpu.dma_semaphore, #tpu.memory_space<semaphore_mem>> -> memref<!tpu.dma_semaphore, #tpu.memory_space<semaphore_mem>>
      tpu.enqueue_indirect_dma source(%dma_start3A_877 : memref<1000000x32xf32, #tpu.memory_space<hbm>>) target(%dma_start3A_871 : memref<100x32xf32, #tpu.memory_space<vmem>>) offsets(%dma_start3A_874 : memref<100xi32, #tpu.memory_space<vmem>>) semaphore(%dma_start3A_879 : memref<!tpu.dma_semaphore, #tpu.memory_space<semaphore_mem>>) {add = true}
      %dma_start3A_880 = arith.constant 2 : i32
      %dma_start3A_881 = arith.constant 1 : i32
      %dma_start3A_882 = arith.constant 1 : i32
      %dma_start3A_883 = arith.constant 200 : i32
      %dma_start3A_884 = arith.constant 0 : i32
      %dma_start3A_885 = tpu.memref_slice %arg7[%dma_start3A_881, %dma_start3A_883, %dma_start3A_884] : memref<2x800x32xf32, #tpu.memory_space<vmem>> -> memref<1x100x32xf32, #tpu.memory_space<vmem>>
      %dma_start3A_886 = tpu.memref_squeeze %dma_start3A_885 : memref<1x100x32xf32, #tpu.memory_space<vmem>> -> memref<100x32xf32, #tpu.memory_space<vmem>>
      %dma_start3A_887 = arith.constant 0 : i32
      %dma_start3A_888 = tpu.memref_slice %arg6[%add3A_696, %dma_start3A_880, %dma_start3A_887] : memref<32x8x100xi32, #tpu.memory_space<vmem>> -> memref<1x1x100xi32, #tpu.memory_space<vmem>>
      %dma_start3A_889 = tpu.memref_squeeze %dma_start3A_888 : memref<1x1x100xi32, #tpu.memory_space<vmem>> -> memref<100xi32, #tpu.memory_space<vmem>>
      %dma_start3A_890 = arith.constant 0 : i32
      %dma_start3A_891 = arith.constant 0 : i32
      %dma_start3A_892 = tpu.memref_slice %arg2[%dma_start3A_890, %dma_start3A_891] : memref<1000000x32xf32, #tpu.memory_space<hbm>> -> memref<1000000x32xf32, #tpu.memory_space<hbm>>
      %dma_start3A_893 = tpu.memref_slice %arg10[%dma_start3A_882] : memref<2x!tpu.dma_semaphore, #tpu.memory_space<semaphore_mem>> -> memref<1x!tpu.dma_semaphore, #tpu.memory_space<semaphore_mem>>
      %dma_start3A_894 = tpu.memref_squeeze %dma_start3A_893 : memref<1x!tpu.dma_semaphore, #tpu.memory_space<semaphore_mem>> -> memref<!tpu.dma_semaphore, #tpu.memory_space<semaphore_mem>>
      tpu.enqueue_indirect_dma source(%dma_start3A_892 : memref<1000000x32xf32, #tpu.memory_space<hbm>>) target(%dma_start3A_886 : memref<100x32xf32, #tpu.memory_space<vmem>>) offsets(%dma_start3A_889 : memref<100xi32, #tpu.memory_space<vmem>>) semaphore(%dma_start3A_894 : memref<!tpu.dma_semaphore, #tpu.memory_space<semaphore_mem>>) {add = true}
      %dma_start3A_895 = arith.constant 3 : i32
      %dma_start3A_896 = arith.constant 1 : i32
      %dma_start3A_897 = arith.constant 1 : i32
      %dma_start3A_898 = arith.constant 300 : i32
      %dma_start3A_899 = arith.constant 0 : i32
      %dma_start3A_900 = tpu.memref_slice %arg7[%dma_start3A_896, %dma_start3A_898, %dma_start3A_899] : memref<2x800x32xf32, #tpu.memory_space<vmem>> -> memref<1x100x32xf32, #tpu.memory_space<vmem>>
      %dma_start3A_901 = tpu.memref_squeeze %dma_start3A_900 : memref<1x100x32xf32, #tpu.memory_space<vmem>> -> memref<100x32xf32, #tpu.memory_space<vmem>>
      %dma_start3A_902 = arith.constant 0 : i32
      %dma_start3A_903 = tpu.memref_slice %arg6[%add3A_696, %dma_start3A_895, %dma_start3A_902] : memref<32x8x100xi32, #tpu.memory_space<vmem>> -> memref<1x1x100xi32, #tpu.memory_space<vmem>>
      %dma_start3A_904 = tpu.memref_squeeze %dma_start3A_903 : memref<1x1x100xi32, #tpu.memory_space<vmem>> -> memref<100xi32, #tpu.memory_space<vmem>>
      %dma_start3A_905 = arith.constant 0 : i32
      %dma_start3A_906 = arith.constant 0 : i32
      %dma_start3A_907 = tpu.memref_slice %arg2[%dma_start3A_905, %dma_start3A_906] : memref<1000000x32xf32, #tpu.memory_space<hbm>> -> memref<1000000x32xf32, #tpu.memory_space<hbm>>
      %dma_start3A_908 = tpu.memref_slice %arg10[%dma_start3A_897] : memref<2x!tpu.dma_semaphore, #tpu.memory_space<semaphore_mem>> -> memref<1x!tpu.dma_semaphore, #tpu.memory_space<semaphore_mem>>
      %dma_start3A_909 = tpu.memref_squeeze %dma_start3A_908 : memref<1x!tpu.dma_semaphore, #tpu.memory_space<semaphore_mem>> -> memref<!tpu.dma_semaphore, #tpu.memory_space<semaphore_mem>>
      tpu.enqueue_indirect_dma source(%dma_start3A_907 : memref<1000000x32xf32, #tpu.memory_space<hbm>>) target(%dma_start3A_901 : memref<100x32xf32, #tpu.memory_space<vmem>>) offsets(%dma_start3A_904 : memref<100xi32, #tpu.memory_space<vmem>>) semaphore(%dma_start3A_909 : memref<!tpu.dma_semaphore, #tpu.memory_space<semaphore_mem>>) {add = true}
      %dma_start3A_910 = arith.constant 4 : i32
      %dma_start3A_911 = arith.constant 1 : i32
      %dma_start3A_912 = arith.constant 1 : i32
      %dma_start3A_913 = arith.constant 400 : i32
      %dma_start3A_914 = arith.constant 0 : i32
      %dma_start3A_915 = tpu.memref_slice %arg7[%dma_start3A_911, %dma_start3A_913, %dma_start3A_914] : memref<2x800x32xf32, #tpu.memory_space<vmem>> -> memref<1x100x32xf32, #tpu.memory_space<vmem>>
      %dma_start3A_916 = tpu.memref_squeeze %dma_start3A_915 : memref<1x100x32xf32, #tpu.memory_space<vmem>> -> memref<100x32xf32, #tpu.memory_space<vmem>>
      %dma_start3A_917 = arith.constant 0 : i32
      %dma_start3A_918 = tpu.memref_slice %arg6[%add3A_696, %dma_start3A_910, %dma_start3A_917] : memref<32x8x100xi32, #tpu.memory_space<vmem>> -> memref<1x1x100xi32, #tpu.memory_space<vmem>>
      %dma_start3A_919 = tpu.memref_squeeze %dma_start3A_918 : memref<1x1x100xi32, #tpu.memory_space<vmem>> -> memref<100xi32, #tpu.memory_space<vmem>>
      %dma_start3A_920 = arith.constant 0 : i32
      %dma_start3A_921 = arith.constant 0 : i32
      %dma_start3A_922 = tpu.memref_slice %arg2[%dma_start3A_920, %dma_start3A_921] : memref<1000000x32xf32, #tpu.memory_space<hbm>> -> memref<1000000x32xf32, #tpu.memory_space<hbm>>
      %dma_start3A_923 = tpu.memref_slice %arg10[%dma_start3A_912] : memref<2x!tpu.dma_semaphore, #tpu.memory_space<semaphore_mem>> -> memref<1x!tpu.dma_semaphore, #tpu.memory_space<semaphore_mem>>
      %dma_start3A_924 = tpu.memref_squeeze %dma_start3A_923 : memref<1x!tpu.dma_semaphore, #tpu.memory_space<semaphore_mem>> -> memref<!tpu.dma_semaphore, #tpu.memory_space<semaphore_mem>>
      tpu.enqueue_indirect_dma source(%dma_start3A_922 : memref<1000000x32xf32, #tpu.memory_space<hbm>>) target(%dma_start3A_916 : memref<100x32xf32, #tpu.memory_space<vmem>>) offsets(%dma_start3A_919 : memref<100xi32, #tpu.memory_space<vmem>>) semaphore(%dma_start3A_924 : memref<!tpu.dma_semaphore, #tpu.memory_space<semaphore_mem>>) {add = true}
      %dma_start3A_925 = arith.constant 5 : i32
      %dma_start3A_926 = arith.constant 1 : i32
      %dma_start3A_927 = arith.constant 1 : i32
      %dma_start3A_928 = arith.constant 500 : i32
      %dma_start3A_929 = arith.constant 0 : i32
      %dma_start3A_930 = tpu.memref_slice %arg7[%dma_start3A_926, %dma_start3A_928, %dma_start3A_929] : memref<2x800x32xf32, #tpu.memory_space<vmem>> -> memref<1x100x32xf32, #tpu.memory_space<vmem>>
      %dma_start3A_931 = tpu.memref_squeeze %dma_start3A_930 : memref<1x100x32xf32, #tpu.memory_space<vmem>> -> memref<100x32xf32, #tpu.memory_space<vmem>>
      %dma_start3A_932 = arith.constant 0 : i32
      %dma_start3A_933 = tpu.memref_slice %arg6[%add3A_696, %dma_start3A_925, %dma_start3A_932] : memref<32x8x100xi32, #tpu.memory_space<vmem>> -> memref<1x1x100xi32, #tpu.memory_space<vmem>>
      %dma_start3A_934 = tpu.memref_squeeze %dma_start3A_933 : memref<1x1x100xi32, #tpu.memory_space<vmem>> -> memref<100xi32, #tpu.memory_space<vmem>>
      %dma_start3A_935 = arith.constant 0 : i32
      %dma_start3A_936 = arith.constant 0 : i32
      %dma_start3A_937 = tpu.memref_slice %arg2[%dma_start3A_935, %dma_start3A_936] : memref<1000000x32xf32, #tpu.memory_space<hbm>> -> memref<1000000x32xf32, #tpu.memory_space<hbm>>
      %dma_start3A_938 = tpu.memref_slice %arg10[%dma_start3A_927] : memref<2x!tpu.dma_semaphore, #tpu.memory_space<semaphore_mem>> -> memref<1x!tpu.dma_semaphore, #tpu.memory_space<semaphore_mem>>
      %dma_start3A_939 = tpu.memref_squeeze %dma_start3A_938 : memref<1x!tpu.dma_semaphore, #tpu.memory_space<semaphore_mem>> -> memref<!tpu.dma_semaphore, #tpu.memory_space<semaphore_mem>>
      tpu.enqueue_indirect_dma source(%dma_start3A_937 : memref<1000000x32xf32, #tpu.memory_space<hbm>>) target(%dma_start3A_931 : memref<100x32xf32, #tpu.memory_space<vmem>>) offsets(%dma_start3A_934 : memref<100xi32, #tpu.memory_space<vmem>>) semaphore(%dma_start3A_939 : memref<!tpu.dma_semaphore, #tpu.memory_space<semaphore_mem>>) {add = true}
      %dma_start3A_940 = arith.constant 6 : i32
      %dma_start3A_941 = arith.constant 1 : i32
      %dma_start3A_942 = arith.constant 1 : i32
      %dma_start3A_943 = arith.constant 600 : i32
      %dma_start3A_944 = arith.constant 0 : i32
      %dma_start3A_945 = tpu.memref_slice %arg7[%dma_start3A_941, %dma_start3A_943, %dma_start3A_944] : memref<2x800x32xf32, #tpu.memory_space<vmem>> -> memref<1x100x32xf32, #tpu.memory_space<vmem>>
      %dma_start3A_946 = tpu.memref_squeeze %dma_start3A_945 : memref<1x100x32xf32, #tpu.memory_space<vmem>> -> memref<100x32xf32, #tpu.memory_space<vmem>>
      %dma_start3A_947 = arith.constant 0 : i32
      %dma_start3A_948 = tpu.memref_slice %arg6[%add3A_696, %dma_start3A_940, %dma_start3A_947] : memref<32x8x100xi32, #tpu.memory_space<vmem>> -> memref<1x1x100xi32, #tpu.memory_space<vmem>>
      %dma_start3A_949 = tpu.memref_squeeze %dma_start3A_948 : memref<1x1x100xi32, #tpu.memory_space<vmem>> -> memref<100xi32, #tpu.memory_space<vmem>>
      %dma_start3A_950 = arith.constant 0 : i32
      %dma_start3A_951 = arith.constant 0 : i32
      %dma_start3A_952 = tpu.memref_slice %arg2[%dma_start3A_950, %dma_start3A_951] : memref<1000000x32xf32, #tpu.memory_space<hbm>> -> memref<1000000x32xf32, #tpu.memory_space<hbm>>
      %dma_start3A_953 = tpu.memref_slice %arg10[%dma_start3A_942] : memref<2x!tpu.dma_semaphore, #tpu.memory_space<semaphore_mem>> -> memref<1x!tpu.dma_semaphore, #tpu.memory_space<semaphore_mem>>
      %dma_start3A_954 = tpu.memref_squeeze %dma_start3A_953 : memref<1x!tpu.dma_semaphore, #tpu.memory_space<semaphore_mem>> -> memref<!tpu.dma_semaphore, #tpu.memory_space<semaphore_mem>>
      tpu.enqueue_indirect_dma source(%dma_start3A_952 : memref<1000000x32xf32, #tpu.memory_space<hbm>>) target(%dma_start3A_946 : memref<100x32xf32, #tpu.memory_space<vmem>>) offsets(%dma_start3A_949 : memref<100xi32, #tpu.memory_space<vmem>>) semaphore(%dma_start3A_954 : memref<!tpu.dma_semaphore, #tpu.memory_space<semaphore_mem>>) {add = true}
      %dma_start3A_955 = arith.constant 7 : i32
      %dma_start3A_956 = arith.constant 1 : i32
      %dma_start3A_957 = arith.constant 1 : i32
      %dma_start3A_958 = arith.constant 700 : i32
      %dma_start3A_959 = arith.constant 0 : i32
      %dma_start3A_960 = tpu.memref_slice %arg7[%dma_start3A_956, %dma_start3A_958, %dma_start3A_959] : memref<2x800x32xf32, #tpu.memory_space<vmem>> -> memref<1x100x32xf32, #tpu.memory_space<vmem>>
      %dma_start3A_961 = tpu.memref_squeeze %dma_start3A_960 : memref<1x100x32xf32, #tpu.memory_space<vmem>> -> memref<100x32xf32, #tpu.memory_space<vmem>>
      %dma_start3A_962 = arith.constant 0 : i32
      %dma_start3A_963 = tpu.memref_slice %arg6[%add3A_696, %dma_start3A_955, %dma_start3A_962] : memref<32x8x100xi32, #tpu.memory_space<vmem>> -> memref<1x1x100xi32, #tpu.memory_space<vmem>>
      %dma_start3A_964 = tpu.memref_squeeze %dma_start3A_963 : memref<1x1x100xi32, #tpu.memory_space<vmem>> -> memref<100xi32, #tpu.memory_space<vmem>>
      %dma_start3A_965 = arith.constant 0 : i32
      %dma_start3A_966 = arith.constant 0 : i32
      %dma_start3A_967 = tpu.memref_slice %arg2[%dma_start3A_965, %dma_start3A_966] : memref<1000000x32xf32, #tpu.memory_space<hbm>> -> memref<1000000x32xf32, #tpu.memory_space<hbm>>
      %dma_start3A_968 = tpu.memref_slice %arg10[%dma_start3A_957] : memref<2x!tpu.dma_semaphore, #tpu.memory_space<semaphore_mem>> -> memref<1x!tpu.dma_semaphore, #tpu.memory_space<semaphore_mem>>
      %dma_start3A_969 = tpu.memref_squeeze %dma_start3A_968 : memref<1x!tpu.dma_semaphore, #tpu.memory_space<semaphore_mem>> -> memref<!tpu.dma_semaphore, #tpu.memory_space<semaphore_mem>>
      tpu.enqueue_indirect_dma source(%dma_start3A_967 : memref<1000000x32xf32, #tpu.memory_space<hbm>>) target(%dma_start3A_961 : memref<100x32xf32, #tpu.memory_space<vmem>>) offsets(%dma_start3A_964 : memref<100xi32, #tpu.memory_space<vmem>>) semaphore(%dma_start3A_969 : memref<!tpu.dma_semaphore, #tpu.memory_space<semaphore_mem>>) {add = true}
      %mul3A_970 = arith.constant 32 : i32
      %mul3A_971 = arith.muli %add3A, %mul3A_970 : i32
      %add3A_972 = arith.addi %mul3A_971, %mul3A_692 : i32
      %mul3A_973 = arith.constant 800 : i32
      %mul3A_974 = arith.muli %add3A_972, %mul3A_973 : i32
      %dma_wait3A_975 = arith.constant 0 : i32
      %dma_wait3A_976 = arith.constant 0 : i32
      %dma_wait3A_977 = arith.constant 0 : i32
      %dma_wait3A_978 = arith.constant 0 : i32
      %dma_wait3A_979 = tpu.memref_slice %arg7[%dma_wait3A_975, %dma_wait3A_977, %dma_wait3A_978] : memref<2x800x32xf32, #tpu.memory_space<vmem>> -> memref<1x800x32xf32, #tpu.memory_space<vmem>>
      %dma_wait3A_980 = tpu.memref_squeeze %dma_wait3A_979 : memref<1x800x32xf32, #tpu.memory_space<vmem>> -> memref<800x32xf32, #tpu.memory_space<vmem>>
      %dma_wait3A_981 = arith.constant 0 : i32
      %dma_wait3A_982 = tpu.memref_slice %arg5[%mul3A_974, %dma_wait3A_981] : memref<819200x32xf32, #tpu.memory_space<hbm>> -> memref<800x32xf32, #tpu.memory_space<hbm>>
      %dma_wait3A_983 = tpu.memref_slice %arg11[%dma_wait3A_976] : memref<2x!tpu.dma_semaphore, #tpu.memory_space<semaphore_mem>> -> memref<1x!tpu.dma_semaphore, #tpu.memory_space<semaphore_mem>>
      %dma_wait3A_984 = tpu.memref_squeeze %dma_wait3A_983 : memref<1x!tpu.dma_semaphore, #tpu.memory_space<semaphore_mem>> -> memref<!tpu.dma_semaphore, #tpu.memory_space<semaphore_mem>>
      %dma_wait3A_985 = arith.constant 0 : i32
      %dma_wait3A_986 = tpu.memref_slice %arg5[%mul3A_974, %dma_wait3A_985] : memref<819200x32xf32, #tpu.memory_space<hbm>> -> memref<800x32xf32, #tpu.memory_space<hbm>>
      %dma_wait3A_987 = arith.constant 0 : i32
      %dma_wait3A_988 = arith.constant 0 : i32
      %dma_wait3A_989 = tpu.memref_slice %arg7[%dma_wait3A_975, %dma_wait3A_987, %dma_wait3A_988] : memref<2x800x32xf32, #tpu.memory_space<vmem>> -> memref<1x800x32xf32, #tpu.memory_space<vmem>>
      %dma_wait3A_990 = tpu.memref_squeeze %dma_wait3A_989 : memref<1x800x32xf32, #tpu.memory_space<vmem>> -> memref<800x32xf32, #tpu.memory_space<vmem>>
      tpu.wait_dma2 semaphore(%dma_wait3A_984 : memref<!tpu.dma_semaphore, #tpu.memory_space<semaphore_mem>>) src(%dma_wait3A_990 : memref<800x32xf32, #tpu.memory_space<vmem>>) dst(%dma_wait3A_986 : memref<800x32xf32, #tpu.memory_space<hbm>>)
      %dma_start3A_991 = arith.constant 0 : i32
      %dma_start3A_992 = arith.constant 0 : i32
      %dma_start3A_993 = arith.constant 0 : i32
      %dma_start3A_994 = arith.constant 0 : i32
      %dma_start3A_995 = tpu.memref_slice %arg7[%dma_start3A_991, %dma_start3A_993, %dma_start3A_994] : memref<2x800x32xf32, #tpu.memory_space<vmem>> -> memref<1x800x32xf32, #tpu.memory_space<vmem>>
      %dma_start3A_996 = tpu.memref_squeeze %dma_start3A_995 : memref<1x800x32xf32, #tpu.memory_space<vmem>> -> memref<800x32xf32, #tpu.memory_space<vmem>>
      %dma_start3A_997 = tpu.memref_slice %arg9[%dma_start3A_992] : memref<2x!tpu.dma_semaphore, #tpu.memory_space<semaphore_mem>> -> memref<1x!tpu.dma_semaphore, #tpu.memory_space<semaphore_mem>>
      %dma_start3A_998 = tpu.memref_squeeze %dma_start3A_997 : memref<1x!tpu.dma_semaphore, #tpu.memory_space<semaphore_mem>> -> memref<!tpu.dma_semaphore, #tpu.memory_space<semaphore_mem>>
      %dma_start3A_999 = arith.constant 0 : i32
      %dma_start3A_1000 = arith.constant 0 : i32
      %dma_start3A_1001 = tpu.memref_slice %arg7[%dma_start3A_991, %dma_start3A_999, %dma_start3A_1000] : memref<2x800x32xf32, #tpu.memory_space<vmem>> -> memref<1x800x32xf32, #tpu.memory_space<vmem>>
      %dma_start3A_1002 = tpu.memref_squeeze %dma_start3A_1001 : memref<1x800x32xf32, #tpu.memory_space<vmem>> -> memref<800x32xf32, #tpu.memory_space<vmem>>
      tpu.enqueue_dma source(%arg8 : memref<800x32xf32, #tpu.memory_space<vmem_shared>>) target(%dma_start3A_1002 : memref<800x32xf32, #tpu.memory_space<vmem>>) target_semaphore(%dma_start3A_998 : memref<!tpu.dma_semaphore, #tpu.memory_space<semaphore_mem>>)
      %dma_wait3A_1003 = arith.constant 0 : i32
      %dma_wait3A_1004 = arith.constant 1 : i32
      %dma_wait3A_1005 = arith.constant 1 : i32
      %dma_wait3A_1006 = arith.constant 0 : i32
      %dma_wait3A_1007 = arith.constant 0 : i32
      %dma_wait3A_1008 = tpu.memref_slice %arg7[%dma_wait3A_1004, %dma_wait3A_1006, %dma_wait3A_1007] : memref<2x800x32xf32, #tpu.memory_space<vmem>> -> memref<1x100x32xf32, #tpu.memory_space<vmem>>
      %dma_wait3A_1009 = tpu.memref_squeeze %dma_wait3A_1008 : memref<1x100x32xf32, #tpu.memory_space<vmem>> -> memref<100x32xf32, #tpu.memory_space<vmem>>
      %dma_wait3A_1010 = arith.constant 0 : i32
      %dma_wait3A_1011 = tpu.memref_slice %arg6[%add3A_696, %dma_wait3A_1003, %dma_wait3A_1010] : memref<32x8x100xi32, #tpu.memory_space<vmem>> -> memref<1x1x100xi32, #tpu.memory_space<vmem>>
      %dma_wait3A_1012 = tpu.memref_squeeze %dma_wait3A_1011 : memref<1x1x100xi32, #tpu.memory_space<vmem>> -> memref<100xi32, #tpu.memory_space<vmem>>
      %dma_wait3A_1013 = arith.constant 0 : i32
      %dma_wait3A_1014 = arith.constant 0 : i32
      %dma_wait3A_1015 = tpu.memref_slice %arg2[%dma_wait3A_1013, %dma_wait3A_1014] : memref<1000000x32xf32, #tpu.memory_space<hbm>> -> memref<1000000x32xf32, #tpu.memory_space<hbm>>
      %dma_wait3A_1016 = tpu.memref_slice %arg10[%dma_wait3A_1005] : memref<2x!tpu.dma_semaphore, #tpu.memory_space<semaphore_mem>> -> memref<1x!tpu.dma_semaphore, #tpu.memory_space<semaphore_mem>>
      %dma_wait3A_1017 = tpu.memref_squeeze %dma_wait3A_1016 : memref<1x!tpu.dma_semaphore, #tpu.memory_space<semaphore_mem>> -> memref<!tpu.dma_semaphore, #tpu.memory_space<semaphore_mem>>
      tpu.wait_indirect_dma semaphore(%dma_wait3A_1017 : memref<!tpu.dma_semaphore, #tpu.memory_space<semaphore_mem>>) src(%dma_wait3A_1015 : memref<1000000x32xf32, #tpu.memory_space<hbm>>) dst(%dma_wait3A_1009 : memref<100x32xf32, #tpu.memory_space<vmem>>)
      %dma_wait3A_1018 = arith.constant 1 : i32
      %dma_wait3A_1019 = arith.constant 1 : i32
      %dma_wait3A_1020 = arith.constant 1 : i32
      %dma_wait3A_1021 = arith.constant 100 : i32
      %dma_wait3A_1022 = arith.constant 0 : i32
      %dma_wait3A_1023 = tpu.memref_slice %arg7[%dma_wait3A_1019, %dma_wait3A_1021, %dma_wait3A_1022] : memref<2x800x32xf32, #tpu.memory_space<vmem>> -> memref<1x100x32xf32, #tpu.memory_space<vmem>>
      %dma_wait3A_1024 = tpu.memref_squeeze %dma_wait3A_1023 : memref<1x100x32xf32, #tpu.memory_space<vmem>> -> memref<100x32xf32, #tpu.memory_space<vmem>>
      %dma_wait3A_1025 = arith.constant 0 : i32
      %dma_wait3A_1026 = tpu.memref_slice %arg6[%add3A_696, %dma_wait3A_1018, %dma_wait3A_1025] : memref<32x8x100xi32, #tpu.memory_space<vmem>> -> memref<1x1x100xi32, #tpu.memory_space<vmem>>
      %dma_wait3A_1027 = tpu.memref_squeeze %dma_wait3A_1026 : memref<1x1x100xi32, #tpu.memory_space<vmem>> -> memref<100xi32, #tpu.memory_space<vmem>>
      %dma_wait3A_1028 = arith.constant 0 : i32
      %dma_wait3A_1029 = arith.constant 0 : i32
      %dma_wait3A_1030 = tpu.memref_slice %arg2[%dma_wait3A_1028, %dma_wait3A_1029] : memref<1000000x32xf32, #tpu.memory_space<hbm>> -> memref<1000000x32xf32, #tpu.memory_space<hbm>>
      %dma_wait3A_1031 = tpu.memref_slice %arg10[%dma_wait3A_1020] : memref<2x!tpu.dma_semaphore, #tpu.memory_space<semaphore_mem>> -> memref<1x!tpu.dma_semaphore, #tpu.memory_space<semaphore_mem>>
      %dma_wait3A_1032 = tpu.memref_squeeze %dma_wait3A_1031 : memref<1x!tpu.dma_semaphore, #tpu.memory_space<semaphore_mem>> -> memref<!tpu.dma_semaphore, #tpu.memory_space<semaphore_mem>>
      tpu.wait_indirect_dma semaphore(%dma_wait3A_1032 : memref<!tpu.dma_semaphore, #tpu.memory_space<semaphore_mem>>) src(%dma_wait3A_1030 : memref<1000000x32xf32, #tpu.memory_space<hbm>>) dst(%dma_wait3A_1024 : memref<100x32xf32, #tpu.memory_space<vmem>>)
      %dma_wait3A_1033 = arith.constant 2 : i32
      %dma_wait3A_1034 = arith.constant 1 : i32
      %dma_wait3A_1035 = arith.constant 1 : i32
      %dma_wait3A_1036 = arith.constant 200 : i32
      %dma_wait3A_1037 = arith.constant 0 : i32
      %dma_wait3A_1038 = tpu.memref_slice %arg7[%dma_wait3A_1034, %dma_wait3A_1036, %dma_wait3A_1037] : memref<2x800x32xf32, #tpu.memory_space<vmem>> -> memref<1x100x32xf32, #tpu.memory_space<vmem>>
      %dma_wait3A_1039 = tpu.memref_squeeze %dma_wait3A_1038 : memref<1x100x32xf32, #tpu.memory_space<vmem>> -> memref<100x32xf32, #tpu.memory_space<vmem>>
      %dma_wait3A_1040 = arith.constant 0 : i32
      %dma_wait3A_1041 = tpu.memref_slice %arg6[%add3A_696, %dma_wait3A_1033, %dma_wait3A_1040] : memref<32x8x100xi32, #tpu.memory_space<vmem>> -> memref<1x1x100xi32, #tpu.memory_space<vmem>>
      %dma_wait3A_1042 = tpu.memref_squeeze %dma_wait3A_1041 : memref<1x1x100xi32, #tpu.memory_space<vmem>> -> memref<100xi32, #tpu.memory_space<vmem>>
      %dma_wait3A_1043 = arith.constant 0 : i32
      %dma_wait3A_1044 = arith.constant 0 : i32
      %dma_wait3A_1045 = tpu.memref_slice %arg2[%dma_wait3A_1043, %dma_wait3A_1044] : memref<1000000x32xf32, #tpu.memory_space<hbm>> -> memref<1000000x32xf32, #tpu.memory_space<hbm>>
      %dma_wait3A_1046 = tpu.memref_slice %arg10[%dma_wait3A_1035] : memref<2x!tpu.dma_semaphore, #tpu.memory_space<semaphore_mem>> -> memref<1x!tpu.dma_semaphore, #tpu.memory_space<semaphore_mem>>
      %dma_wait3A_1047 = tpu.memref_squeeze %dma_wait3A_1046 : memref<1x!tpu.dma_semaphore, #tpu.memory_space<semaphore_mem>> -> memref<!tpu.dma_semaphore, #tpu.memory_space<semaphore_mem>>
      tpu.wait_indirect_dma semaphore(%dma_wait3A_1047 : memref<!tpu.dma_semaphore, #tpu.memory_space<semaphore_mem>>) src(%dma_wait3A_1045 : memref<1000000x32xf32, #tpu.memory_space<hbm>>) dst(%dma_wait3A_1039 : memref<100x32xf32, #tpu.memory_space<vmem>>)
      %dma_wait3A_1048 = arith.constant 3 : i32
      %dma_wait3A_1049 = arith.constant 1 : i32
      %dma_wait3A_1050 = arith.constant 1 : i32
      %dma_wait3A_1051 = arith.constant 300 : i32
      %dma_wait3A_1052 = arith.constant 0 : i32
      %dma_wait3A_1053 = tpu.memref_slice %arg7[%dma_wait3A_1049, %dma_wait3A_1051, %dma_wait3A_1052] : memref<2x800x32xf32, #tpu.memory_space<vmem>> -> memref<1x100x32xf32, #tpu.memory_space<vmem>>
      %dma_wait3A_1054 = tpu.memref_squeeze %dma_wait3A_1053 : memref<1x100x32xf32, #tpu.memory_space<vmem>> -> memref<100x32xf32, #tpu.memory_space<vmem>>
      %dma_wait3A_1055 = arith.constant 0 : i32
      %dma_wait3A_1056 = tpu.memref_slice %arg6[%add3A_696, %dma_wait3A_1048, %dma_wait3A_1055] : memref<32x8x100xi32, #tpu.memory_space<vmem>> -> memref<1x1x100xi32, #tpu.memory_space<vmem>>
      %dma_wait3A_1057 = tpu.memref_squeeze %dma_wait3A_1056 : memref<1x1x100xi32, #tpu.memory_space<vmem>> -> memref<100xi32, #tpu.memory_space<vmem>>
      %dma_wait3A_1058 = arith.constant 0 : i32
      %dma_wait3A_1059 = arith.constant 0 : i32
      %dma_wait3A_1060 = tpu.memref_slice %arg2[%dma_wait3A_1058, %dma_wait3A_1059] : memref<1000000x32xf32, #tpu.memory_space<hbm>> -> memref<1000000x32xf32, #tpu.memory_space<hbm>>
      %dma_wait3A_1061 = tpu.memref_slice %arg10[%dma_wait3A_1050] : memref<2x!tpu.dma_semaphore, #tpu.memory_space<semaphore_mem>> -> memref<1x!tpu.dma_semaphore, #tpu.memory_space<semaphore_mem>>
      %dma_wait3A_1062 = tpu.memref_squeeze %dma_wait3A_1061 : memref<1x!tpu.dma_semaphore, #tpu.memory_space<semaphore_mem>> -> memref<!tpu.dma_semaphore, #tpu.memory_space<semaphore_mem>>
      tpu.wait_indirect_dma semaphore(%dma_wait3A_1062 : memref<!tpu.dma_semaphore, #tpu.memory_space<semaphore_mem>>) src(%dma_wait3A_1060 : memref<1000000x32xf32, #tpu.memory_space<hbm>>) dst(%dma_wait3A_1054 : memref<100x32xf32, #tpu.memory_space<vmem>>)
      %dma_wait3A_1063 = arith.constant 4 : i32
      %dma_wait3A_1064 = arith.constant 1 : i32
      %dma_wait3A_1065 = arith.constant 1 : i32
      %dma_wait3A_1066 = arith.constant 400 : i32
      %dma_wait3A_1067 = arith.constant 0 : i32
      %dma_wait3A_1068 = tpu.memref_slice %arg7[%dma_wait3A_1064, %dma_wait3A_1066, %dma_wait3A_1067] : memref<2x800x32xf32, #tpu.memory_space<vmem>> -> memref<1x100x32xf32, #tpu.memory_space<vmem>>
      %dma_wait3A_1069 = tpu.memref_squeeze %dma_wait3A_1068 : memref<1x100x32xf32, #tpu.memory_space<vmem>> -> memref<100x32xf32, #tpu.memory_space<vmem>>
      %dma_wait3A_1070 = arith.constant 0 : i32
      %dma_wait3A_1071 = tpu.memref_slice %arg6[%add3A_696, %dma_wait3A_1063, %dma_wait3A_1070] : memref<32x8x100xi32, #tpu.memory_space<vmem>> -> memref<1x1x100xi32, #tpu.memory_space<vmem>>
      %dma_wait3A_1072 = tpu.memref_squeeze %dma_wait3A_1071 : memref<1x1x100xi32, #tpu.memory_space<vmem>> -> memref<100xi32, #tpu.memory_space<vmem>>
      %dma_wait3A_1073 = arith.constant 0 : i32
      %dma_wait3A_1074 = arith.constant 0 : i32
      %dma_wait3A_1075 = tpu.memref_slice %arg2[%dma_wait3A_1073, %dma_wait3A_1074] : memref<1000000x32xf32, #tpu.memory_space<hbm>> -> memref<1000000x32xf32, #tpu.memory_space<hbm>>
      %dma_wait3A_1076 = tpu.memref_slice %arg10[%dma_wait3A_1065] : memref<2x!tpu.dma_semaphore, #tpu.memory_space<semaphore_mem>> -> memref<1x!tpu.dma_semaphore, #tpu.memory_space<semaphore_mem>>
      %dma_wait3A_1077 = tpu.memref_squeeze %dma_wait3A_1076 : memref<1x!tpu.dma_semaphore, #tpu.memory_space<semaphore_mem>> -> memref<!tpu.dma_semaphore, #tpu.memory_space<semaphore_mem>>
      tpu.wait_indirect_dma semaphore(%dma_wait3A_1077 : memref<!tpu.dma_semaphore, #tpu.memory_space<semaphore_mem>>) src(%dma_wait3A_1075 : memref<1000000x32xf32, #tpu.memory_space<hbm>>) dst(%dma_wait3A_1069 : memref<100x32xf32, #tpu.memory_space<vmem>>)
      %dma_wait3A_1078 = arith.constant 5 : i32
      %dma_wait3A_1079 = arith.constant 1 : i32
      %dma_wait3A_1080 = arith.constant 1 : i32
      %dma_wait3A_1081 = arith.constant 500 : i32
      %dma_wait3A_1082 = arith.constant 0 : i32
      %dma_wait3A_1083 = tpu.memref_slice %arg7[%dma_wait3A_1079, %dma_wait3A_1081, %dma_wait3A_1082] : memref<2x800x32xf32, #tpu.memory_space<vmem>> -> memref<1x100x32xf32, #tpu.memory_space<vmem>>
      %dma_wait3A_1084 = tpu.memref_squeeze %dma_wait3A_1083 : memref<1x100x32xf32, #tpu.memory_space<vmem>> -> memref<100x32xf32, #tpu.memory_space<vmem>>
      %dma_wait3A_1085 = arith.constant 0 : i32
      %dma_wait3A_1086 = tpu.memref_slice %arg6[%add3A_696, %dma_wait3A_1078, %dma_wait3A_1085] : memref<32x8x100xi32, #tpu.memory_space<vmem>> -> memref<1x1x100xi32, #tpu.memory_space<vmem>>
      %dma_wait3A_1087 = tpu.memref_squeeze %dma_wait3A_1086 : memref<1x1x100xi32, #tpu.memory_space<vmem>> -> memref<100xi32, #tpu.memory_space<vmem>>
      %dma_wait3A_1088 = arith.constant 0 : i32
      %dma_wait3A_1089 = arith.constant 0 : i32
      %dma_wait3A_1090 = tpu.memref_slice %arg2[%dma_wait3A_1088, %dma_wait3A_1089] : memref<1000000x32xf32, #tpu.memory_space<hbm>> -> memref<1000000x32xf32, #tpu.memory_space<hbm>>
      %dma_wait3A_1091 = tpu.memref_slice %arg10[%dma_wait3A_1080] : memref<2x!tpu.dma_semaphore, #tpu.memory_space<semaphore_mem>> -> memref<1x!tpu.dma_semaphore, #tpu.memory_space<semaphore_mem>>
      %dma_wait3A_1092 = tpu.memref_squeeze %dma_wait3A_1091 : memref<1x!tpu.dma_semaphore, #tpu.memory_space<semaphore_mem>> -> memref<!tpu.dma_semaphore, #tpu.memory_space<semaphore_mem>>
      tpu.wait_indirect_dma semaphore(%dma_wait3A_1092 : memref<!tpu.dma_semaphore, #tpu.memory_space<semaphore_mem>>) src(%dma_wait3A_1090 : memref<1000000x32xf32, #tpu.memory_space<hbm>>) dst(%dma_wait3A_1084 : memref<100x32xf32, #tpu.memory_space<vmem>>)
      %dma_wait3A_1093 = arith.constant 6 : i32
      %dma_wait3A_1094 = arith.constant 1 : i32
      %dma_wait3A_1095 = arith.constant 1 : i32
      %dma_wait3A_1096 = arith.constant 600 : i32
      %dma_wait3A_1097 = arith.constant 0 : i32
      %dma_wait3A_1098 = tpu.memref_slice %arg7[%dma_wait3A_1094, %dma_wait3A_1096, %dma_wait3A_1097] : memref<2x800x32xf32, #tpu.memory_space<vmem>> -> memref<1x100x32xf32, #tpu.memory_space<vmem>>
      %dma_wait3A_1099 = tpu.memref_squeeze %dma_wait3A_1098 : memref<1x100x32xf32, #tpu.memory_space<vmem>> -> memref<100x32xf32, #tpu.memory_space<vmem>>
      %dma_wait3A_1100 = arith.constant 0 : i32
      %dma_wait3A_1101 = tpu.memref_slice %arg6[%add3A_696, %dma_wait3A_1093, %dma_wait3A_1100] : memref<32x8x100xi32, #tpu.memory_space<vmem>> -> memref<1x1x100xi32, #tpu.memory_space<vmem>>
      %dma_wait3A_1102 = tpu.memref_squeeze %dma_wait3A_1101 : memref<1x1x100xi32, #tpu.memory_space<vmem>> -> memref<100xi32, #tpu.memory_space<vmem>>
      %dma_wait3A_1103 = arith.constant 0 : i32
      %dma_wait3A_1104 = arith.constant 0 : i32
      %dma_wait3A_1105 = tpu.memref_slice %arg2[%dma_wait3A_1103, %dma_wait3A_1104] : memref<1000000x32xf32, #tpu.memory_space<hbm>> -> memref<1000000x32xf32, #tpu.memory_space<hbm>>
      %dma_wait3A_1106 = tpu.memref_slice %arg10[%dma_wait3A_1095] : memref<2x!tpu.dma_semaphore, #tpu.memory_space<semaphore_mem>> -> memref<1x!tpu.dma_semaphore, #tpu.memory_space<semaphore_mem>>
      %dma_wait3A_1107 = tpu.memref_squeeze %dma_wait3A_1106 : memref<1x!tpu.dma_semaphore, #tpu.memory_space<semaphore_mem>> -> memref<!tpu.dma_semaphore, #tpu.memory_space<semaphore_mem>>
      tpu.wait_indirect_dma semaphore(%dma_wait3A_1107 : memref<!tpu.dma_semaphore, #tpu.memory_space<semaphore_mem>>) src(%dma_wait3A_1105 : memref<1000000x32xf32, #tpu.memory_space<hbm>>) dst(%dma_wait3A_1099 : memref<100x32xf32, #tpu.memory_space<vmem>>)
      %dma_wait3A_1108 = arith.constant 7 : i32
      %dma_wait3A_1109 = arith.constant 1 : i32
      %dma_wait3A_1110 = arith.constant 1 : i32
      %dma_wait3A_1111 = arith.constant 700 : i32
      %dma_wait3A_1112 = arith.constant 0 : i32
      %dma_wait3A_1113 = tpu.memref_slice %arg7[%dma_wait3A_1109, %dma_wait3A_1111, %dma_wait3A_1112] : memref<2x800x32xf32, #tpu.memory_space<vmem>> -> memref<1x100x32xf32, #tpu.memory_space<vmem>>
      %dma_wait3A_1114 = tpu.memref_squeeze %dma_wait3A_1113 : memref<1x100x32xf32, #tpu.memory_space<vmem>> -> memref<100x32xf32, #tpu.memory_space<vmem>>
      %dma_wait3A_1115 = arith.constant 0 : i32
      %dma_wait3A_1116 = tpu.memref_slice %arg6[%add3A_696, %dma_wait3A_1108, %dma_wait3A_1115] : memref<32x8x100xi32, #tpu.memory_space<vmem>> -> memref<1x1x100xi32, #tpu.memory_space<vmem>>
      %dma_wait3A_1117 = tpu.memref_squeeze %dma_wait3A_1116 : memref<1x1x100xi32, #tpu.memory_space<vmem>> -> memref<100xi32, #tpu.memory_space<vmem>>
      %dma_wait3A_1118 = arith.constant 0 : i32
      %dma_wait3A_1119 = arith.constant 0 : i32
      %dma_wait3A_1120 = tpu.memref_slice %arg2[%dma_wait3A_1118, %dma_wait3A_1119] : memref<1000000x32xf32, #tpu.memory_space<hbm>> -> memref<1000000x32xf32, #tpu.memory_space<hbm>>
      %dma_wait3A_1121 = tpu.memref_slice %arg10[%dma_wait3A_1110] : memref<2x!tpu.dma_semaphore, #tpu.memory_space<semaphore_mem>> -> memref<1x!tpu.dma_semaphore, #tpu.memory_space<semaphore_mem>>
      %dma_wait3A_1122 = tpu.memref_squeeze %dma_wait3A_1121 : memref<1x!tpu.dma_semaphore, #tpu.memory_space<semaphore_mem>> -> memref<!tpu.dma_semaphore, #tpu.memory_space<semaphore_mem>>
      tpu.wait_indirect_dma semaphore(%dma_wait3A_1122 : memref<!tpu.dma_semaphore, #tpu.memory_space<semaphore_mem>>) src(%dma_wait3A_1120 : memref<1000000x32xf32, #tpu.memory_space<hbm>>) dst(%dma_wait3A_1114 : memref<100x32xf32, #tpu.memory_space<vmem>>)
      %mul3A_1123 = arith.constant 32 : i32
      %mul3A_1124 = arith.muli %add3A, %mul3A_1123 : i32
      %add3A_1125 = arith.addi %mul3A_1124, %add3A_696 : i32
      %mul3A_1126 = arith.constant 800 : i32
      %mul3A_1127 = arith.muli %add3A_1125, %mul3A_1126 : i32
      %dma_start3A_1128 = arith.constant 1 : i32
      %dma_start3A_1129 = arith.constant 1 : i32
      %dma_start3A_1130 = arith.constant 0 : i32
      %dma_start3A_1131 = arith.constant 0 : i32
      %dma_start3A_1132 = tpu.memref_slice %arg7[%dma_start3A_1128, %dma_start3A_1130, %dma_start3A_1131] : memref<2x800x32xf32, #tpu.memory_space<vmem>> -> memref<1x800x32xf32, #tpu.memory_space<vmem>>
      %dma_start3A_1133 = tpu.memref_squeeze %dma_start3A_1132 : memref<1x800x32xf32, #tpu.memory_space<vmem>> -> memref<800x32xf32, #tpu.memory_space<vmem>>
      %dma_start3A_1134 = arith.constant 0 : i32
      %dma_start3A_1135 = tpu.memref_slice %arg5[%mul3A_1127, %dma_start3A_1134] : memref<819200x32xf32, #tpu.memory_space<hbm>> -> memref<800x32xf32, #tpu.memory_space<hbm>>
      %dma_start3A_1136 = tpu.memref_slice %arg11[%dma_start3A_1129] : memref<2x!tpu.dma_semaphore, #tpu.memory_space<semaphore_mem>> -> memref<1x!tpu.dma_semaphore, #tpu.memory_space<semaphore_mem>>
      %dma_start3A_1137 = tpu.memref_squeeze %dma_start3A_1136 : memref<1x!tpu.dma_semaphore, #tpu.memory_space<semaphore_mem>> -> memref<!tpu.dma_semaphore, #tpu.memory_space<semaphore_mem>>
      %dma_start3A_1138 = arith.constant 0 : i32
      %dma_start3A_1139 = tpu.memref_slice %arg5[%mul3A_1127, %dma_start3A_1138] : memref<819200x32xf32, #tpu.memory_space<hbm>> -> memref<800x32xf32, #tpu.memory_space<hbm>>
      %dma_start3A_1140 = arith.constant 0 : i32
      %dma_start3A_1141 = arith.constant 0 : i32
      %dma_start3A_1142 = tpu.memref_slice %arg7[%dma_start3A_1128, %dma_start3A_1140, %dma_start3A_1141] : memref<2x800x32xf32, #tpu.memory_space<vmem>> -> memref<1x800x32xf32, #tpu.memory_space<vmem>>
      %dma_start3A_1143 = tpu.memref_squeeze %dma_start3A_1142 : memref<1x800x32xf32, #tpu.memory_space<vmem>> -> memref<800x32xf32, #tpu.memory_space<vmem>>
      tpu.enqueue_dma source(%dma_start3A_1143 : memref<800x32xf32, #tpu.memory_space<vmem>>) target(%dma_start3A_1139 : memref<800x32xf32, #tpu.memory_space<hbm>>) target_semaphore(%dma_start3A_1137 : memref<!tpu.dma_semaphore, #tpu.memory_space<semaphore_mem>>)
      %dma_wait3A_1144 = arith.constant 0 : i32
      %dma_wait3A_1145 = arith.constant 0 : i32
      %dma_wait3A_1146 = arith.constant 0 : i32
      %dma_wait3A_1147 = arith.constant 0 : i32
      %dma_wait3A_1148 = tpu.memref_slice %arg7[%dma_wait3A_1144, %dma_wait3A_1146, %dma_wait3A_1147] : memref<2x800x32xf32, #tpu.memory_space<vmem>> -> memref<1x800x32xf32, #tpu.memory_space<vmem>>
      %dma_wait3A_1149 = tpu.memref_squeeze %dma_wait3A_1148 : memref<1x800x32xf32, #tpu.memory_space<vmem>> -> memref<800x32xf32, #tpu.memory_space<vmem>>
      %dma_wait3A_1150 = tpu.memref_slice %arg9[%dma_wait3A_1145] : memref<2x!tpu.dma_semaphore, #tpu.memory_space<semaphore_mem>> -> memref<1x!tpu.dma_semaphore, #tpu.memory_space<semaphore_mem>>
      %dma_wait3A_1151 = tpu.memref_squeeze %dma_wait3A_1150 : memref<1x!tpu.dma_semaphore, #tpu.memory_space<semaphore_mem>> -> memref<!tpu.dma_semaphore, #tpu.memory_space<semaphore_mem>>
      %dma_wait3A_1152 = arith.constant 0 : i32
      %dma_wait3A_1153 = arith.constant 0 : i32
      %dma_wait3A_1154 = tpu.memref_slice %arg7[%dma_wait3A_1144, %dma_wait3A_1152, %dma_wait3A_1153] : memref<2x800x32xf32, #tpu.memory_space<vmem>> -> memref<1x800x32xf32, #tpu.memory_space<vmem>>
      %dma_wait3A_1155 = tpu.memref_squeeze %dma_wait3A_1154 : memref<1x800x32xf32, #tpu.memory_space<vmem>> -> memref<800x32xf32, #tpu.memory_space<vmem>>
      tpu.wait_dma2 semaphore(%dma_wait3A_1151 : memref<!tpu.dma_semaphore, #tpu.memory_space<semaphore_mem>>) src(%arg8 : memref<800x32xf32, #tpu.memory_space<vmem_shared>>) dst(%dma_wait3A_1155 : memref<800x32xf32, #tpu.memory_space<vmem>>)
      %add3A_1156 = arith.constant 2 : i32
      %add3A_1157 = arith.addi %mul3A_692, %add3A_1156 : i32
      %dma_start3A_1158 = arith.constant 0 : i32
      %dma_start3A_1159 = arith.constant 0 : i32
      %dma_start3A_1160 = arith.constant 0 : i32
      %dma_start3A_1161 = arith.constant 0 : i32
      %dma_start3A_1162 = arith.constant 0 : i32
      %dma_start3A_1163 = tpu.memref_slice %arg7[%dma_start3A_1159, %dma_start3A_1161, %dma_start3A_1162] : memref<2x800x32xf32, #tpu.memory_space<vmem>> -> memref<1x100x32xf32, #tpu.memory_space<vmem>>
      %dma_start3A_1164 = tpu.memref_squeeze %dma_start3A_1163 : memref<1x100x32xf32, #tpu.memory_space<vmem>> -> memref<100x32xf32, #tpu.memory_space<vmem>>
      %dma_start3A_1165 = arith.constant 0 : i32
      %dma_start3A_1166 = tpu.memref_slice %arg6[%add3A_1157, %dma_start3A_1158, %dma_start3A_1165] : memref<32x8x100xi32, #tpu.memory_space<vmem>> -> memref<1x1x100xi32, #tpu.memory_space<vmem>>
      %dma_start3A_1167 = tpu.memref_squeeze %dma_start3A_1166 : memref<1x1x100xi32, #tpu.memory_space<vmem>> -> memref<100xi32, #tpu.memory_space<vmem>>
      %dma_start3A_1168 = arith.constant 0 : i32
      %dma_start3A_1169 = arith.constant 0 : i32
      %dma_start3A_1170 = tpu.memref_slice %arg2[%dma_start3A_1168, %dma_start3A_1169] : memref<1000000x32xf32, #tpu.memory_space<hbm>> -> memref<1000000x32xf32, #tpu.memory_space<hbm>>
      %dma_start3A_1171 = tpu.memref_slice %arg10[%dma_start3A_1160] : memref<2x!tpu.dma_semaphore, #tpu.memory_space<semaphore_mem>> -> memref<1x!tpu.dma_semaphore, #tpu.memory_space<semaphore_mem>>
      %dma_start3A_1172 = tpu.memref_squeeze %dma_start3A_1171 : memref<1x!tpu.dma_semaphore, #tpu.memory_space<semaphore_mem>> -> memref<!tpu.dma_semaphore, #tpu.memory_space<semaphore_mem>>
      tpu.enqueue_indirect_dma source(%dma_start3A_1170 : memref<1000000x32xf32, #tpu.memory_space<hbm>>) target(%dma_start3A_1164 : memref<100x32xf32, #tpu.memory_space<vmem>>) offsets(%dma_start3A_1167 : memref<100xi32, #tpu.memory_space<vmem>>) semaphore(%dma_start3A_1172 : memref<!tpu.dma_semaphore, #tpu.memory_space<semaphore_mem>>) {add = true}
      %dma_start3A_1173 = arith.constant 1 : i32
      %dma_start3A_1174 = arith.constant 0 : i32
      %dma_start3A_1175 = arith.constant 0 : i32
      %dma_start3A_1176 = arith.constant 100 : i32
      %dma_start3A_1177 = arith.constant 0 : i32
      %dma_start3A_1178 = tpu.memref_slice %arg7[%dma_start3A_1174, %dma_start3A_1176, %dma_start3A_1177] : memref<2x800x32xf32, #tpu.memory_space<vmem>> -> memref<1x100x32xf32, #tpu.memory_space<vmem>>
      %dma_start3A_1179 = tpu.memref_squeeze %dma_start3A_1178 : memref<1x100x32xf32, #tpu.memory_space<vmem>> -> memref<100x32xf32, #tpu.memory_space<vmem>>
      %dma_start3A_1180 = arith.constant 0 : i32
      %dma_start3A_1181 = tpu.memref_slice %arg6[%add3A_1157, %dma_start3A_1173, %dma_start3A_1180] : memref<32x8x100xi32, #tpu.memory_space<vmem>> -> memref<1x1x100xi32, #tpu.memory_space<vmem>>
      %dma_start3A_1182 = tpu.memref_squeeze %dma_start3A_1181 : memref<1x1x100xi32, #tpu.memory_space<vmem>> -> memref<100xi32, #tpu.memory_space<vmem>>
      %dma_start3A_1183 = arith.constant 0 : i32
      %dma_start3A_1184 = arith.constant 0 : i32
      %dma_start3A_1185 = tpu.memref_slice %arg2[%dma_start3A_1183, %dma_start3A_1184] : memref<1000000x32xf32, #tpu.memory_space<hbm>> -> memref<1000000x32xf32, #tpu.memory_space<hbm>>
      %dma_start3A_1186 = tpu.memref_slice %arg10[%dma_start3A_1175] : memref<2x!tpu.dma_semaphore, #tpu.memory_space<semaphore_mem>> -> memref<1x!tpu.dma_semaphore, #tpu.memory_space<semaphore_mem>>
      %dma_start3A_1187 = tpu.memref_squeeze %dma_start3A_1186 : memref<1x!tpu.dma_semaphore, #tpu.memory_space<semaphore_mem>> -> memref<!tpu.dma_semaphore, #tpu.memory_space<semaphore_mem>>
      tpu.enqueue_indirect_dma source(%dma_start3A_1185 : memref<1000000x32xf32, #tpu.memory_space<hbm>>) target(%dma_start3A_1179 : memref<100x32xf32, #tpu.memory_space<vmem>>) offsets(%dma_start3A_1182 : memref<100xi32, #tpu.memory_space<vmem>>) semaphore(%dma_start3A_1187 : memref<!tpu.dma_semaphore, #tpu.memory_space<semaphore_mem>>) {add = true}
      %dma_start3A_1188 = arith.constant 2 : i32
      %dma_start3A_1189 = arith.constant 0 : i32
      %dma_start3A_1190 = arith.constant 0 : i32
      %dma_start3A_1191 = arith.constant 200 : i32
      %dma_start3A_1192 = arith.constant 0 : i32
      %dma_start3A_1193 = tpu.memref_slice %arg7[%dma_start3A_1189, %dma_start3A_1191, %dma_start3A_1192] : memref<2x800x32xf32, #tpu.memory_space<vmem>> -> memref<1x100x32xf32, #tpu.memory_space<vmem>>
      %dma_start3A_1194 = tpu.memref_squeeze %dma_start3A_1193 : memref<1x100x32xf32, #tpu.memory_space<vmem>> -> memref<100x32xf32, #tpu.memory_space<vmem>>
      %dma_start3A_1195 = arith.constant 0 : i32
      %dma_start3A_1196 = tpu.memref_slice %arg6[%add3A_1157, %dma_start3A_1188, %dma_start3A_1195] : memref<32x8x100xi32, #tpu.memory_space<vmem>> -> memref<1x1x100xi32, #tpu.memory_space<vmem>>
      %dma_start3A_1197 = tpu.memref_squeeze %dma_start3A_1196 : memref<1x1x100xi32, #tpu.memory_space<vmem>> -> memref<100xi32, #tpu.memory_space<vmem>>
      %dma_start3A_1198 = arith.constant 0 : i32
      %dma_start3A_1199 = arith.constant 0 : i32
      %dma_start3A_1200 = tpu.memref_slice %arg2[%dma_start3A_1198, %dma_start3A_1199] : memref<1000000x32xf32, #tpu.memory_space<hbm>> -> memref<1000000x32xf32, #tpu.memory_space<hbm>>
      %dma_start3A_1201 = tpu.memref_slice %arg10[%dma_start3A_1190] : memref<2x!tpu.dma_semaphore, #tpu.memory_space<semaphore_mem>> -> memref<1x!tpu.dma_semaphore, #tpu.memory_space<semaphore_mem>>
      %dma_start3A_1202 = tpu.memref_squeeze %dma_start3A_1201 : memref<1x!tpu.dma_semaphore, #tpu.memory_space<semaphore_mem>> -> memref<!tpu.dma_semaphore, #tpu.memory_space<semaphore_mem>>
      tpu.enqueue_indirect_dma source(%dma_start3A_1200 : memref<1000000x32xf32, #tpu.memory_space<hbm>>) target(%dma_start3A_1194 : memref<100x32xf32, #tpu.memory_space<vmem>>) offsets(%dma_start3A_1197 : memref<100xi32, #tpu.memory_space<vmem>>) semaphore(%dma_start3A_1202 : memref<!tpu.dma_semaphore, #tpu.memory_space<semaphore_mem>>) {add = true}
      %dma_start3A_1203 = arith.constant 3 : i32
      %dma_start3A_1204 = arith.constant 0 : i32
      %dma_start3A_1205 = arith.constant 0 : i32
      %dma_start3A_1206 = arith.constant 300 : i32
      %dma_start3A_1207 = arith.constant 0 : i32
      %dma_start3A_1208 = tpu.memref_slice %arg7[%dma_start3A_1204, %dma_start3A_1206, %dma_start3A_1207] : memref<2x800x32xf32, #tpu.memory_space<vmem>> -> memref<1x100x32xf32, #tpu.memory_space<vmem>>
      %dma_start3A_1209 = tpu.memref_squeeze %dma_start3A_1208 : memref<1x100x32xf32, #tpu.memory_space<vmem>> -> memref<100x32xf32, #tpu.memory_space<vmem>>
      %dma_start3A_1210 = arith.constant 0 : i32
      %dma_start3A_1211 = tpu.memref_slice %arg6[%add3A_1157, %dma_start3A_1203, %dma_start3A_1210] : memref<32x8x100xi32, #tpu.memory_space<vmem>> -> memref<1x1x100xi32, #tpu.memory_space<vmem>>
      %dma_start3A_1212 = tpu.memref_squeeze %dma_start3A_1211 : memref<1x1x100xi32, #tpu.memory_space<vmem>> -> memref<100xi32, #tpu.memory_space<vmem>>
      %dma_start3A_1213 = arith.constant 0 : i32
      %dma_start3A_1214 = arith.constant 0 : i32
      %dma_start3A_1215 = tpu.memref_slice %arg2[%dma_start3A_1213, %dma_start3A_1214] : memref<1000000x32xf32, #tpu.memory_space<hbm>> -> memref<1000000x32xf32, #tpu.memory_space<hbm>>
      %dma_start3A_1216 = tpu.memref_slice %arg10[%dma_start3A_1205] : memref<2x!tpu.dma_semaphore, #tpu.memory_space<semaphore_mem>> -> memref<1x!tpu.dma_semaphore, #tpu.memory_space<semaphore_mem>>
      %dma_start3A_1217 = tpu.memref_squeeze %dma_start3A_1216 : memref<1x!tpu.dma_semaphore, #tpu.memory_space<semaphore_mem>> -> memref<!tpu.dma_semaphore, #tpu.memory_space<semaphore_mem>>
      tpu.enqueue_indirect_dma source(%dma_start3A_1215 : memref<1000000x32xf32, #tpu.memory_space<hbm>>) target(%dma_start3A_1209 : memref<100x32xf32, #tpu.memory_space<vmem>>) offsets(%dma_start3A_1212 : memref<100xi32, #tpu.memory_space<vmem>>) semaphore(%dma_start3A_1217 : memref<!tpu.dma_semaphore, #tpu.memory_space<semaphore_mem>>) {add = true}
      %dma_start3A_1218 = arith.constant 4 : i32
      %dma_start3A_1219 = arith.constant 0 : i32
      %dma_start3A_1220 = arith.constant 0 : i32
      %dma_start3A_1221 = arith.constant 400 : i32
      %dma_start3A_1222 = arith.constant 0 : i32
      %dma_start3A_1223 = tpu.memref_slice %arg7[%dma_start3A_1219, %dma_start3A_1221, %dma_start3A_1222] : memref<2x800x32xf32, #tpu.memory_space<vmem>> -> memref<1x100x32xf32, #tpu.memory_space<vmem>>
      %dma_start3A_1224 = tpu.memref_squeeze %dma_start3A_1223 : memref<1x100x32xf32, #tpu.memory_space<vmem>> -> memref<100x32xf32, #tpu.memory_space<vmem>>
      %dma_start3A_1225 = arith.constant 0 : i32
      %dma_start3A_1226 = tpu.memref_slice %arg6[%add3A_1157, %dma_start3A_1218, %dma_start3A_1225] : memref<32x8x100xi32, #tpu.memory_space<vmem>> -> memref<1x1x100xi32, #tpu.memory_space<vmem>>
      %dma_start3A_1227 = tpu.memref_squeeze %dma_start3A_1226 : memref<1x1x100xi32, #tpu.memory_space<vmem>> -> memref<100xi32, #tpu.memory_space<vmem>>
      %dma_start3A_1228 = arith.constant 0 : i32
      %dma_start3A_1229 = arith.constant 0 : i32
      %dma_start3A_1230 = tpu.memref_slice %arg2[%dma_start3A_1228, %dma_start3A_1229] : memref<1000000x32xf32, #tpu.memory_space<hbm>> -> memref<1000000x32xf32, #tpu.memory_space<hbm>>
      %dma_start3A_1231 = tpu.memref_slice %arg10[%dma_start3A_1220] : memref<2x!tpu.dma_semaphore, #tpu.memory_space<semaphore_mem>> -> memref<1x!tpu.dma_semaphore, #tpu.memory_space<semaphore_mem>>
      %dma_start3A_1232 = tpu.memref_squeeze %dma_start3A_1231 : memref<1x!tpu.dma_semaphore, #tpu.memory_space<semaphore_mem>> -> memref<!tpu.dma_semaphore, #tpu.memory_space<semaphore_mem>>
      tpu.enqueue_indirect_dma source(%dma_start3A_1230 : memref<1000000x32xf32, #tpu.memory_space<hbm>>) target(%dma_start3A_1224 : memref<100x32xf32, #tpu.memory_space<vmem>>) offsets(%dma_start3A_1227 : memref<100xi32, #tpu.memory_space<vmem>>) semaphore(%dma_start3A_1232 : memref<!tpu.dma_semaphore, #tpu.memory_space<semaphore_mem>>) {add = true}
      %dma_start3A_1233 = arith.constant 5 : i32
      %dma_start3A_1234 = arith.constant 0 : i32
      %dma_start3A_1235 = arith.constant 0 : i32
      %dma_start3A_1236 = arith.constant 500 : i32
      %dma_start3A_1237 = arith.constant 0 : i32
      %dma_start3A_1238 = tpu.memref_slice %arg7[%dma_start3A_1234, %dma_start3A_1236, %dma_start3A_1237] : memref<2x800x32xf32, #tpu.memory_space<vmem>> -> memref<1x100x32xf32, #tpu.memory_space<vmem>>
      %dma_start3A_1239 = tpu.memref_squeeze %dma_start3A_1238 : memref<1x100x32xf32, #tpu.memory_space<vmem>> -> memref<100x32xf32, #tpu.memory_space<vmem>>
      %dma_start3A_1240 = arith.constant 0 : i32
      %dma_start3A_1241 = tpu.memref_slice %arg6[%add3A_1157, %dma_start3A_1233, %dma_start3A_1240] : memref<32x8x100xi32, #tpu.memory_space<vmem>> -> memref<1x1x100xi32, #tpu.memory_space<vmem>>
      %dma_start3A_1242 = tpu.memref_squeeze %dma_start3A_1241 : memref<1x1x100xi32, #tpu.memory_space<vmem>> -> memref<100xi32, #tpu.memory_space<vmem>>
      %dma_start3A_1243 = arith.constant 0 : i32
      %dma_start3A_1244 = arith.constant 0 : i32
      %dma_start3A_1245 = tpu.memref_slice %arg2[%dma_start3A_1243, %dma_start3A_1244] : memref<1000000x32xf32, #tpu.memory_space<hbm>> -> memref<1000000x32xf32, #tpu.memory_space<hbm>>
      %dma_start3A_1246 = tpu.memref_slice %arg10[%dma_start3A_1235] : memref<2x!tpu.dma_semaphore, #tpu.memory_space<semaphore_mem>> -> memref<1x!tpu.dma_semaphore, #tpu.memory_space<semaphore_mem>>
      %dma_start3A_1247 = tpu.memref_squeeze %dma_start3A_1246 : memref<1x!tpu.dma_semaphore, #tpu.memory_space<semaphore_mem>> -> memref<!tpu.dma_semaphore, #tpu.memory_space<semaphore_mem>>
      tpu.enqueue_indirect_dma source(%dma_start3A_1245 : memref<1000000x32xf32, #tpu.memory_space<hbm>>) target(%dma_start3A_1239 : memref<100x32xf32, #tpu.memory_space<vmem>>) offsets(%dma_start3A_1242 : memref<100xi32, #tpu.memory_space<vmem>>) semaphore(%dma_start3A_1247 : memref<!tpu.dma_semaphore, #tpu.memory_space<semaphore_mem>>) {add = true}
      %dma_start3A_1248 = arith.constant 6 : i32
      %dma_start3A_1249 = arith.constant 0 : i32
      %dma_start3A_1250 = arith.constant 0 : i32
      %dma_start3A_1251 = arith.constant 600 : i32
      %dma_start3A_1252 = arith.constant 0 : i32
      %dma_start3A_1253 = tpu.memref_slice %arg7[%dma_start3A_1249, %dma_start3A_1251, %dma_start3A_1252] : memref<2x800x32xf32, #tpu.memory_space<vmem>> -> memref<1x100x32xf32, #tpu.memory_space<vmem>>
      %dma_start3A_1254 = tpu.memref_squeeze %dma_start3A_1253 : memref<1x100x32xf32, #tpu.memory_space<vmem>> -> memref<100x32xf32, #tpu.memory_space<vmem>>
      %dma_start3A_1255 = arith.constant 0 : i32
      %dma_start3A_1256 = tpu.memref_slice %arg6[%add3A_1157, %dma_start3A_1248, %dma_start3A_1255] : memref<32x8x100xi32, #tpu.memory_space<vmem>> -> memref<1x1x100xi32, #tpu.memory_space<vmem>>
      %dma_start3A_1257 = tpu.memref_squeeze %dma_start3A_1256 : memref<1x1x100xi32, #tpu.memory_space<vmem>> -> memref<100xi32, #tpu.memory_space<vmem>>
      %dma_start3A_1258 = arith.constant 0 : i32
      %dma_start3A_1259 = arith.constant 0 : i32
      %dma_start3A_1260 = tpu.memref_slice %arg2[%dma_start3A_1258, %dma_start3A_1259] : memref<1000000x32xf32, #tpu.memory_space<hbm>> -> memref<1000000x32xf32, #tpu.memory_space<hbm>>
      %dma_start3A_1261 = tpu.memref_slice %arg10[%dma_start3A_1250] : memref<2x!tpu.dma_semaphore, #tpu.memory_space<semaphore_mem>> -> memref<1x!tpu.dma_semaphore, #tpu.memory_space<semaphore_mem>>
      %dma_start3A_1262 = tpu.memref_squeeze %dma_start3A_1261 : memref<1x!tpu.dma_semaphore, #tpu.memory_space<semaphore_mem>> -> memref<!tpu.dma_semaphore, #tpu.memory_space<semaphore_mem>>
      tpu.enqueue_indirect_dma source(%dma_start3A_1260 : memref<1000000x32xf32, #tpu.memory_space<hbm>>) target(%dma_start3A_1254 : memref<100x32xf32, #tpu.memory_space<vmem>>) offsets(%dma_start3A_1257 : memref<100xi32, #tpu.memory_space<vmem>>) semaphore(%dma_start3A_1262 : memref<!tpu.dma_semaphore, #tpu.memory_space<semaphore_mem>>) {add = true}
      %dma_start3A_1263 = arith.constant 7 : i32
      %dma_start3A_1264 = arith.constant 0 : i32
      %dma_start3A_1265 = arith.constant 0 : i32
      %dma_start3A_1266 = arith.constant 700 : i32
      %dma_start3A_1267 = arith.constant 0 : i32
      %dma_start3A_1268 = tpu.memref_slice %arg7[%dma_start3A_1264, %dma_start3A_1266, %dma_start3A_1267] : memref<2x800x32xf32, #tpu.memory_space<vmem>> -> memref<1x100x32xf32, #tpu.memory_space<vmem>>
      %dma_start3A_1269 = tpu.memref_squeeze %dma_start3A_1268 : memref<1x100x32xf32, #tpu.memory_space<vmem>> -> memref<100x32xf32, #tpu.memory_space<vmem>>
      %dma_start3A_1270 = arith.constant 0 : i32
      %dma_start3A_1271 = tpu.memref_slice %arg6[%add3A_1157, %dma_start3A_1263, %dma_start3A_1270] : memref<32x8x100xi32, #tpu.memory_space<vmem>> -> memref<1x1x100xi32, #tpu.memory_space<vmem>>
      %dma_start3A_1272 = tpu.memref_squeeze %dma_start3A_1271 : memref<1x1x100xi32, #tpu.memory_space<vmem>> -> memref<100xi32, #tpu.memory_space<vmem>>
      %dma_start3A_1273 = arith.constant 0 : i32
      %dma_start3A_1274 = arith.constant 0 : i32
      %dma_start3A_1275 = tpu.memref_slice %arg2[%dma_start3A_1273, %dma_start3A_1274] : memref<1000000x32xf32, #tpu.memory_space<hbm>> -> memref<1000000x32xf32, #tpu.memory_space<hbm>>
      %dma_start3A_1276 = tpu.memref_slice %arg10[%dma_start3A_1265] : memref<2x!tpu.dma_semaphore, #tpu.memory_space<semaphore_mem>> -> memref<1x!tpu.dma_semaphore, #tpu.memory_space<semaphore_mem>>
      %dma_start3A_1277 = tpu.memref_squeeze %dma_start3A_1276 : memref<1x!tpu.dma_semaphore, #tpu.memory_space<semaphore_mem>> -> memref<!tpu.dma_semaphore, #tpu.memory_space<semaphore_mem>>
      tpu.enqueue_indirect_dma source(%dma_start3A_1275 : memref<1000000x32xf32, #tpu.memory_space<hbm>>) target(%dma_start3A_1269 : memref<100x32xf32, #tpu.memory_space<vmem>>) offsets(%dma_start3A_1272 : memref<100xi32, #tpu.memory_space<vmem>>) semaphore(%dma_start3A_1277 : memref<!tpu.dma_semaphore, #tpu.memory_space<semaphore_mem>>) {add = true}
      %mul3A_1278 = arith.constant 32 : i32
      %mul3A_1279 = arith.muli %add3A, %mul3A_1278 : i32
      %add3A_1280 = arith.addi %mul3A_1279, %add3A_696 : i32
      %mul3A_1281 = arith.constant 800 : i32
      %mul3A_1282 = arith.muli %add3A_1280, %mul3A_1281 : i32
      %dma_wait3A_1283 = arith.constant 1 : i32
      %dma_wait3A_1284 = arith.constant 1 : i32
      %dma_wait3A_1285 = arith.constant 0 : i32
      %dma_wait3A_1286 = arith.constant 0 : i32
      %dma_wait3A_1287 = tpu.memref_slice %arg7[%dma_wait3A_1283, %dma_wait3A_1285, %dma_wait3A_1286] : memref<2x800x32xf32, #tpu.memory_space<vmem>> -> memref<1x800x32xf32, #tpu.memory_space<vmem>>
      %dma_wait3A_1288 = tpu.memref_squeeze %dma_wait3A_1287 : memref<1x800x32xf32, #tpu.memory_space<vmem>> -> memref<800x32xf32, #tpu.memory_space<vmem>>
      %dma_wait3A_1289 = arith.constant 0 : i32
      %dma_wait3A_1290 = tpu.memref_slice %arg5[%mul3A_1282, %dma_wait3A_1289] : memref<819200x32xf32, #tpu.memory_space<hbm>> -> memref<800x32xf32, #tpu.memory_space<hbm>>
      %dma_wait3A_1291 = tpu.memref_slice %arg11[%dma_wait3A_1284] : memref<2x!tpu.dma_semaphore, #tpu.memory_space<semaphore_mem>> -> memref<1x!tpu.dma_semaphore, #tpu.memory_space<semaphore_mem>>
      %dma_wait3A_1292 = tpu.memref_squeeze %dma_wait3A_1291 : memref<1x!tpu.dma_semaphore, #tpu.memory_space<semaphore_mem>> -> memref<!tpu.dma_semaphore, #tpu.memory_space<semaphore_mem>>
      %dma_wait3A_1293 = arith.constant 0 : i32
      %dma_wait3A_1294 = tpu.memref_slice %arg5[%mul3A_1282, %dma_wait3A_1293] : memref<819200x32xf32, #tpu.memory_space<hbm>> -> memref<800x32xf32, #tpu.memory_space<hbm>>
      %dma_wait3A_1295 = arith.constant 0 : i32
      %dma_wait3A_1296 = arith.constant 0 : i32
      %dma_wait3A_1297 = tpu.memref_slice %arg7[%dma_wait3A_1283, %dma_wait3A_1295, %dma_wait3A_1296] : memref<2x800x32xf32, #tpu.memory_space<vmem>> -> memref<1x800x32xf32, #tpu.memory_space<vmem>>
      %dma_wait3A_1298 = tpu.memref_squeeze %dma_wait3A_1297 : memref<1x800x32xf32, #tpu.memory_space<vmem>> -> memref<800x32xf32, #tpu.memory_space<vmem>>
      tpu.wait_dma2 semaphore(%dma_wait3A_1292 : memref<!tpu.dma_semaphore, #tpu.memory_space<semaphore_mem>>) src(%dma_wait3A_1298 : memref<800x32xf32, #tpu.memory_space<vmem>>) dst(%dma_wait3A_1294 : memref<800x32xf32, #tpu.memory_space<hbm>>)
      %dma_start3A_1299 = arith.constant 1 : i32
      %dma_start3A_1300 = arith.constant 1 : i32
      %dma_start3A_1301 = arith.constant 0 : i32
      %dma_start3A_1302 = arith.constant 0 : i32
      %dma_start3A_1303 = tpu.memref_slice %arg7[%dma_start3A_1299, %dma_start3A_1301, %dma_start3A_1302] : memref<2x800x32xf32, #tpu.memory_space<vmem>> -> memref<1x800x32xf32, #tpu.memory_space<vmem>>
      %dma_start3A_1304 = tpu.memref_squeeze %dma_start3A_1303 : memref<1x800x32xf32, #tpu.memory_space<vmem>> -> memref<800x32xf32, #tpu.memory_space<vmem>>
      %dma_start3A_1305 = tpu.memref_slice %arg9[%dma_start3A_1300] : memref<2x!tpu.dma_semaphore, #tpu.memory_space<semaphore_mem>> -> memref<1x!tpu.dma_semaphore, #tpu.memory_space<semaphore_mem>>
      %dma_start3A_1306 = tpu.memref_squeeze %dma_start3A_1305 : memref<1x!tpu.dma_semaphore, #tpu.memory_space<semaphore_mem>> -> memref<!tpu.dma_semaphore, #tpu.memory_space<semaphore_mem>>
      %dma_start3A_1307 = arith.constant 0 : i32
      %dma_start3A_1308 = arith.constant 0 : i32
      %dma_start3A_1309 = tpu.memref_slice %arg7[%dma_start3A_1299, %dma_start3A_1307, %dma_start3A_1308] : memref<2x800x32xf32, #tpu.memory_space<vmem>> -> memref<1x800x32xf32, #tpu.memory_space<vmem>>
      %dma_start3A_1310 = tpu.memref_squeeze %dma_start3A_1309 : memref<1x800x32xf32, #tpu.memory_space<vmem>> -> memref<800x32xf32, #tpu.memory_space<vmem>>
      tpu.enqueue_dma source(%arg8 : memref<800x32xf32, #tpu.memory_space<vmem_shared>>) target(%dma_start3A_1310 : memref<800x32xf32, #tpu.memory_space<vmem>>) target_semaphore(%dma_start3A_1306 : memref<!tpu.dma_semaphore, #tpu.memory_space<semaphore_mem>>)
    }
    %scan3A_205 = arith.constant 15 : i32
    %dma_wait3A_206 = arith.constant 30 : i32
    %dma_wait3A_207 = arith.constant 0 : i32
    %dma_wait3A_208 = arith.constant 0 : i32
    %dma_wait3A_209 = arith.constant 0 : i32
    %dma_wait3A_210 = arith.constant 0 : i32
    %dma_wait3A_211 = arith.constant 0 : i32
    %dma_wait3A_212 = tpu.memref_slice %arg7[%dma_wait3A_208, %dma_wait3A_210, %dma_wait3A_211] : memref<2x800x32xf32, #tpu.memory_space<vmem>> -> memref<1x100x32xf32, #tpu.memory_space<vmem>>
    %dma_wait3A_213 = tpu.memref_squeeze %dma_wait3A_212 : memref<1x100x32xf32, #tpu.memory_space<vmem>> -> memref<100x32xf32, #tpu.memory_space<vmem>>
    %dma_wait3A_214 = arith.constant 0 : i32
    %dma_wait3A_215 = tpu.memref_slice %arg6[%dma_wait3A_206, %dma_wait3A_207, %dma_wait3A_214] : memref<32x8x100xi32, #tpu.memory_space<vmem>> -> memref<1x1x100xi32, #tpu.memory_space<vmem>>
    %dma_wait3A_216 = tpu.memref_squeeze %dma_wait3A_215 : memref<1x1x100xi32, #tpu.memory_space<vmem>> -> memref<100xi32, #tpu.memory_space<vmem>>
    %dma_wait3A_217 = arith.constant 0 : i32
    %dma_wait3A_218 = arith.constant 0 : i32
    %dma_wait3A_219 = tpu.memref_slice %arg2[%dma_wait3A_217, %dma_wait3A_218] : memref<1000000x32xf32, #tpu.memory_space<hbm>> -> memref<1000000x32xf32, #tpu.memory_space<hbm>>
    %dma_wait3A_220 = tpu.memref_slice %arg10[%dma_wait3A_209] : memref<2x!tpu.dma_semaphore, #tpu.memory_space<semaphore_mem>> -> memref<1x!tpu.dma_semaphore, #tpu.memory_space<semaphore_mem>>
    %dma_wait3A_221 = tpu.memref_squeeze %dma_wait3A_220 : memref<1x!tpu.dma_semaphore, #tpu.memory_space<semaphore_mem>> -> memref<!tpu.dma_semaphore, #tpu.memory_space<semaphore_mem>>
    tpu.wait_indirect_dma semaphore(%dma_wait3A_221 : memref<!tpu.dma_semaphore, #tpu.memory_space<semaphore_mem>>) src(%dma_wait3A_219 : memref<1000000x32xf32, #tpu.memory_space<hbm>>) dst(%dma_wait3A_213 : memref<100x32xf32, #tpu.memory_space<vmem>>)
    %dma_wait3A_222 = arith.constant 30 : i32
    %dma_wait3A_223 = arith.constant 1 : i32
    %dma_wait3A_224 = arith.constant 0 : i32
    %dma_wait3A_225 = arith.constant 0 : i32
    %dma_wait3A_226 = arith.constant 100 : i32
    %dma_wait3A_227 = arith.constant 0 : i32
    %dma_wait3A_228 = tpu.memref_slice %arg7[%dma_wait3A_224, %dma_wait3A_226, %dma_wait3A_227] : memref<2x800x32xf32, #tpu.memory_space<vmem>> -> memref<1x100x32xf32, #tpu.memory_space<vmem>>
    %dma_wait3A_229 = tpu.memref_squeeze %dma_wait3A_228 : memref<1x100x32xf32, #tpu.memory_space<vmem>> -> memref<100x32xf32, #tpu.memory_space<vmem>>
    %dma_wait3A_230 = arith.constant 0 : i32
    %dma_wait3A_231 = tpu.memref_slice %arg6[%dma_wait3A_222, %dma_wait3A_223, %dma_wait3A_230] : memref<32x8x100xi32, #tpu.memory_space<vmem>> -> memref<1x1x100xi32, #tpu.memory_space<vmem>>
    %dma_wait3A_232 = tpu.memref_squeeze %dma_wait3A_231 : memref<1x1x100xi32, #tpu.memory_space<vmem>> -> memref<100xi32, #tpu.memory_space<vmem>>
    %dma_wait3A_233 = arith.constant 0 : i32
    %dma_wait3A_234 = arith.constant 0 : i32
    %dma_wait3A_235 = tpu.memref_slice %arg2[%dma_wait3A_233, %dma_wait3A_234] : memref<1000000x32xf32, #tpu.memory_space<hbm>> -> memref<1000000x32xf32, #tpu.memory_space<hbm>>
    %dma_wait3A_236 = tpu.memref_slice %arg10[%dma_wait3A_225] : memref<2x!tpu.dma_semaphore, #tpu.memory_space<semaphore_mem>> -> memref<1x!tpu.dma_semaphore, #tpu.memory_space<semaphore_mem>>
    %dma_wait3A_237 = tpu.memref_squeeze %dma_wait3A_236 : memref<1x!tpu.dma_semaphore, #tpu.memory_space<semaphore_mem>> -> memref<!tpu.dma_semaphore, #tpu.memory_space<semaphore_mem>>
    tpu.wait_indirect_dma semaphore(%dma_wait3A_237 : memref<!tpu.dma_semaphore, #tpu.memory_space<semaphore_mem>>) src(%dma_wait3A_235 : memref<1000000x32xf32, #tpu.memory_space<hbm>>) dst(%dma_wait3A_229 : memref<100x32xf32, #tpu.memory_space<vmem>>)
    %dma_wait3A_238 = arith.constant 30 : i32
    %dma_wait3A_239 = arith.constant 2 : i32
    %dma_wait3A_240 = arith.constant 0 : i32
    %dma_wait3A_241 = arith.constant 0 : i32
    %dma_wait3A_242 = arith.constant 200 : i32
    %dma_wait3A_243 = arith.constant 0 : i32
    %dma_wait3A_244 = tpu.memref_slice %arg7[%dma_wait3A_240, %dma_wait3A_242, %dma_wait3A_243] : memref<2x800x32xf32, #tpu.memory_space<vmem>> -> memref<1x100x32xf32, #tpu.memory_space<vmem>>
    %dma_wait3A_245 = tpu.memref_squeeze %dma_wait3A_244 : memref<1x100x32xf32, #tpu.memory_space<vmem>> -> memref<100x32xf32, #tpu.memory_space<vmem>>
    %dma_wait3A_246 = arith.constant 0 : i32
    %dma_wait3A_247 = tpu.memref_slice %arg6[%dma_wait3A_238, %dma_wait3A_239, %dma_wait3A_246] : memref<32x8x100xi32, #tpu.memory_space<vmem>> -> memref<1x1x100xi32, #tpu.memory_space<vmem>>
    %dma_wait3A_248 = tpu.memref_squeeze %dma_wait3A_247 : memref<1x1x100xi32, #tpu.memory_space<vmem>> -> memref<100xi32, #tpu.memory_space<vmem>>
    %dma_wait3A_249 = arith.constant 0 : i32
    %dma_wait3A_250 = arith.constant 0 : i32
    %dma_wait3A_251 = tpu.memref_slice %arg2[%dma_wait3A_249, %dma_wait3A_250] : memref<1000000x32xf32, #tpu.memory_space<hbm>> -> memref<1000000x32xf32, #tpu.memory_space<hbm>>
    %dma_wait3A_252 = tpu.memref_slice %arg10[%dma_wait3A_241] : memref<2x!tpu.dma_semaphore, #tpu.memory_space<semaphore_mem>> -> memref<1x!tpu.dma_semaphore, #tpu.memory_space<semaphore_mem>>
    %dma_wait3A_253 = tpu.memref_squeeze %dma_wait3A_252 : memref<1x!tpu.dma_semaphore, #tpu.memory_space<semaphore_mem>> -> memref<!tpu.dma_semaphore, #tpu.memory_space<semaphore_mem>>
    tpu.wait_indirect_dma semaphore(%dma_wait3A_253 : memref<!tpu.dma_semaphore, #tpu.memory_space<semaphore_mem>>) src(%dma_wait3A_251 : memref<1000000x32xf32, #tpu.memory_space<hbm>>) dst(%dma_wait3A_245 : memref<100x32xf32, #tpu.memory_space<vmem>>)
    %dma_wait3A_254 = arith.constant 30 : i32
    %dma_wait3A_255 = arith.constant 3 : i32
    %dma_wait3A_256 = arith.constant 0 : i32
    %dma_wait3A_257 = arith.constant 0 : i32
    %dma_wait3A_258 = arith.constant 300 : i32
    %dma_wait3A_259 = arith.constant 0 : i32
    %dma_wait3A_260 = tpu.memref_slice %arg7[%dma_wait3A_256, %dma_wait3A_258, %dma_wait3A_259] : memref<2x800x32xf32, #tpu.memory_space<vmem>> -> memref<1x100x32xf32, #tpu.memory_space<vmem>>
    %dma_wait3A_261 = tpu.memref_squeeze %dma_wait3A_260 : memref<1x100x32xf32, #tpu.memory_space<vmem>> -> memref<100x32xf32, #tpu.memory_space<vmem>>
    %dma_wait3A_262 = arith.constant 0 : i32
    %dma_wait3A_263 = tpu.memref_slice %arg6[%dma_wait3A_254, %dma_wait3A_255, %dma_wait3A_262] : memref<32x8x100xi32, #tpu.memory_space<vmem>> -> memref<1x1x100xi32, #tpu.memory_space<vmem>>
    %dma_wait3A_264 = tpu.memref_squeeze %dma_wait3A_263 : memref<1x1x100xi32, #tpu.memory_space<vmem>> -> memref<100xi32, #tpu.memory_space<vmem>>
    %dma_wait3A_265 = arith.constant 0 : i32
    %dma_wait3A_266 = arith.constant 0 : i32
    %dma_wait3A_267 = tpu.memref_slice %arg2[%dma_wait3A_265, %dma_wait3A_266] : memref<1000000x32xf32, #tpu.memory_space<hbm>> -> memref<1000000x32xf32, #tpu.memory_space<hbm>>
    %dma_wait3A_268 = tpu.memref_slice %arg10[%dma_wait3A_257] : memref<2x!tpu.dma_semaphore, #tpu.memory_space<semaphore_mem>> -> memref<1x!tpu.dma_semaphore, #tpu.memory_space<semaphore_mem>>
    %dma_wait3A_269 = tpu.memref_squeeze %dma_wait3A_268 : memref<1x!tpu.dma_semaphore, #tpu.memory_space<semaphore_mem>> -> memref<!tpu.dma_semaphore, #tpu.memory_space<semaphore_mem>>
    tpu.wait_indirect_dma semaphore(%dma_wait3A_269 : memref<!tpu.dma_semaphore, #tpu.memory_space<semaphore_mem>>) src(%dma_wait3A_267 : memref<1000000x32xf32, #tpu.memory_space<hbm>>) dst(%dma_wait3A_261 : memref<100x32xf32, #tpu.memory_space<vmem>>)
    %dma_wait3A_270 = arith.constant 30 : i32
    %dma_wait3A_271 = arith.constant 4 : i32
    %dma_wait3A_272 = arith.constant 0 : i32
    %dma_wait3A_273 = arith.constant 0 : i32
    %dma_wait3A_274 = arith.constant 400 : i32
    %dma_wait3A_275 = arith.constant 0 : i32
    %dma_wait3A_276 = tpu.memref_slice %arg7[%dma_wait3A_272, %dma_wait3A_274, %dma_wait3A_275] : memref<2x800x32xf32, #tpu.memory_space<vmem>> -> memref<1x100x32xf32, #tpu.memory_space<vmem>>
    %dma_wait3A_277 = tpu.memref_squeeze %dma_wait3A_276 : memref<1x100x32xf32, #tpu.memory_space<vmem>> -> memref<100x32xf32, #tpu.memory_space<vmem>>
    %dma_wait3A_278 = arith.constant 0 : i32
    %dma_wait3A_279 = tpu.memref_slice %arg6[%dma_wait3A_270, %dma_wait3A_271, %dma_wait3A_278] : memref<32x8x100xi32, #tpu.memory_space<vmem>> -> memref<1x1x100xi32, #tpu.memory_space<vmem>>
    %dma_wait3A_280 = tpu.memref_squeeze %dma_wait3A_279 : memref<1x1x100xi32, #tpu.memory_space<vmem>> -> memref<100xi32, #tpu.memory_space<vmem>>
    %dma_wait3A_281 = arith.constant 0 : i32
    %dma_wait3A_282 = arith.constant 0 : i32
    %dma_wait3A_283 = tpu.memref_slice %arg2[%dma_wait3A_281, %dma_wait3A_282] : memref<1000000x32xf32, #tpu.memory_space<hbm>> -> memref<1000000x32xf32, #tpu.memory_space<hbm>>
    %dma_wait3A_284 = tpu.memref_slice %arg10[%dma_wait3A_273] : memref<2x!tpu.dma_semaphore, #tpu.memory_space<semaphore_mem>> -> memref<1x!tpu.dma_semaphore, #tpu.memory_space<semaphore_mem>>
    %dma_wait3A_285 = tpu.memref_squeeze %dma_wait3A_284 : memref<1x!tpu.dma_semaphore, #tpu.memory_space<semaphore_mem>> -> memref<!tpu.dma_semaphore, #tpu.memory_space<semaphore_mem>>
    tpu.wait_indirect_dma semaphore(%dma_wait3A_285 : memref<!tpu.dma_semaphore, #tpu.memory_space<semaphore_mem>>) src(%dma_wait3A_283 : memref<1000000x32xf32, #tpu.memory_space<hbm>>) dst(%dma_wait3A_277 : memref<100x32xf32, #tpu.memory_space<vmem>>)
    %dma_wait3A_286 = arith.constant 30 : i32
    %dma_wait3A_287 = arith.constant 5 : i32
    %dma_wait3A_288 = arith.constant 0 : i32
    %dma_wait3A_289 = arith.constant 0 : i32
    %dma_wait3A_290 = arith.constant 500 : i32
    %dma_wait3A_291 = arith.constant 0 : i32
    %dma_wait3A_292 = tpu.memref_slice %arg7[%dma_wait3A_288, %dma_wait3A_290, %dma_wait3A_291] : memref<2x800x32xf32, #tpu.memory_space<vmem>> -> memref<1x100x32xf32, #tpu.memory_space<vmem>>
    %dma_wait3A_293 = tpu.memref_squeeze %dma_wait3A_292 : memref<1x100x32xf32, #tpu.memory_space<vmem>> -> memref<100x32xf32, #tpu.memory_space<vmem>>
    %dma_wait3A_294 = arith.constant 0 : i32
    %dma_wait3A_295 = tpu.memref_slice %arg6[%dma_wait3A_286, %dma_wait3A_287, %dma_wait3A_294] : memref<32x8x100xi32, #tpu.memory_space<vmem>> -> memref<1x1x100xi32, #tpu.memory_space<vmem>>
    %dma_wait3A_296 = tpu.memref_squeeze %dma_wait3A_295 : memref<1x1x100xi32, #tpu.memory_space<vmem>> -> memref<100xi32, #tpu.memory_space<vmem>>
    %dma_wait3A_297 = arith.constant 0 : i32
    %dma_wait3A_298 = arith.constant 0 : i32
    %dma_wait3A_299 = tpu.memref_slice %arg2[%dma_wait3A_297, %dma_wait3A_298] : memref<1000000x32xf32, #tpu.memory_space<hbm>> -> memref<1000000x32xf32, #tpu.memory_space<hbm>>
    %dma_wait3A_300 = tpu.memref_slice %arg10[%dma_wait3A_289] : memref<2x!tpu.dma_semaphore, #tpu.memory_space<semaphore_mem>> -> memref<1x!tpu.dma_semaphore, #tpu.memory_space<semaphore_mem>>
    %dma_wait3A_301 = tpu.memref_squeeze %dma_wait3A_300 : memref<1x!tpu.dma_semaphore, #tpu.memory_space<semaphore_mem>> -> memref<!tpu.dma_semaphore, #tpu.memory_space<semaphore_mem>>
    tpu.wait_indirect_dma semaphore(%dma_wait3A_301 : memref<!tpu.dma_semaphore, #tpu.memory_space<semaphore_mem>>) src(%dma_wait3A_299 : memref<1000000x32xf32, #tpu.memory_space<hbm>>) dst(%dma_wait3A_293 : memref<100x32xf32, #tpu.memory_space<vmem>>)
    %dma_wait3A_302 = arith.constant 30 : i32
    %dma_wait3A_303 = arith.constant 6 : i32
    %dma_wait3A_304 = arith.constant 0 : i32
    %dma_wait3A_305 = arith.constant 0 : i32
    %dma_wait3A_306 = arith.constant 600 : i32
    %dma_wait3A_307 = arith.constant 0 : i32
    %dma_wait3A_308 = tpu.memref_slice %arg7[%dma_wait3A_304, %dma_wait3A_306, %dma_wait3A_307] : memref<2x800x32xf32, #tpu.memory_space<vmem>> -> memref<1x100x32xf32, #tpu.memory_space<vmem>>
    %dma_wait3A_309 = tpu.memref_squeeze %dma_wait3A_308 : memref<1x100x32xf32, #tpu.memory_space<vmem>> -> memref<100x32xf32, #tpu.memory_space<vmem>>
    %dma_wait3A_310 = arith.constant 0 : i32
    %dma_wait3A_311 = tpu.memref_slice %arg6[%dma_wait3A_302, %dma_wait3A_303, %dma_wait3A_310] : memref<32x8x100xi32, #tpu.memory_space<vmem>> -> memref<1x1x100xi32, #tpu.memory_space<vmem>>
    %dma_wait3A_312 = tpu.memref_squeeze %dma_wait3A_311 : memref<1x1x100xi32, #tpu.memory_space<vmem>> -> memref<100xi32, #tpu.memory_space<vmem>>
    %dma_wait3A_313 = arith.constant 0 : i32
    %dma_wait3A_314 = arith.constant 0 : i32
    %dma_wait3A_315 = tpu.memref_slice %arg2[%dma_wait3A_313, %dma_wait3A_314] : memref<1000000x32xf32, #tpu.memory_space<hbm>> -> memref<1000000x32xf32, #tpu.memory_space<hbm>>
    %dma_wait3A_316 = tpu.memref_slice %arg10[%dma_wait3A_305] : memref<2x!tpu.dma_semaphore, #tpu.memory_space<semaphore_mem>> -> memref<1x!tpu.dma_semaphore, #tpu.memory_space<semaphore_mem>>
    %dma_wait3A_317 = tpu.memref_squeeze %dma_wait3A_316 : memref<1x!tpu.dma_semaphore, #tpu.memory_space<semaphore_mem>> -> memref<!tpu.dma_semaphore, #tpu.memory_space<semaphore_mem>>
    tpu.wait_indirect_dma semaphore(%dma_wait3A_317 : memref<!tpu.dma_semaphore, #tpu.memory_space<semaphore_mem>>) src(%dma_wait3A_315 : memref<1000000x32xf32, #tpu.memory_space<hbm>>) dst(%dma_wait3A_309 : memref<100x32xf32, #tpu.memory_space<vmem>>)
    %dma_wait3A_318 = arith.constant 30 : i32
    %dma_wait3A_319 = arith.constant 7 : i32
    %dma_wait3A_320 = arith.constant 0 : i32
    %dma_wait3A_321 = arith.constant 0 : i32
    %dma_wait3A_322 = arith.constant 700 : i32
    %dma_wait3A_323 = arith.constant 0 : i32
    %dma_wait3A_324 = tpu.memref_slice %arg7[%dma_wait3A_320, %dma_wait3A_322, %dma_wait3A_323] : memref<2x800x32xf32, #tpu.memory_space<vmem>> -> memref<1x100x32xf32, #tpu.memory_space<vmem>>
    %dma_wait3A_325 = tpu.memref_squeeze %dma_wait3A_324 : memref<1x100x32xf32, #tpu.memory_space<vmem>> -> memref<100x32xf32, #tpu.memory_space<vmem>>
    %dma_wait3A_326 = arith.constant 0 : i32
    %dma_wait3A_327 = tpu.memref_slice %arg6[%dma_wait3A_318, %dma_wait3A_319, %dma_wait3A_326] : memref<32x8x100xi32, #tpu.memory_space<vmem>> -> memref<1x1x100xi32, #tpu.memory_space<vmem>>
    %dma_wait3A_328 = tpu.memref_squeeze %dma_wait3A_327 : memref<1x1x100xi32, #tpu.memory_space<vmem>> -> memref<100xi32, #tpu.memory_space<vmem>>
    %dma_wait3A_329 = arith.constant 0 : i32
    %dma_wait3A_330 = arith.constant 0 : i32
    %dma_wait3A_331 = tpu.memref_slice %arg2[%dma_wait3A_329, %dma_wait3A_330] : memref<1000000x32xf32, #tpu.memory_space<hbm>> -> memref<1000000x32xf32, #tpu.memory_space<hbm>>
    %dma_wait3A_332 = tpu.memref_slice %arg10[%dma_wait3A_321] : memref<2x!tpu.dma_semaphore, #tpu.memory_space<semaphore_mem>> -> memref<1x!tpu.dma_semaphore, #tpu.memory_space<semaphore_mem>>
    %dma_wait3A_333 = tpu.memref_squeeze %dma_wait3A_332 : memref<1x!tpu.dma_semaphore, #tpu.memory_space<semaphore_mem>> -> memref<!tpu.dma_semaphore, #tpu.memory_space<semaphore_mem>>
    tpu.wait_indirect_dma semaphore(%dma_wait3A_333 : memref<!tpu.dma_semaphore, #tpu.memory_space<semaphore_mem>>) src(%dma_wait3A_331 : memref<1000000x32xf32, #tpu.memory_space<hbm>>) dst(%dma_wait3A_325 : memref<100x32xf32, #tpu.memory_space<vmem>>)
    %mul3A_334 = arith.constant 32 : i32
    %mul3A_335 = arith.muli %add3A, %mul3A_334 : i32
    %add3A_336 = arith.constant 30 : i32
    %add3A_337 = arith.addi %mul3A_335, %add3A_336 : i32
    %mul3A_338 = arith.constant 800 : i32
    %mul3A_339 = arith.muli %add3A_337, %mul3A_338 : i32
    %dma_start3A_340 = arith.constant 0 : i32
    %dma_start3A_341 = arith.constant 0 : i32
    %dma_start3A_342 = arith.constant 0 : i32
    %dma_start3A_343 = arith.constant 0 : i32
    %dma_start3A_344 = tpu.memref_slice %arg7[%dma_start3A_340, %dma_start3A_342, %dma_start3A_343] : memref<2x800x32xf32, #tpu.memory_space<vmem>> -> memref<1x800x32xf32, #tpu.memory_space<vmem>>
    %dma_start3A_345 = tpu.memref_squeeze %dma_start3A_344 : memref<1x800x32xf32, #tpu.memory_space<vmem>> -> memref<800x32xf32, #tpu.memory_space<vmem>>
    %dma_start3A_346 = arith.constant 0 : i32
    %dma_start3A_347 = tpu.memref_slice %arg5[%mul3A_339, %dma_start3A_346] : memref<819200x32xf32, #tpu.memory_space<hbm>> -> memref<800x32xf32, #tpu.memory_space<hbm>>
    %dma_start3A_348 = tpu.memref_slice %arg11[%dma_start3A_341] : memref<2x!tpu.dma_semaphore, #tpu.memory_space<semaphore_mem>> -> memref<1x!tpu.dma_semaphore, #tpu.memory_space<semaphore_mem>>
    %dma_start3A_349 = tpu.memref_squeeze %dma_start3A_348 : memref<1x!tpu.dma_semaphore, #tpu.memory_space<semaphore_mem>> -> memref<!tpu.dma_semaphore, #tpu.memory_space<semaphore_mem>>
    %dma_start3A_350 = arith.constant 0 : i32
    %dma_start3A_351 = tpu.memref_slice %arg5[%mul3A_339, %dma_start3A_350] : memref<819200x32xf32, #tpu.memory_space<hbm>> -> memref<800x32xf32, #tpu.memory_space<hbm>>
    %dma_start3A_352 = arith.constant 0 : i32
    %dma_start3A_353 = arith.constant 0 : i32
    %dma_start3A_354 = tpu.memref_slice %arg7[%dma_start3A_340, %dma_start3A_352, %dma_start3A_353] : memref<2x800x32xf32, #tpu.memory_space<vmem>> -> memref<1x800x32xf32, #tpu.memory_space<vmem>>
    %dma_start3A_355 = tpu.memref_squeeze %dma_start3A_354 : memref<1x800x32xf32, #tpu.memory_space<vmem>> -> memref<800x32xf32, #tpu.memory_space<vmem>>
    tpu.enqueue_dma source(%dma_start3A_355 : memref<800x32xf32, #tpu.memory_space<vmem>>) target(%dma_start3A_351 : memref<800x32xf32, #tpu.memory_space<hbm>>) target_semaphore(%dma_start3A_349 : memref<!tpu.dma_semaphore, #tpu.memory_space<semaphore_mem>>)
    %dma_wait3A_356 = arith.constant 1 : i32
    %dma_wait3A_357 = arith.constant 1 : i32
    %dma_wait3A_358 = arith.constant 0 : i32
    %dma_wait3A_359 = arith.constant 0 : i32
    %dma_wait3A_360 = tpu.memref_slice %arg7[%dma_wait3A_356, %dma_wait3A_358, %dma_wait3A_359] : memref<2x800x32xf32, #tpu.memory_space<vmem>> -> memref<1x800x32xf32, #tpu.memory_space<vmem>>
    %dma_wait3A_361 = tpu.memref_squeeze %dma_wait3A_360 : memref<1x800x32xf32, #tpu.memory_space<vmem>> -> memref<800x32xf32, #tpu.memory_space<vmem>>
    %dma_wait3A_362 = tpu.memref_slice %arg9[%dma_wait3A_357] : memref<2x!tpu.dma_semaphore, #tpu.memory_space<semaphore_mem>> -> memref<1x!tpu.dma_semaphore, #tpu.memory_space<semaphore_mem>>
    %dma_wait3A_363 = tpu.memref_squeeze %dma_wait3A_362 : memref<1x!tpu.dma_semaphore, #tpu.memory_space<semaphore_mem>> -> memref<!tpu.dma_semaphore, #tpu.memory_space<semaphore_mem>>
    %dma_wait3A_364 = arith.constant 0 : i32
    %dma_wait3A_365 = arith.constant 0 : i32
    %dma_wait3A_366 = tpu.memref_slice %arg7[%dma_wait3A_356, %dma_wait3A_364, %dma_wait3A_365] : memref<2x800x32xf32, #tpu.memory_space<vmem>> -> memref<1x800x32xf32, #tpu.memory_space<vmem>>
    %dma_wait3A_367 = tpu.memref_squeeze %dma_wait3A_366 : memref<1x800x32xf32, #tpu.memory_space<vmem>> -> memref<800x32xf32, #tpu.memory_space<vmem>>
    tpu.wait_dma2 semaphore(%dma_wait3A_363 : memref<!tpu.dma_semaphore, #tpu.memory_space<semaphore_mem>>) src(%arg8 : memref<800x32xf32, #tpu.memory_space<vmem_shared>>) dst(%dma_wait3A_367 : memref<800x32xf32, #tpu.memory_space<vmem>>)
    %dma_start3A_368 = arith.constant 31 : i32
    %dma_start3A_369 = arith.constant 0 : i32
    %dma_start3A_370 = arith.constant 1 : i32
    %dma_start3A_371 = arith.constant 1 : i32
    %dma_start3A_372 = arith.constant 0 : i32
    %dma_start3A_373 = arith.constant 0 : i32
    %dma_start3A_374 = tpu.memref_slice %arg7[%dma_start3A_370, %dma_start3A_372, %dma_start3A_373] : memref<2x800x32xf32, #tpu.memory_space<vmem>> -> memref<1x100x32xf32, #tpu.memory_space<vmem>>
    %dma_start3A_375 = tpu.memref_squeeze %dma_start3A_374 : memref<1x100x32xf32, #tpu.memory_space<vmem>> -> memref<100x32xf32, #tpu.memory_space<vmem>>
    %dma_start3A_376 = arith.constant 0 : i32
    %dma_start3A_377 = tpu.memref_slice %arg6[%dma_start3A_368, %dma_start3A_369, %dma_start3A_376] : memref<32x8x100xi32, #tpu.memory_space<vmem>> -> memref<1x1x100xi32, #tpu.memory_space<vmem>>
    %dma_start3A_378 = tpu.memref_squeeze %dma_start3A_377 : memref<1x1x100xi32, #tpu.memory_space<vmem>> -> memref<100xi32, #tpu.memory_space<vmem>>
    %dma_start3A_379 = arith.constant 0 : i32
    %dma_start3A_380 = arith.constant 0 : i32
    %dma_start3A_381 = tpu.memref_slice %arg2[%dma_start3A_379, %dma_start3A_380] : memref<1000000x32xf32, #tpu.memory_space<hbm>> -> memref<1000000x32xf32, #tpu.memory_space<hbm>>
    %dma_start3A_382 = tpu.memref_slice %arg10[%dma_start3A_371] : memref<2x!tpu.dma_semaphore, #tpu.memory_space<semaphore_mem>> -> memref<1x!tpu.dma_semaphore, #tpu.memory_space<semaphore_mem>>
    %dma_start3A_383 = tpu.memref_squeeze %dma_start3A_382 : memref<1x!tpu.dma_semaphore, #tpu.memory_space<semaphore_mem>> -> memref<!tpu.dma_semaphore, #tpu.memory_space<semaphore_mem>>
    tpu.enqueue_indirect_dma source(%dma_start3A_381 : memref<1000000x32xf32, #tpu.memory_space<hbm>>) target(%dma_start3A_375 : memref<100x32xf32, #tpu.memory_space<vmem>>) offsets(%dma_start3A_378 : memref<100xi32, #tpu.memory_space<vmem>>) semaphore(%dma_start3A_383 : memref<!tpu.dma_semaphore, #tpu.memory_space<semaphore_mem>>) {add = true}
    %dma_start3A_384 = arith.constant 31 : i32
    %dma_start3A_385 = arith.constant 1 : i32
    %dma_start3A_386 = arith.constant 1 : i32
    %dma_start3A_387 = arith.constant 1 : i32
    %dma_start3A_388 = arith.constant 100 : i32
    %dma_start3A_389 = arith.constant 0 : i32
    %dma_start3A_390 = tpu.memref_slice %arg7[%dma_start3A_386, %dma_start3A_388, %dma_start3A_389] : memref<2x800x32xf32, #tpu.memory_space<vmem>> -> memref<1x100x32xf32, #tpu.memory_space<vmem>>
    %dma_start3A_391 = tpu.memref_squeeze %dma_start3A_390 : memref<1x100x32xf32, #tpu.memory_space<vmem>> -> memref<100x32xf32, #tpu.memory_space<vmem>>
    %dma_start3A_392 = arith.constant 0 : i32
    %dma_start3A_393 = tpu.memref_slice %arg6[%dma_start3A_384, %dma_start3A_385, %dma_start3A_392] : memref<32x8x100xi32, #tpu.memory_space<vmem>> -> memref<1x1x100xi32, #tpu.memory_space<vmem>>
    %dma_start3A_394 = tpu.memref_squeeze %dma_start3A_393 : memref<1x1x100xi32, #tpu.memory_space<vmem>> -> memref<100xi32, #tpu.memory_space<vmem>>
    %dma_start3A_395 = arith.constant 0 : i32
    %dma_start3A_396 = arith.constant 0 : i32
    %dma_start3A_397 = tpu.memref_slice %arg2[%dma_start3A_395, %dma_start3A_396] : memref<1000000x32xf32, #tpu.memory_space<hbm>> -> memref<1000000x32xf32, #tpu.memory_space<hbm>>
    %dma_start3A_398 = tpu.memref_slice %arg10[%dma_start3A_387] : memref<2x!tpu.dma_semaphore, #tpu.memory_space<semaphore_mem>> -> memref<1x!tpu.dma_semaphore, #tpu.memory_space<semaphore_mem>>
    %dma_start3A_399 = tpu.memref_squeeze %dma_start3A_398 : memref<1x!tpu.dma_semaphore, #tpu.memory_space<semaphore_mem>> -> memref<!tpu.dma_semaphore, #tpu.memory_space<semaphore_mem>>
    tpu.enqueue_indirect_dma source(%dma_start3A_397 : memref<1000000x32xf32, #tpu.memory_space<hbm>>) target(%dma_start3A_391 : memref<100x32xf32, #tpu.memory_space<vmem>>) offsets(%dma_start3A_394 : memref<100xi32, #tpu.memory_space<vmem>>) semaphore(%dma_start3A_399 : memref<!tpu.dma_semaphore, #tpu.memory_space<semaphore_mem>>) {add = true}
    %dma_start3A_400 = arith.constant 31 : i32
    %dma_start3A_401 = arith.constant 2 : i32
    %dma_start3A_402 = arith.constant 1 : i32
    %dma_start3A_403 = arith.constant 1 : i32
    %dma_start3A_404 = arith.constant 200 : i32
    %dma_start3A_405 = arith.constant 0 : i32
    %dma_start3A_406 = tpu.memref_slice %arg7[%dma_start3A_402, %dma_start3A_404, %dma_start3A_405] : memref<2x800x32xf32, #tpu.memory_space<vmem>> -> memref<1x100x32xf32, #tpu.memory_space<vmem>>
    %dma_start3A_407 = tpu.memref_squeeze %dma_start3A_406 : memref<1x100x32xf32, #tpu.memory_space<vmem>> -> memref<100x32xf32, #tpu.memory_space<vmem>>
    %dma_start3A_408 = arith.constant 0 : i32
    %dma_start3A_409 = tpu.memref_slice %arg6[%dma_start3A_400, %dma_start3A_401, %dma_start3A_408] : memref<32x8x100xi32, #tpu.memory_space<vmem>> -> memref<1x1x100xi32, #tpu.memory_space<vmem>>
    %dma_start3A_410 = tpu.memref_squeeze %dma_start3A_409 : memref<1x1x100xi32, #tpu.memory_space<vmem>> -> memref<100xi32, #tpu.memory_space<vmem>>
    %dma_start3A_411 = arith.constant 0 : i32
    %dma_start3A_412 = arith.constant 0 : i32
    %dma_start3A_413 = tpu.memref_slice %arg2[%dma_start3A_411, %dma_start3A_412] : memref<1000000x32xf32, #tpu.memory_space<hbm>> -> memref<1000000x32xf32, #tpu.memory_space<hbm>>
    %dma_start3A_414 = tpu.memref_slice %arg10[%dma_start3A_403] : memref<2x!tpu.dma_semaphore, #tpu.memory_space<semaphore_mem>> -> memref<1x!tpu.dma_semaphore, #tpu.memory_space<semaphore_mem>>
    %dma_start3A_415 = tpu.memref_squeeze %dma_start3A_414 : memref<1x!tpu.dma_semaphore, #tpu.memory_space<semaphore_mem>> -> memref<!tpu.dma_semaphore, #tpu.memory_space<semaphore_mem>>
    tpu.enqueue_indirect_dma source(%dma_start3A_413 : memref<1000000x32xf32, #tpu.memory_space<hbm>>) target(%dma_start3A_407 : memref<100x32xf32, #tpu.memory_space<vmem>>) offsets(%dma_start3A_410 : memref<100xi32, #tpu.memory_space<vmem>>) semaphore(%dma_start3A_415 : memref<!tpu.dma_semaphore, #tpu.memory_space<semaphore_mem>>) {add = true}
    %dma_start3A_416 = arith.constant 31 : i32
    %dma_start3A_417 = arith.constant 3 : i32
    %dma_start3A_418 = arith.constant 1 : i32
    %dma_start3A_419 = arith.constant 1 : i32
    %dma_start3A_420 = arith.constant 300 : i32
    %dma_start3A_421 = arith.constant 0 : i32
    %dma_start3A_422 = tpu.memref_slice %arg7[%dma_start3A_418, %dma_start3A_420, %dma_start3A_421] : memref<2x800x32xf32, #tpu.memory_space<vmem>> -> memref<1x100x32xf32, #tpu.memory_space<vmem>>
    %dma_start3A_423 = tpu.memref_squeeze %dma_start3A_422 : memref<1x100x32xf32, #tpu.memory_space<vmem>> -> memref<100x32xf32, #tpu.memory_space<vmem>>
    %dma_start3A_424 = arith.constant 0 : i32
    %dma_start3A_425 = tpu.memref_slice %arg6[%dma_start3A_416, %dma_start3A_417, %dma_start3A_424] : memref<32x8x100xi32, #tpu.memory_space<vmem>> -> memref<1x1x100xi32, #tpu.memory_space<vmem>>
    %dma_start3A_426 = tpu.memref_squeeze %dma_start3A_425 : memref<1x1x100xi32, #tpu.memory_space<vmem>> -> memref<100xi32, #tpu.memory_space<vmem>>
    %dma_start3A_427 = arith.constant 0 : i32
    %dma_start3A_428 = arith.constant 0 : i32
    %dma_start3A_429 = tpu.memref_slice %arg2[%dma_start3A_427, %dma_start3A_428] : memref<1000000x32xf32, #tpu.memory_space<hbm>> -> memref<1000000x32xf32, #tpu.memory_space<hbm>>
    %dma_start3A_430 = tpu.memref_slice %arg10[%dma_start3A_419] : memref<2x!tpu.dma_semaphore, #tpu.memory_space<semaphore_mem>> -> memref<1x!tpu.dma_semaphore, #tpu.memory_space<semaphore_mem>>
    %dma_start3A_431 = tpu.memref_squeeze %dma_start3A_430 : memref<1x!tpu.dma_semaphore, #tpu.memory_space<semaphore_mem>> -> memref<!tpu.dma_semaphore, #tpu.memory_space<semaphore_mem>>
    tpu.enqueue_indirect_dma source(%dma_start3A_429 : memref<1000000x32xf32, #tpu.memory_space<hbm>>) target(%dma_start3A_423 : memref<100x32xf32, #tpu.memory_space<vmem>>) offsets(%dma_start3A_426 : memref<100xi32, #tpu.memory_space<vmem>>) semaphore(%dma_start3A_431 : memref<!tpu.dma_semaphore, #tpu.memory_space<semaphore_mem>>) {add = true}
    %dma_start3A_432 = arith.constant 31 : i32
    %dma_start3A_433 = arith.constant 4 : i32
    %dma_start3A_434 = arith.constant 1 : i32
    %dma_start3A_435 = arith.constant 1 : i32
    %dma_start3A_436 = arith.constant 400 : i32
    %dma_start3A_437 = arith.constant 0 : i32
    %dma_start3A_438 = tpu.memref_slice %arg7[%dma_start3A_434, %dma_start3A_436, %dma_start3A_437] : memref<2x800x32xf32, #tpu.memory_space<vmem>> -> memref<1x100x32xf32, #tpu.memory_space<vmem>>
    %dma_start3A_439 = tpu.memref_squeeze %dma_start3A_438 : memref<1x100x32xf32, #tpu.memory_space<vmem>> -> memref<100x32xf32, #tpu.memory_space<vmem>>
    %dma_start3A_440 = arith.constant 0 : i32
    %dma_start3A_441 = tpu.memref_slice %arg6[%dma_start3A_432, %dma_start3A_433, %dma_start3A_440] : memref<32x8x100xi32, #tpu.memory_space<vmem>> -> memref<1x1x100xi32, #tpu.memory_space<vmem>>
    %dma_start3A_442 = tpu.memref_squeeze %dma_start3A_441 : memref<1x1x100xi32, #tpu.memory_space<vmem>> -> memref<100xi32, #tpu.memory_space<vmem>>
    %dma_start3A_443 = arith.constant 0 : i32
    %dma_start3A_444 = arith.constant 0 : i32
    %dma_start3A_445 = tpu.memref_slice %arg2[%dma_start3A_443, %dma_start3A_444] : memref<1000000x32xf32, #tpu.memory_space<hbm>> -> memref<1000000x32xf32, #tpu.memory_space<hbm>>
    %dma_start3A_446 = tpu.memref_slice %arg10[%dma_start3A_435] : memref<2x!tpu.dma_semaphore, #tpu.memory_space<semaphore_mem>> -> memref<1x!tpu.dma_semaphore, #tpu.memory_space<semaphore_mem>>
    %dma_start3A_447 = tpu.memref_squeeze %dma_start3A_446 : memref<1x!tpu.dma_semaphore, #tpu.memory_space<semaphore_mem>> -> memref<!tpu.dma_semaphore, #tpu.memory_space<semaphore_mem>>
    tpu.enqueue_indirect_dma source(%dma_start3A_445 : memref<1000000x32xf32, #tpu.memory_space<hbm>>) target(%dma_start3A_439 : memref<100x32xf32, #tpu.memory_space<vmem>>) offsets(%dma_start3A_442 : memref<100xi32, #tpu.memory_space<vmem>>) semaphore(%dma_start3A_447 : memref<!tpu.dma_semaphore, #tpu.memory_space<semaphore_mem>>) {add = true}
    %dma_start3A_448 = arith.constant 31 : i32
    %dma_start3A_449 = arith.constant 5 : i32
    %dma_start3A_450 = arith.constant 1 : i32
    %dma_start3A_451 = arith.constant 1 : i32
    %dma_start3A_452 = arith.constant 500 : i32
    %dma_start3A_453 = arith.constant 0 : i32
    %dma_start3A_454 = tpu.memref_slice %arg7[%dma_start3A_450, %dma_start3A_452, %dma_start3A_453] : memref<2x800x32xf32, #tpu.memory_space<vmem>> -> memref<1x100x32xf32, #tpu.memory_space<vmem>>
    %dma_start3A_455 = tpu.memref_squeeze %dma_start3A_454 : memref<1x100x32xf32, #tpu.memory_space<vmem>> -> memref<100x32xf32, #tpu.memory_space<vmem>>
    %dma_start3A_456 = arith.constant 0 : i32
    %dma_start3A_457 = tpu.memref_slice %arg6[%dma_start3A_448, %dma_start3A_449, %dma_start3A_456] : memref<32x8x100xi32, #tpu.memory_space<vmem>> -> memref<1x1x100xi32, #tpu.memory_space<vmem>>
    %dma_start3A_458 = tpu.memref_squeeze %dma_start3A_457 : memref<1x1x100xi32, #tpu.memory_space<vmem>> -> memref<100xi32, #tpu.memory_space<vmem>>
    %dma_start3A_459 = arith.constant 0 : i32
    %dma_start3A_460 = arith.constant 0 : i32
    %dma_start3A_461 = tpu.memref_slice %arg2[%dma_start3A_459, %dma_start3A_460] : memref<1000000x32xf32, #tpu.memory_space<hbm>> -> memref<1000000x32xf32, #tpu.memory_space<hbm>>
    %dma_start3A_462 = tpu.memref_slice %arg10[%dma_start3A_451] : memref<2x!tpu.dma_semaphore, #tpu.memory_space<semaphore_mem>> -> memref<1x!tpu.dma_semaphore, #tpu.memory_space<semaphore_mem>>
    %dma_start3A_463 = tpu.memref_squeeze %dma_start3A_462 : memref<1x!tpu.dma_semaphore, #tpu.memory_space<semaphore_mem>> -> memref<!tpu.dma_semaphore, #tpu.memory_space<semaphore_mem>>
    tpu.enqueue_indirect_dma source(%dma_start3A_461 : memref<1000000x32xf32, #tpu.memory_space<hbm>>) target(%dma_start3A_455 : memref<100x32xf32, #tpu.memory_space<vmem>>) offsets(%dma_start3A_458 : memref<100xi32, #tpu.memory_space<vmem>>) semaphore(%dma_start3A_463 : memref<!tpu.dma_semaphore, #tpu.memory_space<semaphore_mem>>) {add = true}
    %dma_start3A_464 = arith.constant 31 : i32
    %dma_start3A_465 = arith.constant 6 : i32
    %dma_start3A_466 = arith.constant 1 : i32
    %dma_start3A_467 = arith.constant 1 : i32
    %dma_start3A_468 = arith.constant 600 : i32
    %dma_start3A_469 = arith.constant 0 : i32
    %dma_start3A_470 = tpu.memref_slice %arg7[%dma_start3A_466, %dma_start3A_468, %dma_start3A_469] : memref<2x800x32xf32, #tpu.memory_space<vmem>> -> memref<1x100x32xf32, #tpu.memory_space<vmem>>
    %dma_start3A_471 = tpu.memref_squeeze %dma_start3A_470 : memref<1x100x32xf32, #tpu.memory_space<vmem>> -> memref<100x32xf32, #tpu.memory_space<vmem>>
    %dma_start3A_472 = arith.constant 0 : i32
    %dma_start3A_473 = tpu.memref_slice %arg6[%dma_start3A_464, %dma_start3A_465, %dma_start3A_472] : memref<32x8x100xi32, #tpu.memory_space<vmem>> -> memref<1x1x100xi32, #tpu.memory_space<vmem>>
    %dma_start3A_474 = tpu.memref_squeeze %dma_start3A_473 : memref<1x1x100xi32, #tpu.memory_space<vmem>> -> memref<100xi32, #tpu.memory_space<vmem>>
    %dma_start3A_475 = arith.constant 0 : i32
    %dma_start3A_476 = arith.constant 0 : i32
    %dma_start3A_477 = tpu.memref_slice %arg2[%dma_start3A_475, %dma_start3A_476] : memref<1000000x32xf32, #tpu.memory_space<hbm>> -> memref<1000000x32xf32, #tpu.memory_space<hbm>>
    %dma_start3A_478 = tpu.memref_slice %arg10[%dma_start3A_467] : memref<2x!tpu.dma_semaphore, #tpu.memory_space<semaphore_mem>> -> memref<1x!tpu.dma_semaphore, #tpu.memory_space<semaphore_mem>>
    %dma_start3A_479 = tpu.memref_squeeze %dma_start3A_478 : memref<1x!tpu.dma_semaphore, #tpu.memory_space<semaphore_mem>> -> memref<!tpu.dma_semaphore, #tpu.memory_space<semaphore_mem>>
    tpu.enqueue_indirect_dma source(%dma_start3A_477 : memref<1000000x32xf32, #tpu.memory_space<hbm>>) target(%dma_start3A_471 : memref<100x32xf32, #tpu.memory_space<vmem>>) offsets(%dma_start3A_474 : memref<100xi32, #tpu.memory_space<vmem>>) semaphore(%dma_start3A_479 : memref<!tpu.dma_semaphore, #tpu.memory_space<semaphore_mem>>) {add = true}
    %dma_start3A_480 = arith.constant 31 : i32
    %dma_start3A_481 = arith.constant 7 : i32
    %dma_start3A_482 = arith.constant 1 : i32
    %dma_start3A_483 = arith.constant 1 : i32
    %dma_start3A_484 = arith.constant 700 : i32
    %dma_start3A_485 = arith.constant 0 : i32
    %dma_start3A_486 = tpu.memref_slice %arg7[%dma_start3A_482, %dma_start3A_484, %dma_start3A_485] : memref<2x800x32xf32, #tpu.memory_space<vmem>> -> memref<1x100x32xf32, #tpu.memory_space<vmem>>
    %dma_start3A_487 = tpu.memref_squeeze %dma_start3A_486 : memref<1x100x32xf32, #tpu.memory_space<vmem>> -> memref<100x32xf32, #tpu.memory_space<vmem>>
    %dma_start3A_488 = arith.constant 0 : i32
    %dma_start3A_489 = tpu.memref_slice %arg6[%dma_start3A_480, %dma_start3A_481, %dma_start3A_488] : memref<32x8x100xi32, #tpu.memory_space<vmem>> -> memref<1x1x100xi32, #tpu.memory_space<vmem>>
    %dma_start3A_490 = tpu.memref_squeeze %dma_start3A_489 : memref<1x1x100xi32, #tpu.memory_space<vmem>> -> memref<100xi32, #tpu.memory_space<vmem>>
    %dma_start3A_491 = arith.constant 0 : i32
    %dma_start3A_492 = arith.constant 0 : i32
    %dma_start3A_493 = tpu.memref_slice %arg2[%dma_start3A_491, %dma_start3A_492] : memref<1000000x32xf32, #tpu.memory_space<hbm>> -> memref<1000000x32xf32, #tpu.memory_space<hbm>>
    %dma_start3A_494 = tpu.memref_slice %arg10[%dma_start3A_483] : memref<2x!tpu.dma_semaphore, #tpu.memory_space<semaphore_mem>> -> memref<1x!tpu.dma_semaphore, #tpu.memory_space<semaphore_mem>>
    %dma_start3A_495 = tpu.memref_squeeze %dma_start3A_494 : memref<1x!tpu.dma_semaphore, #tpu.memory_space<semaphore_mem>> -> memref<!tpu.dma_semaphore, #tpu.memory_space<semaphore_mem>>
    tpu.enqueue_indirect_dma source(%dma_start3A_493 : memref<1000000x32xf32, #tpu.memory_space<hbm>>) target(%dma_start3A_487 : memref<100x32xf32, #tpu.memory_space<vmem>>) offsets(%dma_start3A_490 : memref<100xi32, #tpu.memory_space<vmem>>) semaphore(%dma_start3A_495 : memref<!tpu.dma_semaphore, #tpu.memory_space<semaphore_mem>>) {add = true}
    %mul3A_496 = arith.constant 32 : i32
    %mul3A_497 = arith.muli %add3A, %mul3A_496 : i32
    %add3A_498 = arith.constant 30 : i32
    %add3A_499 = arith.addi %mul3A_497, %add3A_498 : i32
    %mul3A_500 = arith.constant 800 : i32
    %mul3A_501 = arith.muli %add3A_499, %mul3A_500 : i32
    %dma_wait3A_502 = arith.constant 0 : i32
    %dma_wait3A_503 = arith.constant 0 : i32
    %dma_wait3A_504 = arith.constant 0 : i32
    %dma_wait3A_505 = arith.constant 0 : i32
    %dma_wait3A_506 = tpu.memref_slice %arg7[%dma_wait3A_502, %dma_wait3A_504, %dma_wait3A_505] : memref<2x800x32xf32, #tpu.memory_space<vmem>> -> memref<1x800x32xf32, #tpu.memory_space<vmem>>
    %dma_wait3A_507 = tpu.memref_squeeze %dma_wait3A_506 : memref<1x800x32xf32, #tpu.memory_space<vmem>> -> memref<800x32xf32, #tpu.memory_space<vmem>>
    %dma_wait3A_508 = arith.constant 0 : i32
    %dma_wait3A_509 = tpu.memref_slice %arg5[%mul3A_501, %dma_wait3A_508] : memref<819200x32xf32, #tpu.memory_space<hbm>> -> memref<800x32xf32, #tpu.memory_space<hbm>>
    %dma_wait3A_510 = tpu.memref_slice %arg11[%dma_wait3A_503] : memref<2x!tpu.dma_semaphore, #tpu.memory_space<semaphore_mem>> -> memref<1x!tpu.dma_semaphore, #tpu.memory_space<semaphore_mem>>
    %dma_wait3A_511 = tpu.memref_squeeze %dma_wait3A_510 : memref<1x!tpu.dma_semaphore, #tpu.memory_space<semaphore_mem>> -> memref<!tpu.dma_semaphore, #tpu.memory_space<semaphore_mem>>
    %dma_wait3A_512 = arith.constant 0 : i32
    %dma_wait3A_513 = tpu.memref_slice %arg5[%mul3A_501, %dma_wait3A_512] : memref<819200x32xf32, #tpu.memory_space<hbm>> -> memref<800x32xf32, #tpu.memory_space<hbm>>
    %dma_wait3A_514 = arith.constant 0 : i32
    %dma_wait3A_515 = arith.constant 0 : i32
    %dma_wait3A_516 = tpu.memref_slice %arg7[%dma_wait3A_502, %dma_wait3A_514, %dma_wait3A_515] : memref<2x800x32xf32, #tpu.memory_space<vmem>> -> memref<1x800x32xf32, #tpu.memory_space<vmem>>
    %dma_wait3A_517 = tpu.memref_squeeze %dma_wait3A_516 : memref<1x800x32xf32, #tpu.memory_space<vmem>> -> memref<800x32xf32, #tpu.memory_space<vmem>>
    tpu.wait_dma2 semaphore(%dma_wait3A_511 : memref<!tpu.dma_semaphore, #tpu.memory_space<semaphore_mem>>) src(%dma_wait3A_517 : memref<800x32xf32, #tpu.memory_space<vmem>>) dst(%dma_wait3A_513 : memref<800x32xf32, #tpu.memory_space<hbm>>)
    %dma_wait3A_518 = arith.constant 31 : i32
    %dma_wait3A_519 = arith.constant 0 : i32
    %dma_wait3A_520 = arith.constant 1 : i32
    %dma_wait3A_521 = arith.constant 1 : i32
    %dma_wait3A_522 = arith.constant 0 : i32
    %dma_wait3A_523 = arith.constant 0 : i32
    %dma_wait3A_524 = tpu.memref_slice %arg7[%dma_wait3A_520, %dma_wait3A_522, %dma_wait3A_523] : memref<2x800x32xf32, #tpu.memory_space<vmem>> -> memref<1x100x32xf32, #tpu.memory_space<vmem>>
    %dma_wait3A_525 = tpu.memref_squeeze %dma_wait3A_524 : memref<1x100x32xf32, #tpu.memory_space<vmem>> -> memref<100x32xf32, #tpu.memory_space<vmem>>
    %dma_wait3A_526 = arith.constant 0 : i32
    %dma_wait3A_527 = tpu.memref_slice %arg6[%dma_wait3A_518, %dma_wait3A_519, %dma_wait3A_526] : memref<32x8x100xi32, #tpu.memory_space<vmem>> -> memref<1x1x100xi32, #tpu.memory_space<vmem>>
    %dma_wait3A_528 = tpu.memref_squeeze %dma_wait3A_527 : memref<1x1x100xi32, #tpu.memory_space<vmem>> -> memref<100xi32, #tpu.memory_space<vmem>>
    %dma_wait3A_529 = arith.constant 0 : i32
    %dma_wait3A_530 = arith.constant 0 : i32
    %dma_wait3A_531 = tpu.memref_slice %arg2[%dma_wait3A_529, %dma_wait3A_530] : memref<1000000x32xf32, #tpu.memory_space<hbm>> -> memref<1000000x32xf32, #tpu.memory_space<hbm>>
    %dma_wait3A_532 = tpu.memref_slice %arg10[%dma_wait3A_521] : memref<2x!tpu.dma_semaphore, #tpu.memory_space<semaphore_mem>> -> memref<1x!tpu.dma_semaphore, #tpu.memory_space<semaphore_mem>>
    %dma_wait3A_533 = tpu.memref_squeeze %dma_wait3A_532 : memref<1x!tpu.dma_semaphore, #tpu.memory_space<semaphore_mem>> -> memref<!tpu.dma_semaphore, #tpu.memory_space<semaphore_mem>>
    tpu.wait_indirect_dma semaphore(%dma_wait3A_533 : memref<!tpu.dma_semaphore, #tpu.memory_space<semaphore_mem>>) src(%dma_wait3A_531 : memref<1000000x32xf32, #tpu.memory_space<hbm>>) dst(%dma_wait3A_525 : memref<100x32xf32, #tpu.memory_space<vmem>>)
    %dma_wait3A_534 = arith.constant 31 : i32
    %dma_wait3A_535 = arith.constant 1 : i32
    %dma_wait3A_536 = arith.constant 1 : i32
    %dma_wait3A_537 = arith.constant 1 : i32
    %dma_wait3A_538 = arith.constant 100 : i32
    %dma_wait3A_539 = arith.constant 0 : i32
    %dma_wait3A_540 = tpu.memref_slice %arg7[%dma_wait3A_536, %dma_wait3A_538, %dma_wait3A_539] : memref<2x800x32xf32, #tpu.memory_space<vmem>> -> memref<1x100x32xf32, #tpu.memory_space<vmem>>
    %dma_wait3A_541 = tpu.memref_squeeze %dma_wait3A_540 : memref<1x100x32xf32, #tpu.memory_space<vmem>> -> memref<100x32xf32, #tpu.memory_space<vmem>>
    %dma_wait3A_542 = arith.constant 0 : i32
    %dma_wait3A_543 = tpu.memref_slice %arg6[%dma_wait3A_534, %dma_wait3A_535, %dma_wait3A_542] : memref<32x8x100xi32, #tpu.memory_space<vmem>> -> memref<1x1x100xi32, #tpu.memory_space<vmem>>
    %dma_wait3A_544 = tpu.memref_squeeze %dma_wait3A_543 : memref<1x1x100xi32, #tpu.memory_space<vmem>> -> memref<100xi32, #tpu.memory_space<vmem>>
    %dma_wait3A_545 = arith.constant 0 : i32
    %dma_wait3A_546 = arith.constant 0 : i32
    %dma_wait3A_547 = tpu.memref_slice %arg2[%dma_wait3A_545, %dma_wait3A_546] : memref<1000000x32xf32, #tpu.memory_space<hbm>> -> memref<1000000x32xf32, #tpu.memory_space<hbm>>
    %dma_wait3A_548 = tpu.memref_slice %arg10[%dma_wait3A_537] : memref<2x!tpu.dma_semaphore, #tpu.memory_space<semaphore_mem>> -> memref<1x!tpu.dma_semaphore, #tpu.memory_space<semaphore_mem>>
    %dma_wait3A_549 = tpu.memref_squeeze %dma_wait3A_548 : memref<1x!tpu.dma_semaphore, #tpu.memory_space<semaphore_mem>> -> memref<!tpu.dma_semaphore, #tpu.memory_space<semaphore_mem>>
    tpu.wait_indirect_dma semaphore(%dma_wait3A_549 : memref<!tpu.dma_semaphore, #tpu.memory_space<semaphore_mem>>) src(%dma_wait3A_547 : memref<1000000x32xf32, #tpu.memory_space<hbm>>) dst(%dma_wait3A_541 : memref<100x32xf32, #tpu.memory_space<vmem>>)
    %dma_wait3A_550 = arith.constant 31 : i32
    %dma_wait3A_551 = arith.constant 2 : i32
    %dma_wait3A_552 = arith.constant 1 : i32
    %dma_wait3A_553 = arith.constant 1 : i32
    %dma_wait3A_554 = arith.constant 200 : i32
    %dma_wait3A_555 = arith.constant 0 : i32
    %dma_wait3A_556 = tpu.memref_slice %arg7[%dma_wait3A_552, %dma_wait3A_554, %dma_wait3A_555] : memref<2x800x32xf32, #tpu.memory_space<vmem>> -> memref<1x100x32xf32, #tpu.memory_space<vmem>>
    %dma_wait3A_557 = tpu.memref_squeeze %dma_wait3A_556 : memref<1x100x32xf32, #tpu.memory_space<vmem>> -> memref<100x32xf32, #tpu.memory_space<vmem>>
    %dma_wait3A_558 = arith.constant 0 : i32
    %dma_wait3A_559 = tpu.memref_slice %arg6[%dma_wait3A_550, %dma_wait3A_551, %dma_wait3A_558] : memref<32x8x100xi32, #tpu.memory_space<vmem>> -> memref<1x1x100xi32, #tpu.memory_space<vmem>>
    %dma_wait3A_560 = tpu.memref_squeeze %dma_wait3A_559 : memref<1x1x100xi32, #tpu.memory_space<vmem>> -> memref<100xi32, #tpu.memory_space<vmem>>
    %dma_wait3A_561 = arith.constant 0 : i32
    %dma_wait3A_562 = arith.constant 0 : i32
    %dma_wait3A_563 = tpu.memref_slice %arg2[%dma_wait3A_561, %dma_wait3A_562] : memref<1000000x32xf32, #tpu.memory_space<hbm>> -> memref<1000000x32xf32, #tpu.memory_space<hbm>>
    %dma_wait3A_564 = tpu.memref_slice %arg10[%dma_wait3A_553] : memref<2x!tpu.dma_semaphore, #tpu.memory_space<semaphore_mem>> -> memref<1x!tpu.dma_semaphore, #tpu.memory_space<semaphore_mem>>
    %dma_wait3A_565 = tpu.memref_squeeze %dma_wait3A_564 : memref<1x!tpu.dma_semaphore, #tpu.memory_space<semaphore_mem>> -> memref<!tpu.dma_semaphore, #tpu.memory_space<semaphore_mem>>
    tpu.wait_indirect_dma semaphore(%dma_wait3A_565 : memref<!tpu.dma_semaphore, #tpu.memory_space<semaphore_mem>>) src(%dma_wait3A_563 : memref<1000000x32xf32, #tpu.memory_space<hbm>>) dst(%dma_wait3A_557 : memref<100x32xf32, #tpu.memory_space<vmem>>)
    %dma_wait3A_566 = arith.constant 31 : i32
    %dma_wait3A_567 = arith.constant 3 : i32
    %dma_wait3A_568 = arith.constant 1 : i32
    %dma_wait3A_569 = arith.constant 1 : i32
    %dma_wait3A_570 = arith.constant 300 : i32
    %dma_wait3A_571 = arith.constant 0 : i32
    %dma_wait3A_572 = tpu.memref_slice %arg7[%dma_wait3A_568, %dma_wait3A_570, %dma_wait3A_571] : memref<2x800x32xf32, #tpu.memory_space<vmem>> -> memref<1x100x32xf32, #tpu.memory_space<vmem>>
    %dma_wait3A_573 = tpu.memref_squeeze %dma_wait3A_572 : memref<1x100x32xf32, #tpu.memory_space<vmem>> -> memref<100x32xf32, #tpu.memory_space<vmem>>
    %dma_wait3A_574 = arith.constant 0 : i32
    %dma_wait3A_575 = tpu.memref_slice %arg6[%dma_wait3A_566, %dma_wait3A_567, %dma_wait3A_574] : memref<32x8x100xi32, #tpu.memory_space<vmem>> -> memref<1x1x100xi32, #tpu.memory_space<vmem>>
    %dma_wait3A_576 = tpu.memref_squeeze %dma_wait3A_575 : memref<1x1x100xi32, #tpu.memory_space<vmem>> -> memref<100xi32, #tpu.memory_space<vmem>>
    %dma_wait3A_577 = arith.constant 0 : i32
    %dma_wait3A_578 = arith.constant 0 : i32
    %dma_wait3A_579 = tpu.memref_slice %arg2[%dma_wait3A_577, %dma_wait3A_578] : memref<1000000x32xf32, #tpu.memory_space<hbm>> -> memref<1000000x32xf32, #tpu.memory_space<hbm>>
    %dma_wait3A_580 = tpu.memref_slice %arg10[%dma_wait3A_569] : memref<2x!tpu.dma_semaphore, #tpu.memory_space<semaphore_mem>> -> memref<1x!tpu.dma_semaphore, #tpu.memory_space<semaphore_mem>>
    %dma_wait3A_581 = tpu.memref_squeeze %dma_wait3A_580 : memref<1x!tpu.dma_semaphore, #tpu.memory_space<semaphore_mem>> -> memref<!tpu.dma_semaphore, #tpu.memory_space<semaphore_mem>>
    tpu.wait_indirect_dma semaphore(%dma_wait3A_581 : memref<!tpu.dma_semaphore, #tpu.memory_space<semaphore_mem>>) src(%dma_wait3A_579 : memref<1000000x32xf32, #tpu.memory_space<hbm>>) dst(%dma_wait3A_573 : memref<100x32xf32, #tpu.memory_space<vmem>>)
    %dma_wait3A_582 = arith.constant 31 : i32
    %dma_wait3A_583 = arith.constant 4 : i32
    %dma_wait3A_584 = arith.constant 1 : i32
    %dma_wait3A_585 = arith.constant 1 : i32
    %dma_wait3A_586 = arith.constant 400 : i32
    %dma_wait3A_587 = arith.constant 0 : i32
    %dma_wait3A_588 = tpu.memref_slice %arg7[%dma_wait3A_584, %dma_wait3A_586, %dma_wait3A_587] : memref<2x800x32xf32, #tpu.memory_space<vmem>> -> memref<1x100x32xf32, #tpu.memory_space<vmem>>
    %dma_wait3A_589 = tpu.memref_squeeze %dma_wait3A_588 : memref<1x100x32xf32, #tpu.memory_space<vmem>> -> memref<100x32xf32, #tpu.memory_space<vmem>>
    %dma_wait3A_590 = arith.constant 0 : i32
    %dma_wait3A_591 = tpu.memref_slice %arg6[%dma_wait3A_582, %dma_wait3A_583, %dma_wait3A_590] : memref<32x8x100xi32, #tpu.memory_space<vmem>> -> memref<1x1x100xi32, #tpu.memory_space<vmem>>
    %dma_wait3A_592 = tpu.memref_squeeze %dma_wait3A_591 : memref<1x1x100xi32, #tpu.memory_space<vmem>> -> memref<100xi32, #tpu.memory_space<vmem>>
    %dma_wait3A_593 = arith.constant 0 : i32
    %dma_wait3A_594 = arith.constant 0 : i32
    %dma_wait3A_595 = tpu.memref_slice %arg2[%dma_wait3A_593, %dma_wait3A_594] : memref<1000000x32xf32, #tpu.memory_space<hbm>> -> memref<1000000x32xf32, #tpu.memory_space<hbm>>
    %dma_wait3A_596 = tpu.memref_slice %arg10[%dma_wait3A_585] : memref<2x!tpu.dma_semaphore, #tpu.memory_space<semaphore_mem>> -> memref<1x!tpu.dma_semaphore, #tpu.memory_space<semaphore_mem>>
    %dma_wait3A_597 = tpu.memref_squeeze %dma_wait3A_596 : memref<1x!tpu.dma_semaphore, #tpu.memory_space<semaphore_mem>> -> memref<!tpu.dma_semaphore, #tpu.memory_space<semaphore_mem>>
    tpu.wait_indirect_dma semaphore(%dma_wait3A_597 : memref<!tpu.dma_semaphore, #tpu.memory_space<semaphore_mem>>) src(%dma_wait3A_595 : memref<1000000x32xf32, #tpu.memory_space<hbm>>) dst(%dma_wait3A_589 : memref<100x32xf32, #tpu.memory_space<vmem>>)
    %dma_wait3A_598 = arith.constant 31 : i32
    %dma_wait3A_599 = arith.constant 5 : i32
    %dma_wait3A_600 = arith.constant 1 : i32
    %dma_wait3A_601 = arith.constant 1 : i32
    %dma_wait3A_602 = arith.constant 500 : i32
    %dma_wait3A_603 = arith.constant 0 : i32
    %dma_wait3A_604 = tpu.memref_slice %arg7[%dma_wait3A_600, %dma_wait3A_602, %dma_wait3A_603] : memref<2x800x32xf32, #tpu.memory_space<vmem>> -> memref<1x100x32xf32, #tpu.memory_space<vmem>>
    %dma_wait3A_605 = tpu.memref_squeeze %dma_wait3A_604 : memref<1x100x32xf32, #tpu.memory_space<vmem>> -> memref<100x32xf32, #tpu.memory_space<vmem>>
    %dma_wait3A_606 = arith.constant 0 : i32
    %dma_wait3A_607 = tpu.memref_slice %arg6[%dma_wait3A_598, %dma_wait3A_599, %dma_wait3A_606] : memref<32x8x100xi32, #tpu.memory_space<vmem>> -> memref<1x1x100xi32, #tpu.memory_space<vmem>>
    %dma_wait3A_608 = tpu.memref_squeeze %dma_wait3A_607 : memref<1x1x100xi32, #tpu.memory_space<vmem>> -> memref<100xi32, #tpu.memory_space<vmem>>
    %dma_wait3A_609 = arith.constant 0 : i32
    %dma_wait3A_610 = arith.constant 0 : i32
    %dma_wait3A_611 = tpu.memref_slice %arg2[%dma_wait3A_609, %dma_wait3A_610] : memref<1000000x32xf32, #tpu.memory_space<hbm>> -> memref<1000000x32xf32, #tpu.memory_space<hbm>>
    %dma_wait3A_612 = tpu.memref_slice %arg10[%dma_wait3A_601] : memref<2x!tpu.dma_semaphore, #tpu.memory_space<semaphore_mem>> -> memref<1x!tpu.dma_semaphore, #tpu.memory_space<semaphore_mem>>
    %dma_wait3A_613 = tpu.memref_squeeze %dma_wait3A_612 : memref<1x!tpu.dma_semaphore, #tpu.memory_space<semaphore_mem>> -> memref<!tpu.dma_semaphore, #tpu.memory_space<semaphore_mem>>
    tpu.wait_indirect_dma semaphore(%dma_wait3A_613 : memref<!tpu.dma_semaphore, #tpu.memory_space<semaphore_mem>>) src(%dma_wait3A_611 : memref<1000000x32xf32, #tpu.memory_space<hbm>>) dst(%dma_wait3A_605 : memref<100x32xf32, #tpu.memory_space<vmem>>)
    %dma_wait3A_614 = arith.constant 31 : i32
    %dma_wait3A_615 = arith.constant 6 : i32
    %dma_wait3A_616 = arith.constant 1 : i32
    %dma_wait3A_617 = arith.constant 1 : i32
    %dma_wait3A_618 = arith.constant 600 : i32
    %dma_wait3A_619 = arith.constant 0 : i32
    %dma_wait3A_620 = tpu.memref_slice %arg7[%dma_wait3A_616, %dma_wait3A_618, %dma_wait3A_619] : memref<2x800x32xf32, #tpu.memory_space<vmem>> -> memref<1x100x32xf32, #tpu.memory_space<vmem>>
    %dma_wait3A_621 = tpu.memref_squeeze %dma_wait3A_620 : memref<1x100x32xf32, #tpu.memory_space<vmem>> -> memref<100x32xf32, #tpu.memory_space<vmem>>
    %dma_wait3A_622 = arith.constant 0 : i32
    %dma_wait3A_623 = tpu.memref_slice %arg6[%dma_wait3A_614, %dma_wait3A_615, %dma_wait3A_622] : memref<32x8x100xi32, #tpu.memory_space<vmem>> -> memref<1x1x100xi32, #tpu.memory_space<vmem>>
    %dma_wait3A_624 = tpu.memref_squeeze %dma_wait3A_623 : memref<1x1x100xi32, #tpu.memory_space<vmem>> -> memref<100xi32, #tpu.memory_space<vmem>>
    %dma_wait3A_625 = arith.constant 0 : i32
    %dma_wait3A_626 = arith.constant 0 : i32
    %dma_wait3A_627 = tpu.memref_slice %arg2[%dma_wait3A_625, %dma_wait3A_626] : memref<1000000x32xf32, #tpu.memory_space<hbm>> -> memref<1000000x32xf32, #tpu.memory_space<hbm>>
    %dma_wait3A_628 = tpu.memref_slice %arg10[%dma_wait3A_617] : memref<2x!tpu.dma_semaphore, #tpu.memory_space<semaphore_mem>> -> memref<1x!tpu.dma_semaphore, #tpu.memory_space<semaphore_mem>>
    %dma_wait3A_629 = tpu.memref_squeeze %dma_wait3A_628 : memref<1x!tpu.dma_semaphore, #tpu.memory_space<semaphore_mem>> -> memref<!tpu.dma_semaphore, #tpu.memory_space<semaphore_mem>>
    tpu.wait_indirect_dma semaphore(%dma_wait3A_629 : memref<!tpu.dma_semaphore, #tpu.memory_space<semaphore_mem>>) src(%dma_wait3A_627 : memref<1000000x32xf32, #tpu.memory_space<hbm>>) dst(%dma_wait3A_621 : memref<100x32xf32, #tpu.memory_space<vmem>>)
    %dma_wait3A_630 = arith.constant 31 : i32
    %dma_wait3A_631 = arith.constant 7 : i32
    %dma_wait3A_632 = arith.constant 1 : i32
    %dma_wait3A_633 = arith.constant 1 : i32
    %dma_wait3A_634 = arith.constant 700 : i32
    %dma_wait3A_635 = arith.constant 0 : i32
    %dma_wait3A_636 = tpu.memref_slice %arg7[%dma_wait3A_632, %dma_wait3A_634, %dma_wait3A_635] : memref<2x800x32xf32, #tpu.memory_space<vmem>> -> memref<1x100x32xf32, #tpu.memory_space<vmem>>
    %dma_wait3A_637 = tpu.memref_squeeze %dma_wait3A_636 : memref<1x100x32xf32, #tpu.memory_space<vmem>> -> memref<100x32xf32, #tpu.memory_space<vmem>>
    %dma_wait3A_638 = arith.constant 0 : i32
    %dma_wait3A_639 = tpu.memref_slice %arg6[%dma_wait3A_630, %dma_wait3A_631, %dma_wait3A_638] : memref<32x8x100xi32, #tpu.memory_space<vmem>> -> memref<1x1x100xi32, #tpu.memory_space<vmem>>
    %dma_wait3A_640 = tpu.memref_squeeze %dma_wait3A_639 : memref<1x1x100xi32, #tpu.memory_space<vmem>> -> memref<100xi32, #tpu.memory_space<vmem>>
    %dma_wait3A_641 = arith.constant 0 : i32
    %dma_wait3A_642 = arith.constant 0 : i32
    %dma_wait3A_643 = tpu.memref_slice %arg2[%dma_wait3A_641, %dma_wait3A_642] : memref<1000000x32xf32, #tpu.memory_space<hbm>> -> memref<1000000x32xf32, #tpu.memory_space<hbm>>
    %dma_wait3A_644 = tpu.memref_slice %arg10[%dma_wait3A_633] : memref<2x!tpu.dma_semaphore, #tpu.memory_space<semaphore_mem>> -> memref<1x!tpu.dma_semaphore, #tpu.memory_space<semaphore_mem>>
    %dma_wait3A_645 = tpu.memref_squeeze %dma_wait3A_644 : memref<1x!tpu.dma_semaphore, #tpu.memory_space<semaphore_mem>> -> memref<!tpu.dma_semaphore, #tpu.memory_space<semaphore_mem>>
    tpu.wait_indirect_dma semaphore(%dma_wait3A_645 : memref<!tpu.dma_semaphore, #tpu.memory_space<semaphore_mem>>) src(%dma_wait3A_643 : memref<1000000x32xf32, #tpu.memory_space<hbm>>) dst(%dma_wait3A_637 : memref<100x32xf32, #tpu.memory_space<vmem>>)
    %mul3A_646 = arith.constant 32 : i32
    %mul3A_647 = arith.muli %add3A, %mul3A_646 : i32
    %add3A_648 = arith.constant 31 : i32
    %add3A_649 = arith.addi %mul3A_647, %add3A_648 : i32
    %mul3A_650 = arith.constant 800 : i32
    %mul3A_651 = arith.muli %add3A_649, %mul3A_650 : i32
    %dma_start3A_652 = arith.constant 1 : i32
    %dma_start3A_653 = arith.constant 1 : i32
    %dma_start3A_654 = arith.constant 0 : i32
    %dma_start3A_655 = arith.constant 0 : i32
    %dma_start3A_656 = tpu.memref_slice %arg7[%dma_start3A_652, %dma_start3A_654, %dma_start3A_655] : memref<2x800x32xf32, #tpu.memory_space<vmem>> -> memref<1x800x32xf32, #tpu.memory_space<vmem>>
    %dma_start3A_657 = tpu.memref_squeeze %dma_start3A_656 : memref<1x800x32xf32, #tpu.memory_space<vmem>> -> memref<800x32xf32, #tpu.memory_space<vmem>>
    %dma_start3A_658 = arith.constant 0 : i32
    %dma_start3A_659 = tpu.memref_slice %arg5[%mul3A_651, %dma_start3A_658] : memref<819200x32xf32, #tpu.memory_space<hbm>> -> memref<800x32xf32, #tpu.memory_space<hbm>>
    %dma_start3A_660 = tpu.memref_slice %arg11[%dma_start3A_653] : memref<2x!tpu.dma_semaphore, #tpu.memory_space<semaphore_mem>> -> memref<1x!tpu.dma_semaphore, #tpu.memory_space<semaphore_mem>>
    %dma_start3A_661 = tpu.memref_squeeze %dma_start3A_660 : memref<1x!tpu.dma_semaphore, #tpu.memory_space<semaphore_mem>> -> memref<!tpu.dma_semaphore, #tpu.memory_space<semaphore_mem>>
    %dma_start3A_662 = arith.constant 0 : i32
    %dma_start3A_663 = tpu.memref_slice %arg5[%mul3A_651, %dma_start3A_662] : memref<819200x32xf32, #tpu.memory_space<hbm>> -> memref<800x32xf32, #tpu.memory_space<hbm>>
    %dma_start3A_664 = arith.constant 0 : i32
    %dma_start3A_665 = arith.constant 0 : i32
    %dma_start3A_666 = tpu.memref_slice %arg7[%dma_start3A_652, %dma_start3A_664, %dma_start3A_665] : memref<2x800x32xf32, #tpu.memory_space<vmem>> -> memref<1x800x32xf32, #tpu.memory_space<vmem>>
    %dma_start3A_667 = tpu.memref_squeeze %dma_start3A_666 : memref<1x800x32xf32, #tpu.memory_space<vmem>> -> memref<800x32xf32, #tpu.memory_space<vmem>>
    tpu.enqueue_dma source(%dma_start3A_667 : memref<800x32xf32, #tpu.memory_space<vmem>>) target(%dma_start3A_663 : memref<800x32xf32, #tpu.memory_space<hbm>>) target_semaphore(%dma_start3A_661 : memref<!tpu.dma_semaphore, #tpu.memory_space<semaphore_mem>>)
    %mul3A_668 = arith.constant 32 : i32
    %mul3A_669 = arith.muli %add3A, %mul3A_668 : i32
    %add3A_670 = arith.constant 31 : i32
    %add3A_671 = arith.addi %mul3A_669, %add3A_670 : i32
    %mul3A_672 = arith.constant 800 : i32
    %mul3A_673 = arith.muli %add3A_671, %mul3A_672 : i32
    %dma_wait3A_674 = arith.constant 1 : i32
    %dma_wait3A_675 = arith.constant 1 : i32
    %dma_wait3A_676 = arith.constant 0 : i32
    %dma_wait3A_677 = arith.constant 0 : i32
    %dma_wait3A_678 = tpu.memref_slice %arg7[%dma_wait3A_674, %dma_wait3A_676, %dma_wait3A_677] : memref<2x800x32xf32, #tpu.memory_space<vmem>> -> memref<1x800x32xf32, #tpu.memory_space<vmem>>
    %dma_wait3A_679 = tpu.memref_squeeze %dma_wait3A_678 : memref<1x800x32xf32, #tpu.memory_space<vmem>> -> memref<800x32xf32, #tpu.memory_space<vmem>>
    %dma_wait3A_680 = arith.constant 0 : i32
    %dma_wait3A_681 = tpu.memref_slice %arg5[%mul3A_673, %dma_wait3A_680] : memref<819200x32xf32, #tpu.memory_space<hbm>> -> memref<800x32xf32, #tpu.memory_space<hbm>>
    %dma_wait3A_682 = tpu.memref_slice %arg11[%dma_wait3A_675] : memref<2x!tpu.dma_semaphore, #tpu.memory_space<semaphore_mem>> -> memref<1x!tpu.dma_semaphore, #tpu.memory_space<semaphore_mem>>
    %dma_wait3A_683 = tpu.memref_squeeze %dma_wait3A_682 : memref<1x!tpu.dma_semaphore, #tpu.memory_space<semaphore_mem>> -> memref<!tpu.dma_semaphore, #tpu.memory_space<semaphore_mem>>
    %dma_wait3A_684 = arith.constant 0 : i32
    %dma_wait3A_685 = tpu.memref_slice %arg5[%mul3A_673, %dma_wait3A_684] : memref<819200x32xf32, #tpu.memory_space<hbm>> -> memref<800x32xf32, #tpu.memory_space<hbm>>
    %dma_wait3A_686 = arith.constant 0 : i32
    %dma_wait3A_687 = arith.constant 0 : i32
    %dma_wait3A_688 = tpu.memref_slice %arg7[%dma_wait3A_674, %dma_wait3A_686, %dma_wait3A_687] : memref<2x800x32xf32, #tpu.memory_space<vmem>> -> memref<1x800x32xf32, #tpu.memory_space<vmem>>
    %dma_wait3A_689 = tpu.memref_squeeze %dma_wait3A_688 : memref<1x800x32xf32, #tpu.memory_space<vmem>> -> memref<800x32xf32, #tpu.memory_space<vmem>>
    tpu.wait_dma2 semaphore(%dma_wait3A_683 : memref<!tpu.dma_semaphore, #tpu.memory_space<semaphore_mem>>) src(%dma_wait3A_689 : memref<800x32xf32, #tpu.memory_space<vmem>>) dst(%dma_wait3A_685 : memref<800x32xf32, #tpu.memory_space<hbm>>)
    return
  }
}

</mosaic_0001>

<sc_bundles>
// kernel: _emb.3.cloned.1.call-start
scs
__scs_entry_jumppad:
0x0: {  	(pc) =	sbr.rel $0x88, $3  }
0x1: {  	(tag) =	ssettag $0x0;
	lr =	simm.s32 $0x1  }
0x2: {  	[smem:$0x3F9E] =	sst lr;
	_ =	strace $0xD0000000  }
0x3: {  	_ = 	snop  }
0x4: {  	_ = 	snop  }
0x5: {  	_ = 	snop  }
0x6: {  	_ = 	snop  }
0x7: {  	_ = 	snop  }
__scs_overlays_trampoline_lowered:
0x8: {  	[smem:$0x3FAD] =	sst s0  }
0x9: {  	[smem:$0x3FAE] =	sst s1  }
0xa: {  	[smem:$0x3FAF] =	sst s2  }
0xb: {  	[smem:$0x3FB0] =	sst s3  }
0xc: {  	[smem:$0x3FB1] =	sst s4  }
0xd: {  	[smem:$0x3FB2] =	sst s5  }
0xe: {  	[smem:$0x3FB3] =	sst s6  }
0xf: {  	[smem:$0x3FB4] =	sst s7  }
0x10: {  	[smem:$0x3FB5] =	sst s8  }
0x11: {  	[smem:$0x3FB6] =	sst s9;
	s0 =	simm.s32 @!p0 $0x0  }
0x12: {  	s1 =	sld [smem:$0x3F9C];
	s0 =	simm.s32 @p0 $0x1  }
0x13: {  	[smem:$0x3FB7] =	sst s0;
	s0 =	simm.s32 @!p1 $0x0  }
0x14: {  	s2 =	sld [smem:$0x3F9B];
	s0 =	simm.s32 @p1 $0x1  }
0x15: {  	[smem:$0x3FB8] =	sst s0;
	s0 =	simm.s32 @!p2 $0x0  }
0x16: {  	s3 =	sld [smem:$0x3FDB];
	s0 =	simm.s32 @p2 $0x1  }
0x17: {  	s4 =	simm.s32 $0x1BF5;
	[smem:$0x3FBA] =	sst s0  }
0x18: {  	s0 =	sld [smem:$0x3F9D];
	_ =	swait.ge [sflag:s4], $0x0  }
0x19: {  	s7 =	sld [smem:$0x3F9E]  }
0x1a: {  	s8 =	sadd.s32 $0xFFFFE003, lr  }
0x1b: {  	s9 =	sadd.s32 $0xFFFFFEF7, lr;
	s5 =	simm.s32 $0xFFFFFFFF;
	p2 =	slt.u32 s8, $0xFFFFF086  }
0x1c: {  	p1 =	slt.u32 s9, $0xF7A;
	s5 =	simm.s32 @!p2 $0x0  }
0x1d: {  	s5 =	simm.s32 @p1 $0x1;
	p0 =	seq.s32 s7, s2  }
0x1e: {  	s7 =	smul.u32 @!p0 $0xF7A, s2;
	p2 =	seq.s32 @!p0 s5, $0x0  }
0x1f: {  	s9 =	smul.u32 $0xF7A, s1;
	s8 =	simm.s32 @!p0 $0x1BF5;
	p2 =	por !p2, p0  }
0x20: {  	[sflag:s8] =	ssyncset.s32 @!p0 $0xFFFFF086;
	s6 =	sadd.s32 @!p0 s3, s7;
	s7 =	simm.s32 @!p0 $0x108  }
0x21: {  	s3 =	sadd.s32 s3, s9;
	s6 =	sadd.s32 @!p0 $0x88, s6;
	s7 =	simm.s32 @p2 $0x1082  }
0x22: {  	[simem:s7], [sflag:s8] =	dma.local @!p0 [hbm:s6], $0xF7A  }
0x23: {  	s9 =	sor.u32 $0xD0000000, s2;
	s6 =	simm.s32 $0x108;
	_ =	swait.ge @!p0 [sflag:s8], $0x0  }
0x24: {  	s3 =	sadd.s32 $0x88, s3;
	s6 =	simm.s32 @!p1 $0x1082;
	[sflag:s4] =	ssyncset.s32 $0xFFFFF086  }
0x25: {  	[simem:s6], [sflag:s4] =	dma.local [hbm:s3], $0xF7A  }
0x26: {  	[smem:$0x3F9E] =	sst s1;
	(tag) =	ssettag s2;
	_ =	strace s9  }
0x27: {  	s1 =	sld [smem:$0x3FAE]  }
0x28: {  	s2 =	sld [smem:$0x3FAF]  }
0x29: {  	s4 =	sld [smem:$0x3FB1]  }
0x2a: {  	p0 =	seq.s32 s5, $0x0;
	s5 =	sld [smem:$0x3FB2]  }
0x2b: {  	s6 =	sld [smem:$0x3FB3]  }
0x2c: {  	s7 =	sld [smem:$0x3FB4]  }
0x2d: {  	s3 =	simm.s32 $0x108;
	s8 =	sld [smem:$0x3FB5]  }
0x2e: {  	s3 =	simm.s32 @!p0 $0x1082;
	s9 =	sld [smem:$0x3FB6]  }
0x2f: {  	lr =	sadd.s32 s0, s3;
	s0 =	sld [smem:$0x3FAD]  }
0x30: {  	s3 =	sld [smem:$0x3FB0]  }
0x31: {  	[smem:$0x3FB9] =	sst s10  }
0x32: {  	s10 =	sld [smem:$0x3FB7];
	_ =	sdelay $0x3  }
0x33: {  	p0 =	seq.s32 s10, $0x1;
	s10 =	sld [smem:$0x3FB9];
	_ =	sdelay $0x3  }
0x34: {  	[smem:$0x3FB9] =	sst s10  }
0x35: {  	s10 =	sld [smem:$0x3FB8];
	_ =	sdelay $0x3  }
0x36: {  	p1 =	seq.s32 s10, $0x1;
	s10 =	sld [smem:$0x3FB9];
	_ =	sdelay $0x3  }
0x37: {  	[smem:$0x3FB9] =	sst s10  }
0x38: {  	s10 =	sld [smem:$0x3FBA]  }
0x39: {  	_ = 	snop;
	(pc) =	sbr.ind lr, $3  }
0x3a: {  	_ = 	snop  }
0x3b: {  	_ = 	snop  }
0x3c: {  	p2 =	seq.s32 s10, $0x1;
	s10 =	sld [smem:$0x3FB9]  }
0x3d: {  	_ =	shalt  }
0x3e: {  	_ =	shalt  }
0x3f: {  	_ =	shalt  }
0x40: {  	_ =	shalt  }
0x41: {  	_ =	shalt  }
0x42: {  	_ =	shalt  }
0x43: {  	_ =	shalt  }
0x44: {  	_ =	shalt  }
0x45: {  	_ =	shalt  }
0x46: {  	_ =	shalt  }
0x47: {  	_ =	shalt  }
0x48: {  	_ =	shalt  }
0x49: {  	_ =	shalt  }
0x4a: {  	_ =	shalt  }
0x4b: {  	_ =	shalt  }
0x4c: {  	_ =	shalt  }
0x4d: {  	_ =	shalt  }
0x4e: {  	_ =	shalt  }
0x4f: {  	_ =	shalt  }
0x50: {  	_ =	shalt  }
0x51: {  	_ =	shalt  }
0x52: {  	_ =	shalt  }
0x53: {  	_ =	shalt  }
0x54: {  	_ =	shalt  }
0x55: {  	_ =	shalt  }
0x56: {  	_ =	shalt  }
0x57: {  	_ =	shalt  }
0x58: {  	_ =	shalt  }
0x59: {  	_ =	shalt  }
0x5a: {  	_ =	shalt  }
0x5b: {  	_ =	shalt  }
0x5c: {  	_ =	shalt  }
0x5d: {  	_ =	shalt  }
0x5e: {  	_ =	shalt  }
0x5f: {  	_ =	shalt  }
0x60: {  	_ =	shalt  }
0x61: {  	_ =	shalt  }
0x62: {  	_ =	shalt  }
0x63: {  	_ =	shalt  }
0x64: {  	_ =	shalt  }
0x65: {  	_ =	shalt  }
0x66: {  	_ =	shalt  }
0x67: {  	_ =	shalt  }
0x68: {  	_ =	shalt  }
0x69: {  	_ =	shalt  }
0x6a: {  	_ =	shalt  }
0x6b: {  	_ =	shalt  }
0x6c: {  	_ =	shalt  }
0x6d: {  	_ =	shalt  }
0x6e: {  	_ =	shalt  }
0x6f: {  	_ =	shalt  }
0x70: {  	_ =	shalt  }
0x71: {  	_ =	shalt  }
0x72: {  	_ =	shalt  }
0x73: {  	_ =	shalt  }
0x74: {  	_ =	shalt  }
0x75: {  	_ =	shalt  }
0x76: {  	_ =	shalt  }
0x77: {  	_ =	shalt  }
0x78: {  	_ =	shalt  }
0x79: {  	_ =	shalt  }
0x7a: {  	_ =	shalt  }
0x7b: {  	_ =	shalt  }
0x7c: {  	_ =	shalt  }
0x7d: {  	_ =	shalt  }
0x7e: {  	_ =	shalt  }
0x7f: {  	_ =	shalt  }
0x80: {  	_ =	shalt  }
0x81: {  	_ =	shalt  }
0x82: {  	_ =	shalt  }
0x83: {  	_ =	shalt  }
0x84: {  	_ =	shalt  }
0x85: {  	_ =	shalt  }
0x86: {  	_ =	shalt  }
0x87: {  	_ =	shalt  }
.Lfunc_end0:
.L_simem_size_0:
called_computation.1_lowered:
.L_overlay_start_0:
0x88: {  	s2 =	sld [smem:$0x3FD9]  }
0x89: {  	s3 =	sld [smem:$0x3FFE];
	_ =	sdelay $0x1  }
0x8a: {  	s1 =	srdreg.scid  }
0x8b: {  	s0 =	sand.u32 $0x1, s1  }
0x8c: {  	s17 =	sshll.u32 s0, $0xA;
	s2 =	sadd.s32 s3, s2  }
0x8d: {  	s2 =	sadd.s32 s2, s17  }
0x8e: {  	[smem:$0x3FC5] =	sst s2  }
0x8f: {  	_ = 	snop  }
0x90: {  	s2 =	sld [smem:$0x3FD0];
	(tm) =	ssettm $0x1  }
0x91: {  	s18 =	sld [smem:$0x3FFB];
	_ =	sdelay $0x3  }
0x92: {  	_ =	strace s18  }
0x93: {  	s3 =	sld [smem:$0x3FFC];
	_ =	sdelay $0x3  }
0x94: {  	_ =	strace s3  }
0x95: {  	s3 =	sld [smem:$0x3FFD];
	_ =	sdelay $0x3  }
0x96: {  	_ =	strace s3  }
0x97: {  	_ =	strace $0x8FFFFFFF  }
0x98: {  	s19 =	sld [smem:$0x3FDB];
	_ =	sdelay $0x1  }
0x99: {  	s4 =	simm.s32 $_scs_section_size  }
0x9a: {  	s5 =	simm.s32 $_size__tile_overlayer_lowered;
	s6 =	simm.s32 $_tile_overlayer_lowered  }
0x9b: {  	s22 =	simm.s32 $0x1BFF;
	s21 =	sshll.u32 s6, $0x1;
	s3 =	sadd.s32 s4, s19  }
0x9c: {  	s7 =	simm.s32 $0x0;
	s20 =	sshll.u32 s5, $0x1;
	s5 =	sadd.s32 s21, s3  }
0x9d: {  	[timem:s7], [sflag:s22] =	dma.local [hbm:s5], s20  }
0x9e: {  	_ =	swait.ge [sflag:s22], s20  }
0x9f: {  	s4 =	ssub.s32 $0x0, s20;
	[sflag:s22] =	ssyncset.done $0x0  }
0xa0: {  	[sflag:s22] =	ssyncadd.s32 s4;
	_ =	sdelay $0x1  }
0xa1: {  	s23 =	simm.s32 $0x1B8B  }
0xa2: {  	_ =	swait.ge [sflag:s23], $0x1  }
0xa3: {  	[sflag:s23] =	ssyncset.done $0x0  }
0xa4: {  	s25 =	simm.s32 $0x1B8E;
	s24 =	sld [smem:$0x3FFE];
	[sflag:s23] =	ssyncadd.s32 $0xFFFFFFFF  }
0xa5: {  	s26 =	simm.s32 $execute0_lowered;
	[smem:$0x3FD2] =	sst s25  }
0xa6: {  	s5 =	sshll.u32 s26, $0x1;
	_ =	strace $0x80000046;
	[dreg:$0x1] =	wrdreg $0xFFFFFFFF  }
0xa7: {  	s28 =	simm.s32 $_size_execute0_lowered;
	s3 =	sadd.s32 s3, s5;
	[dreg:$0x0] =	wrdreg $0x0  }
0xa8: {  	s5 =	sshll.u32 s28, $0x1;
	[dreg:$0x2] =	wrdreg s3  }
0xa9: {  	[dreg:$0x3] =	wrdreg s5  }
0xaa: {  	[dreg:$0x4] =	wrdreg $0xC0  }
0xab: {  	_ =	task [dreg:s7], $0x5FFFF  }
0xac: {  	[dreg:$0x1] =	wrdreg $0xFFFFFFFF  }
0xad: {  	[dreg:$0x0] =	wrdreg $0x60  }
0xae: {  	[dreg:$0x2] =	wrdreg s24  }
0xaf: {  	[dreg:$0x3] =	wrdreg s2  }
0xb0: {  	[dreg:$0x4] =	wrdreg $0x130000  }
0xb1: {  	[dreg:$0x5] =	wrdreg $0x9  }
0xb2: {  	_ =	task.clear_ibuf [dreg:s7], $0x6FFFF;
	_ =	strace $0x90000046  }
0xb3: {  	s29 =	simm.s32 $0x9;
	_ =	strace $0x80000048  }
0xb4: {  	_ =	swait.ge [sflag:s29], $0x1  }
0xb5: {  	[sflag:s29] =	ssyncadd.s32 $0xFFFFFFFF  }
0xb6: {  	_ =	strace $0x90000048  }
0xb7: {  	_ =	sfence  }
0xb8: {  	s30 =	sld [smem:$0x0];
	_ =	sdelay $0x2  }
0xb9: {  	s31 =	sshll.u32 s1, $0xD;
	s1 =	sshrl.u32 s1, $0x2  }
0xba: {  	s3 =	sand.u32 $0x4000, s31;
	s1 =	sadd.s32 s1, s30  }
0xbb: {  	s0 =	sor.u32 s3, s0;
	s1 =	sshll.u32 s1, $0x11  }
0xbc: {  	s0 =	sor.u32 s1, s0  }
0xbd: {  	s0 =	sadd.s32 $0x8F2B, s0  }
0xbe: {  	[sflag:s0] =	ssyncadd.remote.s32 $0x1  }
0xbf: {  	_ =	sfence.sel $0xFFFF  }
0xc0: {  	[dreg:$0x0] =	wrdreg $0xFFFFFFFF;
	(pc) =	sbr.abs _section_cstart, $3  }
0xc1: {  	[dreg:$0x1] =	wrdreg $0xFFFFFFFF  }
0xc2: {  	_ =	task.clear_ibuf [dreg:s7], $0x2FFFF;
	_ =	strace $0x9FFFFFFF  }
0xc3: {  	(tm) =	ssettm $0x7FFFFFFF  }
tec
execute0_lowered:
.L_overlay_start_1:
0x0: {  	(tag) =	ssettag $0x1  }
0x1: {  	s0 =	rddreg [dreg:$0x0]  }
0x2: {  	s4 =	rddreg [dreg:$0x1]  }
0x3: {  	s2 =	srdreg.scid;
	s5 =	stileid.u32  }
0x4: {  	s1 =	rddreg [dreg:$0x2];
	s14 =	simm.s32 $0x6800;
	s15 =	simm.s32 $0x1  }
0x5: {  	s16 =	simm.s32 $0x64;
	s18 =	simm.s32 $0x7480;
	s29 =	simm.s32 $0xB300  }
0x6: {  	s31 =	simm.s32 $0xBF80;
	s17 =	simm.s32 $0x3;
	s19 =	simm.s32 $0x2  }
0x7: {  	s28 =	simm.s32 $0xFE00;
	s30 =	simm.s32 $0x10A80;
	s6 =	sand.u32 $0x1, s2  }
0x8: {  	s3 =	sshll.u32 s5, $0x1;
	s2 =	simm.s32 $0x0;
	s23 =	smul.u32 $0x32000, s5  }
0x9: {  	s3 =	sor.u32 s6, s3;
	s8 =	ssub.s32 $0x2, s6;
	s6 =	smul.u32 $0x19000, s6  }
0xa: {  	p0 =	sne.s32 s5, $0x0;
	s5 =	simm.s32 $0x12380;
	s7 =	smul.u32 $0xD00, s3  }
0xb: {  	[smem:$0x7FF] =	sst s2;
	s9 =	smul.u32 $0xC8000, s3;
	s10 =	sshrl.u32 s8, $0x1  }
0xc: {  	_ =	strace $0x80000047;
	s3 =	sadd.s32 $0xF43000, s0;
	s20 =	ssub.s32 s8, s10  }
0xd: {  	s7 =	sadd.s32 s7, s0;
	s0 =	sadd.s32 $0x1AC00, s0;
	s21 =	sshrl.u32 s9, $0x3  }
0xe: {  	s9 =	simm.s32 $0x0;
	[dreg:$0x4] =	wrdreg s0;
	s22 =	sadd.s32 $0xC00, s7  }
0xf: {  	s8 =	sadd.s32 s4, s21;
	s7 =	sadd.s32 $0xCD0, s7;
	s4 =	sadd.s32 s23, s4  }
0x10: {  	s0 =	smax.u32 s20, $0x1;
	s20 =	simm.s32 $0x8100;
	[dreg:$0x5] =	wrdreg s22  }
0x11: {  	s21 =	simm.s32 $0xD880;
	s23 =	simm.s32 $0xE500;
	[dreg:$0x6] =	wrdreg s7  }
0x12: {  	s24 =	sadd.s32 $0x17700, s8;
	s25 =	sadd.s32 $0x18380, s8;
	[dreg:$0x9] =	wrdreg s0  }
0x13: {  	s26 =	sadd.s32 s6, s4;
	s0 =	sshrl.u32 @!p0 s1, $0x3;
	[dreg:$0x7] =	wrdreg s24  }
0x14: {  	s22 =	simm.s32 $0x8D80;
	s4 =	simm.s32 $0x11700;
	[dreg:$0x8] =	wrdreg s25  }
0x15: {  	s6 =	simm.s32 $0x5;
	s7 =	simm.s32 $0x4;
	[dreg:$0xa] =	wrdreg s26  }
0x16: {  	s8 =	simm.s32 $0x6;
	[dreg:$0xb] =	wrdreg s0;
	s24 =	simm.s32 $0x9A00  }
0x17: {  	s26 =	simm.s32 $0xA680;
	s0 =	simm.s32 $0xCC00;
	s25 =	simm.s32 $0xF180  }
.LBB2_1:
0x18: {  	s10 =	rddreg [dreg:$0x4]  }
0x19: {  	s11 =	simm.s32 @!p0 $0x1C08;
	s12 =	rddreg [dreg:$0xb]  }
0x1a: {  	[spmem:s12], [sflag:s11] =	dma.local @!p0 [hbm:s10], $0xC80  }
0x1b: {  	s11 =	simm.s32 @!p0 $0x8  }
0x1c: {  	_ =	swait.ge @!p0 [sflag:s11], $0xC80  }
0x1d: {  	[sflag:s11] =	ssyncset.done @!p0 $0x0  }
0x1e: {  	[sflag:s11] =	ssyncadd.s32 @!p0 $0xFFFFF380  }
0x1f: {  	[bflag:$0x0] =	sbarrier.arrive $0xFFFF  }
0x20: {  	s11 =	simm.s32 $0x8;
	s13 =	rddreg [dreg:$0x5]  }
0x21: {  	[tilespmem:s2], [sflag:$0x8] =	stream.linear.gather [hbm4b:s13+s2], $0x680, $0x38;
	[tilespmem:$0x13640] =	vst v63  }
0x22: {  	_ =	swait.ge [sflag:s11], $0x680  }
0x23: {  	[sflag:s11] =	ssyncset.done $0x0  }
0x24: {  	s13 =	simm.s32 $0x680;
	s12 =	rddreg [dreg:$0x6];
	[sflag:s11] =	ssyncadd.s32 $0xFFFFF980  }
0x25: {  	[tilespmem:s13], [sflag:$0x7] =	stream.linear.gather [hbm4b:s12+s2], $0x6180, $0x38;
	[tilespmem:$0x13640] =	vst v63  }
0x26: {  	_ = 	snop  }
0x27: {  	[tilespmem:s14], [sflag:$0x1] =	stream.linear.gather [spmem:s1], $0x6400, $0x38;
	[tilespmem:$0x13640] =	vst v63  }
0x28: {  	_ =	swait.ge [sflag:s15], $0x6400  }
0x29: {  	[sflag:s15] =	ssyncset.done $0x0  }
0x2a: {  	[sflag:s15] =	ssyncadd.s32 $0xFFFF9C00  }
0x2b: {  	[tilespmem:s14], [sflag:$0x3] =	stream.indirect.gather.add.f32 [hbm:s3], $0x20, s2, s16, $0xb8;
	[tilespmem:$0x13640] =	vst v63  }
0x2c: {  	s11 =	simm.s32 $0x68  }
0x2d: {  	[tilespmem:s18], [sflag:$0x3] =	stream.indirect.gather.add.f32 [hbm:s3], $0x20, s11, s16, $0xb8;
	[tilespmem:$0x13640] =	vst v63  }
0x2e: {  	s12 =	simm.s32 $0xD0  }
0x2f: {  	[tilespmem:s20], [sflag:$0x3] =	stream.indirect.gather.add.f32 [hbm:s3], $0x20, s12, s16, $0xb8;
	[tilespmem:$0x13640] =	vst v63  }
0x30: {  	s13 =	simm.s32 $0x138  }
0x31: {  	[tilespmem:s22], [sflag:$0x3] =	stream.indirect.gather.add.f32 [hbm:s3], $0x20, s13, s16, $0xb8;
	[tilespmem:$0x13640] =	vst v63  }
0x32: {  	s11 =	simm.s32 $0x1A0  }
0x33: {  	[tilespmem:s24], [sflag:$0x3] =	stream.indirect.gather.add.f32 [hbm:s3], $0x20, s11, s16, $0xb8;
	[tilespmem:$0x13640] =	vst v63  }
0x34: {  	s12 =	simm.s32 $0x208  }
0x35: {  	[tilespmem:s26], [sflag:$0x3] =	stream.indirect.gather.add.f32 [hbm:s3], $0x20, s12, s16, $0xb8;
	[tilespmem:$0x13640] =	vst v63  }
0x36: {  	s13 =	simm.s32 $0x270  }
0x37: {  	[tilespmem:s29], [sflag:$0x3] =	stream.indirect.gather.add.f32 [hbm:s3], $0x20, s13, s16, $0xb8;
	[tilespmem:$0x13640] =	vst v63  }
0x38: {  	s11 =	simm.s32 $0x2D8  }
0x39: {  	[tilespmem:s31], [sflag:$0x3] =	stream.indirect.gather.add.f32 [hbm:s3], $0x20, s11, s16, $0xb8;
	[tilespmem:$0x13640] =	vst v63  }
0x3a: {  	s12 =	simm.s32 $0x7  }
0x3b: {  	[tilespmem:s0], [sflag:$0x2] =	stream.linear.gather [spmem:s1], $0x6400, $0x38;
	[tilespmem:$0x13640] =	vst v63  }
0x3c: {  	_ =	swait.ge [sflag:s12], $0x6180  }
0x3d: {  	[sflag:s12] =	ssyncset.done $0x0  }
0x3e: {  	[sflag:s12] =	ssyncadd.s32 $0xFFFF9E80  }
0x3f: {  	_ =	swait.ge [sflag:s17], $0xC80  }
0x40: {  	[sflag:s17] =	ssyncset.done $0x0  }
0x41: {  	[sflag:s17] =	ssyncadd.s32 $0xFFFFF380  }
0x42: {  	_ =	swait.ge [sflag:s17], $0xC80  }
0x43: {  	[sflag:s17] =	ssyncset.done $0x0  }
0x44: {  	[sflag:s17] =	ssyncadd.s32 $0xFFFFF380  }
0x45: {  	_ =	swait.ge [sflag:s17], $0xC80  }
0x46: {  	[sflag:s17] =	ssyncset.done $0x0  }
0x47: {  	[sflag:s17] =	ssyncadd.s32 $0xFFFFF380  }
0x48: {  	_ =	swait.ge [sflag:s17], $0xC80  }
0x49: {  	[sflag:s17] =	ssyncset.done $0x0  }
0x4a: {  	[sflag:s17] =	ssyncadd.s32 $0xFFFFF380  }
0x4b: {  	_ =	swait.ge [sflag:s17], $0xC80  }
0x4c: {  	[sflag:s17] =	ssyncset.done $0x0  }
0x4d: {  	[sflag:s17] =	ssyncadd.s32 $0xFFFFF380  }
0x4e: {  	_ =	swait.ge [sflag:s17], $0xC80  }
0x4f: {  	[sflag:s17] =	ssyncset.done $0x0  }
0x50: {  	[sflag:s17] =	ssyncadd.s32 $0xFFFFF380  }
0x51: {  	_ =	swait.ge [sflag:s17], $0xC80  }
0x52: {  	[sflag:s17] =	ssyncset.done $0x0  }
0x53: {  	[sflag:s17] =	ssyncadd.s32 $0xFFFFF380  }
0x54: {  	_ =	swait.ge [sflag:s17], $0xC80  }
0x55: {  	[sflag:s17] =	ssyncset.done $0x0  }
0x56: {  	s10 =	rddreg [dreg:$0xa];
	[sflag:s17] =	ssyncadd.s32 $0xFFFFF380  }
0x57: {  	[hbm4b:s10+s2] =	stream.linear.scatter [tilespmem:s14], [sflag:$0x5], $0x6400, $0x38;
	[tilespmem:$0x13640] =	vst v63  }
0x58: {  	_ =	swait.ge [sflag:s19], $0x6400  }
0x59: {  	[sflag:s19] =	ssyncset.done $0x0  }
0x5a: {  	s13 =	simm.s32 $0x340;
	[sflag:s19] =	ssyncadd.s32 $0xFFFF9C00  }
0x5b: {  	[tilespmem:s0], [sflag:$0x4] =	stream.indirect.gather.add.f32 [hbm:s3], $0x20, s13, s16, $0xb8;
	[tilespmem:$0x13640] =	vst v63  }
0x5c: {  	s12 =	simm.s32 $0x3A8  }
0x5d: {  	[tilespmem:s21], [sflag:$0x4] =	stream.indirect.gather.add.f32 [hbm:s3], $0x20, s12, s16, $0xb8;
	[tilespmem:$0x13640] =	vst v63  }
0x5e: {  	s13 =	simm.s32 $0x410  }
0x5f: {  	[tilespmem:s23], [sflag:$0x4] =	stream.indirect.gather.add.f32 [hbm:s3], $0x20, s13, s16, $0xb8;
	[tilespmem:$0x13640] =	vst v63  }
0x60: {  	s12 =	simm.s32 $0x478  }
0x61: {  	[tilespmem:s25], [sflag:$0x4] =	stream.indirect.gather.add.f32 [hbm:s3], $0x20, s12, s16, $0xb8;
	[tilespmem:$0x13640] =	vst v63  }
0x62: {  	s13 =	simm.s32 $0x4E0  }
0x63: {  	[tilespmem:s28], [sflag:$0x4] =	stream.indirect.gather.add.f32 [hbm:s3], $0x20, s13, s16, $0xb8;
	[tilespmem:$0x13640] =	vst v63  }
0x64: {  	s12 =	simm.s32 $0x548  }
0x65: {  	[tilespmem:s30], [sflag:$0x4] =	stream.indirect.gather.add.f32 [hbm:s3], $0x20, s12, s16, $0xb8;
	[tilespmem:$0x13640] =	vst v63  }
0x66: {  	s13 =	simm.s32 $0x5B0  }
0x67: {  	[tilespmem:s4], [sflag:$0x4] =	stream.indirect.gather.add.f32 [hbm:s3], $0x20, s13, s16, $0xb8;
	[tilespmem:$0x13640] =	vst v63  }
0x68: {  	s12 =	simm.s32 $0x618  }
0x69: {  	[tilespmem:s5], [sflag:$0x4] =	stream.indirect.gather.add.f32 [hbm:s3], $0x20, s12, s16, $0xb8;
	[tilespmem:$0x13640] =	vst v63  }
0x6a: {  	_ =	swait.ge [sflag:s6], $0x6400  }
0x6b: {  	[sflag:s6] =	ssyncset.done $0x0  }
0x6c: {  	[sflag:s6] =	ssyncadd.s32 $0xFFFF9C00  }
0x6d: {  	[tilespmem:s14], [sflag:$0x1] =	stream.linear.gather [spmem:s1], $0x6400, $0x38;
	[tilespmem:$0x13640] =	vst v63  }
0x6e: {  	_ =	swait.ge [sflag:s7], $0xC80  }
0x6f: {  	[sflag:s7] =	ssyncset.done $0x0  }
0x70: {  	[sflag:s7] =	ssyncadd.s32 $0xFFFFF380  }
0x71: {  	_ =	swait.ge [sflag:s7], $0xC80  }
0x72: {  	[sflag:s7] =	ssyncset.done $0x0  }
0x73: {  	[sflag:s7] =	ssyncadd.s32 $0xFFFFF380  }
0x74: {  	_ =	swait.ge [sflag:s7], $0xC80  }
0x75: {  	[sflag:s7] =	ssyncset.done $0x0  }
0x76: {  	[sflag:s7] =	ssyncadd.s32 $0xFFFFF380  }
0x77: {  	_ =	swait.ge [sflag:s7], $0xC80  }
0x78: {  	[sflag:s7] =	ssyncset.done $0x0  }
0x79: {  	[sflag:s7] =	ssyncadd.s32 $0xFFFFF380  }
0x7a: {  	_ =	swait.ge [sflag:s7], $0xC80  }
0x7b: {  	[sflag:s7] =	ssyncset.done $0x0  }
0x7c: {  	[sflag:s7] =	ssyncadd.s32 $0xFFFFF380  }
0x7d: {  	_ =	swait.ge [sflag:s7], $0xC80  }
0x7e: {  	[sflag:s7] =	ssyncset.done $0x0  }
0x7f: {  	[sflag:s7] =	ssyncadd.s32 $0xFFFFF380  }
0x80: {  	_ =	swait.ge [sflag:s7], $0xC80  }
0x81: {  	[sflag:s7] =	ssyncset.done $0x0  }
0x82: {  	[sflag:s7] =	ssyncadd.s32 $0xFFFFF380  }
0x83: {  	_ =	swait.ge [sflag:s7], $0xC80  }
0x84: {  	[sflag:s7] =	ssyncset.done $0x0  }
0x85: {  	s13 =	sadd.s32 $0xC80, s10;
	[sflag:s7] =	ssyncadd.s32 $0xFFFFF380  }
0x86: {  	[hbm4b:s13+s2] =	stream.linear.scatter [tilespmem:s0], [sflag:$0x6], $0x6400, $0x38;
	[tilespmem:$0x13640] =	vst v63  }
0x87: {  	_ =	swait.ge [sflag:s15], $0x6400  }
0x88: {  	[sflag:s15] =	ssyncset.done $0x0  }
0x89: {  	s12 =	simm.s32 $0x680;
	[sflag:s15] =	ssyncadd.s32 $0xFFFF9C00  }
0x8a: {  	[tilespmem:s14], [sflag:$0x3] =	stream.indirect.gather.add.f32 [hbm:s3], $0x20, s12, s16, $0xb8;
	[tilespmem:$0x13640] =	vst v63  }
0x8b: {  	s13 =	simm.s32 $0x6E8  }
0x8c: {  	[tilespmem:s18], [sflag:$0x3] =	stream.indirect.gather.add.f32 [hbm:s3], $0x20, s13, s16, $0xb8;
	[tilespmem:$0x13640] =	vst v63  }
0x8d: {  	s12 =	simm.s32 $0x750  }
0x8e: {  	[tilespmem:s20], [sflag:$0x3] =	stream.indirect.gather.add.f32 [hbm:s3], $0x20, s12, s16, $0xb8;
	[tilespmem:$0x13640] =	vst v63  }
0x8f: {  	s13 =	simm.s32 $0x7B8  }
0x90: {  	[tilespmem:s22], [sflag:$0x3] =	stream.indirect.gather.add.f32 [hbm:s3], $0x20, s13, s16, $0xb8;
	[tilespmem:$0x13640] =	vst v63  }
0x91: {  	s12 =	simm.s32 $0x820  }
0x92: {  	[tilespmem:s24], [sflag:$0x3] =	stream.indirect.gather.add.f32 [hbm:s3], $0x20, s12, s16, $0xb8;
	[tilespmem:$0x13640] =	vst v63  }
0x93: {  	s13 =	simm.s32 $0x888  }
0x94: {  	[tilespmem:s26], [sflag:$0x3] =	stream.indirect.gather.add.f32 [hbm:s3], $0x20, s13, s16, $0xb8;
	[tilespmem:$0x13640] =	vst v63  }
0x95: {  	s12 =	simm.s32 $0x8F0  }
0x96: {  	[tilespmem:s29], [sflag:$0x3] =	stream.indirect.gather.add.f32 [hbm:s3], $0x20, s12, s16, $0xb8;
	[tilespmem:$0x13640] =	vst v63  }
0x97: {  	s13 =	simm.s32 $0x958  }
0x98: {  	[tilespmem:s31], [sflag:$0x3] =	stream.indirect.gather.add.f32 [hbm:s3], $0x20, s13, s16, $0xb8;
	[tilespmem:$0x13640] =	vst v63  }
0x99: {  	_ =	swait.ge [sflag:s8], $0x6400  }
0x9a: {  	[sflag:s8] =	ssyncset.done $0x0  }
0x9b: {  	s11 =	simm.s32 $0x1A00;
	s12 =	sadd.s32 $0x1900, s10;
	[sflag:s8] =	ssyncadd.s32 $0xFFFF9C00  }
.LBB2_2:
0x9c: {  	[tilespmem:s0], [sflag:$0x2] =	stream.linear.gather [spmem:s1], $0x6400, $0x38;
	[tilespmem:$0x13640] =	vst v63  }
0x9d: {  	s13 =	smov.u32 s11  }
0x9e: {  	p1 =	sne.s32 s11, $0x16C00;
	s11 =	sadd.s32 $0x1A00, s11;
	_ =	swait.ge [sflag:s17], $0xC80  }
0x9f: {  	[sflag:s17] =	ssyncset.done $0x0  }
0xa0: {  	[sflag:s17] =	ssyncadd.s32 $0xFFFFF380  }
0xa1: {  	_ =	swait.ge [sflag:s17], $0xC80  }
0xa2: {  	[sflag:s17] =	ssyncset.done $0x0  }
0xa3: {  	[sflag:s17] =	ssyncadd.s32 $0xFFFFF380  }
0xa4: {  	_ =	swait.ge [sflag:s17], $0xC80  }
0xa5: {  	[sflag:s17] =	ssyncset.done $0x0  }
0xa6: {  	[sflag:s17] =	ssyncadd.s32 $0xFFFFF380  }
0xa7: {  	_ =	swait.ge [sflag:s17], $0xC80  }
0xa8: {  	[sflag:s17] =	ssyncset.done $0x0  }
0xa9: {  	[sflag:s17] =	ssyncadd.s32 $0xFFFFF380  }
0xaa: {  	_ =	swait.ge [sflag:s17], $0xC80  }
0xab: {  	[sflag:s17] =	ssyncset.done $0x0  }
0xac: {  	[sflag:s17] =	ssyncadd.s32 $0xFFFFF380  }
0xad: {  	_ =	swait.ge [sflag:s17], $0xC80  }
0xae: {  	[sflag:s17] =	ssyncset.done $0x0  }
0xaf: {  	[sflag:s17] =	ssyncadd.s32 $0xFFFFF380  }
0xb0: {  	_ =	swait.ge [sflag:s17], $0xC80  }
0xb1: {  	[sflag:s17] =	ssyncset.done $0x0  }
0xb2: {  	[sflag:s17] =	ssyncadd.s32 $0xFFFFF380  }
0xb3: {  	_ =	swait.ge [sflag:s17], $0xC80  }
0xb4: {  	[sflag:s17] =	ssyncset.done $0x0  }
0xb5: {  	[sflag:s17] =	ssyncadd.s32 $0xFFFFF380  }
0xb6: {  	[hbm4b:s12+s2] =	stream.linear.scatter [tilespmem:s14], [sflag:$0x5], $0x6400, $0x38;
	[tilespmem:$0x13640] =	vst v63  }
0xb7: {  	_ =	swait.ge [sflag:s19], $0x6400  }
0xb8: {  	s13 =	sshra.s32 s13, $0x2;
	[sflag:s19] =	ssyncset.done $0x0  }
0xb9: {  	s10 =	sadd.s32 $0x340, s13;
	[sflag:s19] =	ssyncadd.s32 $0xFFFF9C00  }
0xba: {  	[tilespmem:s0], [sflag:$0x4] =	stream.indirect.gather.add.f32 [hbm:s3], $0x20, s10, s16, $0xb8;
	[tilespmem:$0x13640] =	vst v63  }
0xbb: {  	s10 =	sadd.s32 $0x3A8, s13  }
0xbc: {  	[tilespmem:s21], [sflag:$0x4] =	stream.indirect.gather.add.f32 [hbm:s3], $0x20, s10, s16, $0xb8;
	[tilespmem:$0x13640] =	vst v63  }
0xbd: {  	s10 =	sadd.s32 $0x410, s13  }
0xbe: {  	[tilespmem:s23], [sflag:$0x4] =	stream.indirect.gather.add.f32 [hbm:s3], $0x20, s10, s16, $0xb8;
	[tilespmem:$0x13640] =	vst v63  }
0xbf: {  	s10 =	sadd.s32 $0x478, s13  }
0xc0: {  	[tilespmem:s25], [sflag:$0x4] =	stream.indirect.gather.add.f32 [hbm:s3], $0x20, s10, s16, $0xb8;
	[tilespmem:$0x13640] =	vst v63  }
0xc1: {  	s10 =	sadd.s32 $0x4E0, s13  }
0xc2: {  	[tilespmem:s28], [sflag:$0x4] =	stream.indirect.gather.add.f32 [hbm:s3], $0x20, s10, s16, $0xb8;
	[tilespmem:$0x13640] =	vst v63  }
0xc3: {  	s10 =	sadd.s32 $0x548, s13  }
0xc4: {  	[tilespmem:s30], [sflag:$0x4] =	stream.indirect.gather.add.f32 [hbm:s3], $0x20, s10, s16, $0xb8;
	[tilespmem:$0x13640] =	vst v63  }
0xc5: {  	s10 =	sadd.s32 $0x5B0, s13  }
0xc6: {  	[tilespmem:s4], [sflag:$0x4] =	stream.indirect.gather.add.f32 [hbm:s3], $0x20, s10, s16, $0xb8;
	[tilespmem:$0x13640] =	vst v63  }
0xc7: {  	s10 =	sadd.s32 $0x618, s13  }
0xc8: {  	[tilespmem:s5], [sflag:$0x4] =	stream.indirect.gather.add.f32 [hbm:s3], $0x20, s10, s16, $0xb8;
	[tilespmem:$0x13640] =	vst v63  }
0xc9: {  	_ =	swait.ge [sflag:s6], $0x6400  }
0xca: {  	[sflag:s6] =	ssyncset.done $0x0  }
0xcb: {  	[sflag:s6] =	ssyncadd.s32 $0xFFFF9C00  }
0xcc: {  	[tilespmem:s14], [sflag:$0x1] =	stream.linear.gather [spmem:s1], $0x6400, $0x38;
	[tilespmem:$0x13640] =	vst v63  }
0xcd: {  	_ =	swait.ge [sflag:s7], $0xC80  }
0xce: {  	[sflag:s7] =	ssyncset.done $0x0  }
0xcf: {  	[sflag:s7] =	ssyncadd.s32 $0xFFFFF380  }
0xd0: {  	_ =	swait.ge [sflag:s7], $0xC80  }
0xd1: {  	[sflag:s7] =	ssyncset.done $0x0  }
0xd2: {  	[sflag:s7] =	ssyncadd.s32 $0xFFFFF380  }
0xd3: {  	_ =	swait.ge [sflag:s7], $0xC80  }
0xd4: {  	[sflag:s7] =	ssyncset.done $0x0  }
0xd5: {  	[sflag:s7] =	ssyncadd.s32 $0xFFFFF380  }
0xd6: {  	_ =	swait.ge [sflag:s7], $0xC80  }
0xd7: {  	[sflag:s7] =	ssyncset.done $0x0  }
0xd8: {  	[sflag:s7] =	ssyncadd.s32 $0xFFFFF380  }
0xd9: {  	_ =	swait.ge [sflag:s7], $0xC80  }
0xda: {  	[sflag:s7] =	ssyncset.done $0x0  }
0xdb: {  	[sflag:s7] =	ssyncadd.s32 $0xFFFFF380  }
0xdc: {  	_ =	swait.ge [sflag:s7], $0xC80  }
0xdd: {  	[sflag:s7] =	ssyncset.done $0x0  }
0xde: {  	[sflag:s7] =	ssyncadd.s32 $0xFFFFF380  }
0xdf: {  	_ =	swait.ge [sflag:s7], $0xC80  }
0xe0: {  	[sflag:s7] =	ssyncset.done $0x0  }
0xe1: {  	[sflag:s7] =	ssyncadd.s32 $0xFFFFF380  }
0xe2: {  	_ =	swait.ge [sflag:s7], $0xC80  }
0xe3: {  	[sflag:s7] =	ssyncset.done $0x0  }
0xe4: {  	s10 =	sadd.s32 $0xC80, s12;
	[sflag:s7] =	ssyncadd.s32 $0xFFFFF380  }
0xe5: {  	[hbm4b:s10+s2] =	stream.linear.scatter [tilespmem:s0], [sflag:$0x6], $0x6400, $0x38;
	[tilespmem:$0x13640] =	vst v63  }
0xe6: {  	_ =	swait.ge [sflag:s15], $0x6400  }
0xe7: {  	[sflag:s15] =	ssyncset.done $0x0  }
0xe8: {  	s10 =	sadd.s32 $0x680, s13;
	[sflag:s15] =	ssyncadd.s32 $0xFFFF9C00  }
0xe9: {  	[tilespmem:s14], [sflag:$0x3] =	stream.indirect.gather.add.f32 [hbm:s3], $0x20, s10, s16, $0xb8;
	[tilespmem:$0x13640] =	vst v63  }
0xea: {  	s10 =	sadd.s32 $0x6E8, s13  }
0xeb: {  	[tilespmem:s18], [sflag:$0x3] =	stream.indirect.gather.add.f32 [hbm:s3], $0x20, s10, s16, $0xb8;
	[tilespmem:$0x13640] =	vst v63  }
0xec: {  	s10 =	sadd.s32 $0x750, s13  }
0xed: {  	[tilespmem:s20], [sflag:$0x3] =	stream.indirect.gather.add.f32 [hbm:s3], $0x20, s10, s16, $0xb8;
	[tilespmem:$0x13640] =	vst v63  }
0xee: {  	s10 =	sadd.s32 $0x7B8, s13  }
0xef: {  	[tilespmem:s22], [sflag:$0x3] =	stream.indirect.gather.add.f32 [hbm:s3], $0x20, s10, s16, $0xb8;
	[tilespmem:$0x13640] =	vst v63  }
0xf0: {  	s10 =	sadd.s32 $0x820, s13  }
0xf1: {  	[tilespmem:s24], [sflag:$0x3] =	stream.indirect.gather.add.f32 [hbm:s3], $0x20, s10, s16, $0xb8;
	[tilespmem:$0x13640] =	vst v63  }
0xf2: {  	s10 =	sadd.s32 $0x888, s13  }
0xf3: {  	[tilespmem:s26], [sflag:$0x3] =	stream.indirect.gather.add.f32 [hbm:s3], $0x20, s10, s16, $0xb8;
	[tilespmem:$0x13640] =	vst v63  }
0xf4: {  	s10 =	sadd.s32 $0x8F0, s13  }
0xf5: {  	[tilespmem:s29], [sflag:$0x3] =	stream.indirect.gather.add.f32 [hbm:s3], $0x20, s10, s16, $0xb8;
	[tilespmem:$0x13640] =	vst v63  }
.Ltmp0:
0xf6: {  	s10 =	sadd.s32 $0x958, s13;
	(pc) =	sbr.rel @p1 .LBB2_2-.Ltmp0, $4  }
0xf7: {  	[tilespmem:s31], [sflag:$0x3] =	stream.indirect.gather.add.f32 [hbm:s3], $0x20, s10, s16, $0xb8;
	[tilespmem:$0x13640] =	vst v63  }
0xf8: {  	_ =	swait.ge [sflag:s8], $0x6400  }
0xf9: {  	[sflag:s8] =	ssyncset.done $0x0  }
0xfa: {  	s12 =	sadd.s32 $0x1900, s12;
	[sflag:s8] =	ssyncadd.s32 $0xFFFF9C00  }
0xfb: {  	[tilespmem:s0], [sflag:$0x2] =	stream.linear.gather [spmem:s1], $0x6400, $0x38;
	[tilespmem:$0x13640] =	vst v63  }
0xfc: {  	_ =	swait.ge [sflag:s17], $0xC80  }
0xfd: {  	[sflag:s17] =	ssyncset.done $0x0  }
0xfe: {  	[sflag:s17] =	ssyncadd.s32 $0xFFFFF380  }
0xff: {  	_ =	swait.ge [sflag:s17], $0xC80  }
0x100: {  	[sflag:s17] =	ssyncset.done $0x0  }
0x101: {  	[sflag:s17] =	ssyncadd.s32 $0xFFFFF380  }
0x102: {  	_ =	swait.ge [sflag:s17], $0xC80  }
0x103: {  	[sflag:s17] =	ssyncset.done $0x0  }
0x104: {  	[sflag:s17] =	ssyncadd.s32 $0xFFFFF380  }
0x105: {  	_ =	swait.ge [sflag:s17], $0xC80  }
0x106: {  	[sflag:s17] =	ssyncset.done $0x0  }
0x107: {  	[sflag:s17] =	ssyncadd.s32 $0xFFFFF380  }
0x108: {  	_ =	swait.ge [sflag:s17], $0xC80  }
0x109: {  	[sflag:s17] =	ssyncset.done $0x0  }
0x10a: {  	[sflag:s17] =	ssyncadd.s32 $0xFFFFF380  }
0x10b: {  	_ =	swait.ge [sflag:s17], $0xC80  }
0x10c: {  	[sflag:s17] =	ssyncset.done $0x0  }
0x10d: {  	[sflag:s17] =	ssyncadd.s32 $0xFFFFF380  }
0x10e: {  	_ =	swait.ge [sflag:s17], $0xC80  }
0x10f: {  	[sflag:s17] =	ssyncset.done $0x0  }
0x110: {  	[sflag:s17] =	ssyncadd.s32 $0xFFFFF380  }
0x111: {  	_ =	swait.ge [sflag:s17], $0xC80  }
0x112: {  	[sflag:s17] =	ssyncset.done $0x0  }
0x113: {  	s10 =	rddreg [dreg:$0x7];
	[sflag:s17] =	ssyncadd.s32 $0xFFFFF380  }
0x114: {  	[hbm4b:s10+s2] =	stream.linear.scatter [tilespmem:s14], [sflag:$0x5], $0x6400, $0x38;
	[tilespmem:$0x13640] =	vst v63  }
0x115: {  	_ =	swait.ge [sflag:s19], $0x6400  }
0x116: {  	[sflag:s19] =	ssyncset.done $0x0  }
0x117: {  	s13 =	simm.s32 $0x64C0;
	[sflag:s19] =	ssyncadd.s32 $0xFFFF9C00  }
0x118: {  	[tilespmem:s0], [sflag:$0x4] =	stream.indirect.gather.add.f32 [hbm:s3], $0x20, s13, s16, $0xb8;
	[tilespmem:$0x13640] =	vst v63  }
0x119: {  	s11 =	simm.s32 $0x6528  }
0x11a: {  	[tilespmem:s21], [sflag:$0x4] =	stream.indirect.gather.add.f32 [hbm:s3], $0x20, s11, s16, $0xb8;
	[tilespmem:$0x13640] =	vst v63  }
0x11b: {  	s12 =	simm.s32 $0x6590  }
0x11c: {  	[tilespmem:s23], [sflag:$0x4] =	stream.indirect.gather.add.f32 [hbm:s3], $0x20, s12, s16, $0xb8;
	[tilespmem:$0x13640] =	vst v63  }
0x11d: {  	s13 =	simm.s32 $0x65F8  }
0x11e: {  	[tilespmem:s25], [sflag:$0x4] =	stream.indirect.gather.add.f32 [hbm:s3], $0x20, s13, s16, $0xb8;
	[tilespmem:$0x13640] =	vst v63  }
0x11f: {  	s11 =	simm.s32 $0x6660  }
0x120: {  	[tilespmem:s28], [sflag:$0x4] =	stream.indirect.gather.add.f32 [hbm:s3], $0x20, s11, s16, $0xb8;
	[tilespmem:$0x13640] =	vst v63  }
0x121: {  	s12 =	simm.s32 $0x66C8  }
0x122: {  	[tilespmem:s30], [sflag:$0x4] =	stream.indirect.gather.add.f32 [hbm:s3], $0x20, s12, s16, $0xb8;
	[tilespmem:$0x13640] =	vst v63  }
0x123: {  	s13 =	simm.s32 $0x6730  }
0x124: {  	[tilespmem:s4], [sflag:$0x4] =	stream.indirect.gather.add.f32 [hbm:s3], $0x20, s13, s16, $0xb8;
	[tilespmem:$0x13640] =	vst v63  }
0x125: {  	s11 =	simm.s32 $0x6798  }
0x126: {  	[tilespmem:s5], [sflag:$0x4] =	stream.indirect.gather.add.f32 [hbm:s3], $0x20, s11, s16, $0xb8;
	[tilespmem:$0x13640] =	vst v63  }
0x127: {  	_ =	swait.ge [sflag:s6], $0x6400  }
0x128: {  	[sflag:s6] =	ssyncset.done $0x0  }
0x129: {  	[sflag:s6] =	ssyncadd.s32 $0xFFFF9C00  }
0x12a: {  	_ =	swait.ge [sflag:s7], $0xC80  }
0x12b: {  	[sflag:s7] =	ssyncset.done $0x0  }
0x12c: {  	[sflag:s7] =	ssyncadd.s32 $0xFFFFF380  }
0x12d: {  	_ =	swait.ge [sflag:s7], $0xC80  }
0x12e: {  	[sflag:s7] =	ssyncset.done $0x0  }
0x12f: {  	[sflag:s7] =	ssyncadd.s32 $0xFFFFF380  }
0x130: {  	_ =	swait.ge [sflag:s7], $0xC80  }
0x131: {  	[sflag:s7] =	ssyncset.done $0x0  }
0x132: {  	[sflag:s7] =	ssyncadd.s32 $0xFFFFF380  }
0x133: {  	_ =	swait.ge [sflag:s7], $0xC80  }
0x134: {  	[sflag:s7] =	ssyncset.done $0x0  }
0x135: {  	[sflag:s7] =	ssyncadd.s32 $0xFFFFF380  }
0x136: {  	_ =	swait.ge [sflag:s7], $0xC80  }
0x137: {  	[sflag:s7] =	ssyncset.done $0x0  }
0x138: {  	[sflag:s7] =	ssyncadd.s32 $0xFFFFF380  }
0x139: {  	_ =	swait.ge [sflag:s7], $0xC80  }
0x13a: {  	[sflag:s7] =	ssyncset.done $0x0  }
0x13b: {  	[sflag:s7] =	ssyncadd.s32 $0xFFFFF380  }
0x13c: {  	_ =	swait.ge [sflag:s7], $0xC80  }
0x13d: {  	[sflag:s7] =	ssyncset.done $0x0  }
0x13e: {  	[sflag:s7] =	ssyncadd.s32 $0xFFFFF380  }
0x13f: {  	_ =	swait.ge [sflag:s7], $0xC80  }
0x140: {  	[sflag:s7] =	ssyncset.done $0x0  }
0x141: {  	s12 =	rddreg [dreg:$0x8];
	[sflag:s7] =	ssyncadd.s32 $0xFFFFF380  }
0x142: {  	[hbm4b:s12+s2] =	stream.linear.scatter [tilespmem:s0], [sflag:$0x6], $0x6400, $0x38;
	[tilespmem:$0x13640] =	vst v63  }
0x143: {  	_ =	swait.ge [sflag:s8], $0x6400  }
0x144: {  	s9 =	sadd.s32 $0x1, s9;
	s13 =	rddreg [dreg:$0x9]  }
0x145: {  	p1 =	sne.s32 s9, s13  }
.Ltmp1:
0x146: {  	_ = 	snop;
	(pc) =	sbr.rel @p1 .LBB2_1-.Ltmp1, $3  }
0x147: {  	_ =	sdelay $0x1  }
0x148: {  	[sflag:s8] =	ssyncset.done $0x0  }
0x149: {  	[sflag:s8] =	ssyncadd.s32 $0xFFFF9C00  }
0x14a: {  	_ =	sfence.sel $0x180000  }
0x14b: {  	[bflag:$0x0] =	sbarrier.arrive $0xFFFF  }
0x14c: {  	_ =	strace $0x90000047  }
0x14d: {  	[bflag:$0x2] =	sbarrier.arrive $0xFFFF  }
0x14e: {  	s0 =	rddreg [dreg:$0x3]  }
0x14f: {  	s0 =	sadd.s32 @!p0 $0x100000, s0  }
0x150: {  	[sflag:s0] =	ssyncadd.tile.s32 @!p0 $0x1;
	_ =	shalt  }
.Lfunc_end2:
_tile_overlayer_lowered:
.L_overlay_start_2:
0x151: {  	(tag) =	ssettag $0x2  }
0x152: {  	s0 =	rddreg [dreg:$0x0];
	s2 =	stileid.u32  }
0x153: {  	s1 =	rddreg [dreg:$0x1];
	p0 =	sne.s32 s2, $0x0  }
0x154: {  	s3 =	rddreg [dreg:$0x2];
	[bflag:$0x3] =	sbarrier.arrive $0xFFFF;
	s2 =	simm.s32 @!p0 $0x1C08  }
0x155: {  	[timem:s3], [sflag:s2] =	dma.local @!p0 [hbm:s0], s1  }
0x156: {  	s0 =	simm.s32 @!p0 $0x8  }
0x157: {  	_ =	swait.ge @!p0 [sflag:s0], s1  }
0x158: {  	s1 =	ssub.s32 @!p0 $0x0, s1;
	[sflag:s0] =	ssyncset.done @!p0 $0x0  }
0x159: {  	[sflag:s0] =	ssyncadd.s32 @!p0 s1  }
0x15a: {  	[bflag:$0x3] =	sbarrier.arrive $0xFFFF  }
0x15b: {  	_ =	shalt  }

// kernel: sparse-core-data-format-call.cloned.1.call-start
scs
called_computation_lowered:
.L_overlay_start_0:
0x0: {  	s2 =	sld [smem:$0x3FD9]  }
0x1: {  	s3 =	sld [smem:$0x3FFE];
	_ =	sdelay $0x1  }
0x2: {  	s1 =	srdreg.scid  }
0x3: {  	s0 =	sand.u32 $0x1, s1  }
0x4: {  	s18 =	sshll.u32 s0, $0xA;
	s2 =	sadd.s32 s3, s2  }
0x5: {  	s2 =	sadd.s32 s2, s18  }
0x6: {  	[smem:$0x3FC5] =	sst s2  }
0x7: {  	_ = 	snop  }
0x8: {  	s2 =	sld [smem:$0x3FD0];
	(tm) =	ssettm $0x1  }
0x9: {  	s19 =	sld [smem:$0x3FFB];
	_ =	sdelay $0x3  }
0xa: {  	_ =	strace s19  }
0xb: {  	s3 =	sld [smem:$0x3FFC];
	_ =	sdelay $0x3  }
0xc: {  	_ =	strace s3  }
0xd: {  	s3 =	sld [smem:$0x3FFD];
	_ =	sdelay $0x3  }
0xe: {  	_ =	strace s3  }
0xf: {  	_ =	strace $0x8FFFFFFF  }
0x10: {  	s20 =	sld [smem:$0x3FDB];
	_ =	sdelay $0x1  }
0x11: {  	s4 =	simm.s32 $_scs_section_size  }
0x12: {  	s5 =	simm.s32 $_size__tile_overlayer_lowered;
	s6 =	simm.s32 $_tile_overlayer_lowered  }
0x13: {  	s23 =	simm.s32 $0x1BFF;
	s22 =	sshll.u32 s6, $0x1;
	s3 =	sadd.s32 s4, s20  }
0x14: {  	s7 =	simm.s32 $0x0;
	s21 =	sshll.u32 s5, $0x1;
	s5 =	sadd.s32 s22, s3  }
0x15: {  	[timem:s7], [sflag:s23] =	dma.local [hbm:s5], s21  }
0x16: {  	_ =	swait.ge [sflag:s23], s21  }
0x17: {  	s4 =	ssub.s32 $0x0, s21;
	[sflag:s23] =	ssyncset.done $0x0  }
0x18: {  	[sflag:s23] =	ssyncadd.s32 s4;
	_ =	sdelay $0x1  }
0x19: {  	s24 =	simm.s32 $0x1B8B  }
0x1a: {  	_ =	swait.ge [sflag:s24], $0x1  }
0x1b: {  	[sflag:s24] =	ssyncset.done $0x0  }
0x1c: {  	s26 =	simm.s32 $0x1B8E;
	s25 =	sld [smem:$0x3FFE];
	[sflag:s24] =	ssyncadd.s32 $0xFFFFFFFF  }
0x1d: {  	s27 =	simm.s32 $execute0_lowered;
	[smem:$0x3FD2] =	sst s26  }
0x1e: {  	s5 =	sshll.u32 s27, $0x1;
	_ =	strace $0x80000049;
	[dreg:$0x1] =	wrdreg $0xFFFFFFFF  }
0x1f: {  	s28 =	simm.s32 $_size_execute0_lowered;
	s3 =	sadd.s32 s3, s5;
	[dreg:$0x0] =	wrdreg $0x0  }
0x20: {  	s5 =	sshll.u32 s28, $0x1;
	[dreg:$0x2] =	wrdreg s3  }
0x21: {  	[dreg:$0x3] =	wrdreg s5  }
0x22: {  	[dreg:$0x4] =	wrdreg $0xC0  }
0x23: {  	_ =	task [dreg:s7], $0x5FFFF  }
0x24: {  	[dreg:$0x1] =	wrdreg $0xFFFFFFFF  }
0x25: {  	[dreg:$0x0] =	wrdreg $0x60  }
0x26: {  	[dreg:$0x2] =	wrdreg s25  }
0x27: {  	[dreg:$0x3] =	wrdreg s2  }
0x28: {  	[dreg:$0x4] =	wrdreg $0x9  }
0x29: {  	_ =	task.clear_ibuf [dreg:s7], $0x5FFFF;
	_ =	strace $0x90000049  }
0x2a: {  	s29 =	simm.s32 $0x9;
	_ =	strace $0x8000004B  }
0x2b: {  	_ =	swait.ge [sflag:s29], $0x1  }
0x2c: {  	[sflag:s29] =	ssyncadd.s32 $0xFFFFFFFF  }
0x2d: {  	_ =	strace $0x9000004B  }
0x2e: {  	_ =	sfence  }
0x2f: {  	s30 =	sld [smem:$0x0];
	_ =	sdelay $0x2  }
0x30: {  	s31 =	sshll.u32 s1, $0xD;
	s1 =	sshrl.u32 s1, $0x2  }
0x31: {  	s3 =	sand.u32 $0x4000, s31;
	s1 =	sadd.s32 s1, s30  }
0x32: {  	s0 =	sor.u32 s3, s0;
	s1 =	sshll.u32 s1, $0x11  }
0x33: {  	s0 =	sor.u32 s1, s0  }
0x34: {  	s0 =	sadd.s32 $0x8F2B, s0  }
0x35: {  	[sflag:s0] =	ssyncadd.remote.s32 $0x1  }
0x36: {  	_ =	sfence.sel $0xFFFF  }
0x37: {  	[dreg:$0x0] =	wrdreg $0xFFFFFFFF;
	(pc) =	sbr.abs _section_cstart, $3  }
0x38: {  	[dreg:$0x1] =	wrdreg $0xFFFFFFFF  }
0x39: {  	_ =	task.clear_ibuf [dreg:s7], $0x2FFFF;
	_ =	strace $0x9FFFFFFF  }
0x3a: {  	(tm) =	ssettm $0x7FFFFFFF  }
0x3b: {  	_ =	shalt  }
tec
execute0_lowered:
.L_overlay_start_1:
0x0: {  	(tag) =	ssettag $0x1  }
0x1: {  	s0 =	srdreg.scid  }
0x2: {  	s1 =	sshll.u32 s0, $0x4  }
0x3: {  	s4 =	rddreg [dreg:$0x0];
	s0 =	stileid.u32;
	s1 =	sand.u32 $0x10, s1  }
0x4: {  	s2 =	rddreg [dreg:$0x1];
	s7 =	simm.s32 $0x1;
	s1 =	sor.u32 s0, s1  }
0x5: {  	s8 =	simm.s32 $0x2;
	s11 =	simm.s32 $0x0;
	s3 =	sshll.u32 s1, $0x7  }
0x6: {  	s10 =	simm.s32 $0x0;
	s4 =	sadd.s32 $0xC00, s4;
	s6 =	ssub.s32 $0xC8000, s3  }
.Ltmp0:
0x7: {  	s1 =	rddreg [dreg:$0x2];
	s5 =	sand.u32 $0xF80, s6;
	(pc) =	sbr.rel .LBB1_1-.Ltmp0, $4  }
0x8: {  	_ =	strace $0x8000004A;
	s9 =	smov.u32 s3;
	p0 =	sne.s32 s5, $0x0  }
0x9: {  	s6 =	sshrl.u32 s6, $0xC;
	s5 =	simm.s32 $0x1;
	s7 =	simm.s32 @!p0 $0x0  }
0xa: {  	[sflag:s5] =	ssyncpa.u1 $0x0;
	p0 =	por $0x0, $0x0;
	s6 =	sadd.s32 s7, s6  }
0xb: {  	[sflag:s8] =	ssyncpa.u1 $0x0;
	s8 =	simm.s32 $0x640000;
	s7 =	sadd.s32 $0x1, s6  }
.LBB1_4:
0xc: {  	s14 =	sshll.u32 s11, $0x3  }
0xd: {  	s30 =	sand.u32 $0x7F, s11;
	s15 =	sand.u32 $0xFFFFFC00, s14  }
0xe: {  	s11 =	sor.u32 s30, s15  }
0xf: {  	s15 =	smulhi.u32 $0x51EB851F, s11  }
0x10: {  	s14 =	smulhi.u32 $0x51EB851F, s14  }
0x11: {  	s15 =	sshrl.u32 s15, $0x12  }
0x12: {  	s14 =	sshrl.u32 s14, $0x12;
	s15 =	smul.u32 $0xC8000, s15  }
0x13: {  	s14 =	sand.u32 $0x1F, s14  }
0x14: {  	s14 =	smul.u32 $0x19000, s14;
	s11 =	ssub.s32 s11, s15  }
0x15: {  	s15 =	sand.u32 $0x7, s11  }
0x16: {  	s14 =	sadd.s32 s2, s14;
	s11 =	sshrl.u32 s11, $0x3;
	s15 =	sshll.u32 s15, $0x12  }
0x17: {  	[tilespmem:s13+$0x0 ss:$0x81] =	vst.msk $0xffff, v0;
	s11 =	sadd.s32 s11, s14;
	s31 =	sor.u32 $0x400, s15  }
0x18: {  	[hbm4b:s11+s31] =	stream.strided.scatter [tilespmem:s12], [sflag:$0x2], $0x1000, s8, s31, $0x20;
	[tilespmem:$0x4040] =	vst v63  }
.LBB1_5:
0x19: {  	s13 =	sadd.s32 $0x1000, s9  }
0x1a: {  	p2 =	sgt.s32 s13, $0xC7FFF  }
0x1b: {  	s13 =	smov.u32 @p2 s3;
	p2 =	sne.s32 s10, s7  }
.Ltmp1:
0x1c: {  	p1 =	slt.u32 s10, $0x2;
	(pc) =	sbr.rel @!p2 .LBB1_6-.Ltmp1, $4  }
0x1d: {  	s12 =	simm.s32 @!p1 $0x2  }
0x1e: {  	s14 =	sadd.s32 $0x1, s10;
	_ =	swait.ge @!p1 [sflag:s12], $0x1000  }
0x1f: {  	s11 =	smov.u32 s9;
	p0 =	por !p0, !p0;
	[sflag:s12] =	ssyncset.done @!p1 $0x0  }
0x20: {  	s10 =	smov.u32 s14;
	s9 =	smov.u32 s13;
	[sflag:s12] =	ssyncadd.s32 @!p1 $0xFFFFF000  }
.LBB1_1:
0x21: {  	p1 =	sge.u32 s10, s6  }
0x22: {  	s12 =	sand.u32 @!p1 $0x1FFFFFF, s9  }
0x23: {  	s13 =	smulhi.u32 @!p1 $0x147AE15, s12;
	_ =	sdelay $0x1  }
0x24: {  	s13 =	sshrl.u32 @!p1 s13, $0xC  }
0x25: {  	s13 =	smul.u32 @!p1 $0xC8000, s13;
	_ =	sdelay $0x1  }
0x26: {  	s31 =	sadd.s32 $0xFFFFFFFF, s10;
	s14 =	sxor.u32 @!p1 $0xFFFFFFFF, s10;
	s12 =	ssub.s32 @!p1 s12, s13  }
0x27: {  	s15 =	simm.s32 @!p1 $0x80;
	s14 =	sshll.u32 @!p1 s14, $0xC;
	s12 =	sshll.u32 @!p1 s12, $0x4  }
0x28: {  	s13 =	sand.u32 @!p1 $0x1000, s14;
	s14 =	simm.s32 @!p1 $0x20;
	s12 =	sadd.s32 @!p1 s4, s12  }
0x29: {  	[tilespmem:s13], [sflag:$0x1] =	stream.strided.gather @!p1 [hbm4b:s12+s14], $0x1000, s15, s14, $0x38;
	[tilespmem:$0x4040] =	vst v63  }
0x2a: {  	p1 =	sge.u32 s31, s6  }
.Ltmp2:
0x2b: {  	_ = 	snop;
	(pc) =	sbr.rel @p1 .LBB1_5-.Ltmp2, $1  }
0x2c: {  	_ =	sdelay $0x3  }
0x2d: {  	s12 =	simm.s32 $0x1  }
0x2e: {  	_ =	swait.ge [sflag:s5], $0x1000;
	s12 =	simm.s32 @!p0 $0x0  }
0x2f: {  	[sflag:s5] =	ssyncset.done $0x0;
	s13 =	sshll.u32 s12, $0xC  }
0x30: {  	[sflag:s5] =	ssyncadd.s32 $0xFFFFF000;
	s16 =	sor.u32 $0x10, s13  }
0x31: {  	s12 =	smul.u32 $0x4080, s12;
	v1 =	vld [tilespmem:s16+$0x0]  }
0x32: {  	s30 =	sand.u32 $0x1, s10;
	v0 =	vld [tilespmem:s16+$0xFFFFFFF0]  }
0x33: {  	s13 =	smul.u32 $0x4080, s30;
	s12 =	sshrl.u32 s12, $0x2  }
0x34: {  	s14 =	sor.u32 $0x2000, s12  }
0x35: {  	s31 =	sshrl.u32 s13, $0x2;
	s13 =	sadd.s32 $0x0, s14  }
0x36: {  	s15 =	simm.s32 $0x4;
	s16 =	sadd.s32 $0x20, s16;
	s12 =	sor.u32 $0x2000, s31;
	[tilespmem:s13+$0x810 ss:$0x81] =	vst.msk $0xffff, v1  }
.LBB1_3:
0x37: {  	v1 =	vld [tilespmem:s16+$0x0];
	p1 =	sne.s32 s15, $0x1FC;
	[tilespmem:s13+$0x0 ss:$0x81] =	vst.msk $0xffff, v0;
	s13 =	smov.u32 s15;
	s15 =	sadd.s32 $0x4, s15  }
.Ltmp3:
0x38: {  	v0 =	vld [tilespmem:s16+$0xFFFFFFF0];
	(pc) =	sbr.rel @p1 .LBB1_3-.Ltmp3, $4  }
0x39: {  	_ = 	snop  }
0x3a: {  	s13 =	sshra.s32 s13, $0x2  }
0x3b: {  	s13 =	sadd.s32 s13, s14  }
0x3c: {  	s16 =	sadd.s32 $0x20, s16;
	[tilespmem:s13+$0x810 ss:$0x81] =	vst.msk $0xffff, v1  }
.Ltmp4:
0x3d: {  	_ = 	snop;
	(pc) =	sbr.rel .LBB1_4-.Ltmp4, $1  }
0x3e: {  	_ =	sdelay $0x3  }
.LBB1_6:
0x3f: {  	_ =	sfence.sel $0x180000  }
0x40: {  	s2 =	simm.s32 $0x1;
	[bflag:$0x0] =	sbarrier.arrive $0xFFFF  }
0x41: {  	s31 =	simm.s32 $0x2;
	[sflag:s2] =	ssyncpa.u1 $0x1  }
0x42: {  	[sflag:s31] =	ssyncpa.u1 $0x1  }
0x43: {  	p0 =	sne.s32 s0, $0x0;
	_ =	strace $0x9000004A  }
0x44: {  	s0 =	sadd.s32 @!p0 $0x100000, s1;
	[bflag:$0x2] =	sbarrier.arrive $0xFFFF  }
0x45: {  	[sflag:s0] =	ssyncadd.tile.s32 @!p0 $0x1;
	_ =	shalt  }
.Lfunc_end1:
_tile_overlayer_lowered:
.L_overlay_start_2:
0x46: {  	(tag) =	ssettag $0x2  }
0x47: {  	s0 =	rddreg [dreg:$0x0];
	s2 =	stileid.u32  }
0x48: {  	s1 =	rddreg [dreg:$0x1];
	p0 =	sne.s32 s2, $0x0  }
0x49: {  	s3 =	rddreg [dreg:$0x2];
	[bflag:$0x3] =	sbarrier.arrive $0xFFFF;
	s2 =	simm.s32 @!p0 $0x1C01  }
0x4a: {  	[timem:s3], [sflag:s2] =	dma.local @!p0 [hbm:s0], s1  }
0x4b: {  	s0 =	simm.s32 @!p0 $0x1  }
0x4c: {  	_ =	swait.ge @!p0 [sflag:s0], s1  }
0x4d: {  	s1 =	ssub.s32 @!p0 $0x0, s1;
	[sflag:s0] =	ssyncset.done @!p0 $0x0  }
0x4e: {  	[sflag:s0] =	ssyncadd.s32 @!p0 s1  }
0x4f: {  	[bflag:$0x3] =	sbarrier.arrive $0xFFFF  }
0x50: {  	_ =	shalt  }

</sc_bundles>
